<compile_context>
chip_gen: v7x
topology: tpu7x:2x2x1
jax: 0.10.2.dev20260603
libtpu: 0.0.44.dev20260713+nightly
codegen_flags: <defaults>
</compile_context>

<pallas_src>
import jax
import jax.numpy as jnp
from jax import lax
from jax.experimental import pallas as pl
from jax.experimental.pallas import tpu as pltpu
from jax.experimental.pallas import tpu_sc as plsc

NUM_CORES = 2
NUM_SUBCORES = 16
LANES = 16
NW = NUM_CORES * NUM_SUBCORES

IDX_CHUNK = 128


def _make_sc_kernel(B, D, E, S):
    assert B % NW == 0
    bpw = B // NW
    n_chunks = bpw // IDX_CHUNK
    n_groups = bpw // LANES
    mesh = plsc.VectorSubcoreMesh(core_axis_name="c", subcore_axis_name="s")

    def body(pairs_hbm, ew_hbm, sw_hbm, out_hbm,
             eflat_v, eidx_v, sidx_v, erows_v, stab_v, out_v, sem):
        wid = lax.axis_index("s") * NUM_CORES + lax.axis_index("c")
        base = wid * bpw
        lane = lax.iota(jnp.int32, LANES)

        stab_cp = pltpu.async_copy(sw_hbm, stab_v, sem)

        pltpu.sync_copy(pairs_hbm.at[0, pl.ds(base, bpw)], eflat_v)
        pltpu.sync_copy(pairs_hbm.at[1, pl.ds(base, bpw)], sidx_v)

        for c in range(bpw // LANES):
            sl = pl.ds(c * LANES, LANES)
            ei = jnp.minimum(jnp.maximum(eflat_v[sl], 0), E - 1)
            row, off = divmod(c * LANES, IDX_CHUNK)
            eidx_v[row, pl.ds(off, LANES)] = ei
            sidx_v[sl] = jnp.minimum(jnp.maximum(sidx_v[sl], 0), S - 1)

        copies = []
        for j in range(n_chunks):
            dst = pl.ds(j * IDX_CHUNK, IDX_CHUNK)
            copies.append(pltpu.async_copy(ew_hbm.at[eidx_v.at[j]], erows_v.at[dst], sem))
        for cp in copies:
            cp.wait()
        stab_cp.wait()

        def g_body(g, carry):
            r = g * LANES + lane
            sid = sidx_v[pl.ds(g * LANES, LANES)]
            acc = jnp.zeros((LANES,), jnp.float32)
            for d in range(D):
                dv = jnp.full((LANES,), d, jnp.int32)
                ev = plsc.load_gather(erows_v, [r, dv])
                sv = plsc.load_gather(stab_v, [dv, sid])
                acc = acc + ev * sv
            out_v[pl.ds(g * LANES, LANES)] = 1.0 / (1.0 + jnp.exp(-acc))
            return carry

        lax.fori_loop(0, n_groups, g_body, 0)
        pltpu.sync_copy(out_v, out_hbm.at[pl.ds(base, bpw)])

    return pl.kernel(
        body,
        out_type=jax.ShapeDtypeStruct((B,), jnp.float32),
        mesh=mesh,
        compiler_params=pltpu.CompilerParams(
            needs_layout_passes=False, use_tc_tiling_on_sc=False),
        scratch_types=[
            pltpu.VMEM((bpw,), jnp.int32),
            pltpu.VMEM((n_chunks, IDX_CHUNK), jnp.int32),
            pltpu.VMEM((bpw,), jnp.int32),
            pltpu.VMEM((bpw, D), jnp.float32),
            pltpu.VMEM((D, S), jnp.float32),
            pltpu.VMEM((bpw,), jnp.float32),
            pltpu.SemaphoreType.DMA,
        ],
    )


def kernel(pairs, exercise_w, skill_w):
    B = pairs.shape[0]
    E, D = exercise_w.shape
    S = skill_w.shape[0]
    sc = _make_sc_kernel(B, D, E, S)
    return sc(pairs.T, exercise_w, skill_w.T)

# --- scband reference (transcript-rebuilt; emitter-appended) ---
"""Pipeline reference for scband-pretrain-embedding-7954279432885 (READ-ONLY COPY).

The authoritative reference and input builder live on the scoring server;
editing this copy changes nothing except your own understanding.
"""

import jax, jax.numpy as jnp
import numpy as np

NUM_EXERCISES = 100000
NUM_SKILLS = 1000
EMBED_DIM = 64
BATCH = 16384


def _xavier_uniform(key, fan_in, fan_out):
    a = float(np.sqrt(6.0 / (fan_in + fan_out)))
    return jax.random.uniform(key, (fan_in, fan_out), minval=-a, maxval=a, dtype=jnp.float32)


def setup_inputs(seed: int = 0) -> dict:
    key = jax.random.key(seed)
    k1, k2, k3 = jax.random.split(key, 3)
    pairs = jax.random.randint(k1, (BATCH, 2), 0, NUM_EXERCISES).astype(jnp.int32)
    exercise_w = _xavier_uniform(k2, NUM_EXERCISES, EMBED_DIM)
    skill_w = _xavier_uniform(k3, NUM_SKILLS, EMBED_DIM)
    return {"pairs": pairs, "exercise_w": exercise_w, "skill_w": skill_w}


def reference(pairs, exercise_w, skill_w):
    # forward of PretrainEmbedding: clamp ids, gather embeddings, dot, sigmoid
    exercise_ids = jnp.clip(pairs[:, 0], 0, NUM_EXERCISES - 1)
    skill_ids = jnp.clip(pairs[:, 1], 0, NUM_SKILLS - 1)
    exercise_embeds = jnp.take(exercise_w, exercise_ids, axis=0)
    skill_embeds = jnp.take(skill_w, skill_ids, axis=0)
    similarity = jnp.sum(exercise_embeds * skill_embeds, axis=1)
    return jax.nn.sigmoid(similarity)

if __name__ == "__main__":
    import jax
    _d = setup_inputs()
    print(jax.jit(kernel)(*tuple(_d.values())))

</pallas_src>

<mosaic_0001>
#map = affine_map<(d0, d1) -> (0, 0)>
#map1 = affine_map<(d0, d1) -> (0)>
module attributes {stable_mosaic.version = 14 : i64} {
  func.func @body(%arg0: i32, %arg1: i32, %arg2: memref<2x16384xi32, #tpu.memory_space<hbm>>, %arg3: memref<100000x64xf32, #tpu.memory_space<hbm>>, %arg4: memref<64x1000xf32, #tpu.memory_space<hbm>>, %arg5: memref<16384xf32, #tpu.memory_space<hbm>>, %arg6: memref<512xi32, #tpu.memory_space<vmem>>, %arg7: memref<4x128xi32, #tpu.memory_space<vmem>>, %arg8: memref<512xi32, #tpu.memory_space<vmem>>, %arg9: memref<512x64xf32, #tpu.memory_space<vmem>>, %arg10: memref<64x1000xf32, #tpu.memory_space<vmem>>, %arg11: memref<512xf32, #tpu.memory_space<vmem>>, %arg12: memref<!tpu.dma_semaphore, #tpu.memory_space<semaphore_mem>>) attributes {dimension_semantics = [#tpu.dimension_semantics<core_parallel>, #tpu.dimension_semantics<subcore_parallel>], iteration_bounds = array<i64: 2, 16>, scalar_prefetch = 0 : i64, scratch_operands = 7 : i64, tpu.core_type = #tpu.core_type<sc_vector_subcore>, window_params = [{transform_indices = #map}, {transform_indices = #map}, {transform_indices = #map}, {transform_indices = #map1}]} {
    %mul3A = arith.constant 2 : i32
    %mul3A_0 = arith.muli %arg1, %mul3A : i32
    %add3A = arith.addi %mul3A_0, %arg0 : i32
    %mul3A_1 = arith.constant 512 : i32
    %mul3A_2 = arith.muli %add3A, %mul3A_1 : i32
    %iota3A = tpu.iota {dimensions = array<i32: 0>} : vector<16xi32>
    tpu.enqueue_dma source(%arg4 : memref<64x1000xf32, #tpu.memory_space<hbm>>) target(%arg10 : memref<64x1000xf32, #tpu.memory_space<vmem>>) target_semaphore(%arg12 : memref<!tpu.dma_semaphore, #tpu.memory_space<semaphore_mem>>)
    %run_scoped3A = arith.constant 0 : i32
    "tpu.region"() ({
      %run_scoped3A_787 = tpu.sem_alloc : memref<!tpu.dma_semaphore, #tpu.memory_space<semaphore_mem>>
      %dma_start3A_788 = tpu.memref_slice %arg2[%run_scoped3A, %mul3A_2] : memref<2x16384xi32, #tpu.memory_space<hbm>> -> memref<1x512xi32, #tpu.memory_space<hbm>>
      %dma_start3A_789 = tpu.memref_squeeze %dma_start3A_788 : memref<1x512xi32, #tpu.memory_space<hbm>> -> memref<512xi32, #tpu.memory_space<hbm>>
      %dma_start3A_790 = tpu.memref_slice %arg2[%run_scoped3A, %mul3A_2] : memref<2x16384xi32, #tpu.memory_space<hbm>> -> memref<1x512xi32, #tpu.memory_space<hbm>>
      %dma_start3A_791 = tpu.memref_squeeze %dma_start3A_790 : memref<1x512xi32, #tpu.memory_space<hbm>> -> memref<512xi32, #tpu.memory_space<hbm>>
      tpu.enqueue_dma source(%dma_start3A_791 : memref<512xi32, #tpu.memory_space<hbm>>) target(%arg6 : memref<512xi32, #tpu.memory_space<vmem>>) target_semaphore(%run_scoped3A_787 : memref<!tpu.dma_semaphore, #tpu.memory_space<semaphore_mem>>)
      %dma_wait3A_792 = tpu.memref_slice %arg2[%run_scoped3A, %mul3A_2] : memref<2x16384xi32, #tpu.memory_space<hbm>> -> memref<1x512xi32, #tpu.memory_space<hbm>>
      %dma_wait3A_793 = tpu.memref_squeeze %dma_wait3A_792 : memref<1x512xi32, #tpu.memory_space<hbm>> -> memref<512xi32, #tpu.memory_space<hbm>>
      %dma_wait3A_794 = tpu.memref_slice %arg2[%run_scoped3A, %mul3A_2] : memref<2x16384xi32, #tpu.memory_space<hbm>> -> memref<1x512xi32, #tpu.memory_space<hbm>>
      %dma_wait3A_795 = tpu.memref_squeeze %dma_wait3A_794 : memref<1x512xi32, #tpu.memory_space<hbm>> -> memref<512xi32, #tpu.memory_space<hbm>>
      tpu.wait_dma2 semaphore(%run_scoped3A_787 : memref<!tpu.dma_semaphore, #tpu.memory_space<semaphore_mem>>) src(%dma_wait3A_795 : memref<512xi32, #tpu.memory_space<hbm>>) dst(%arg6 : memref<512xi32, #tpu.memory_space<vmem>>)
      tpu.yield
    }) : () -> ()
    %run_scoped3A_3 = arith.constant 1 : i32
    "tpu.region"() ({
      %run_scoped3A_787 = tpu.sem_alloc : memref<!tpu.dma_semaphore, #tpu.memory_space<semaphore_mem>>
      %dma_start3A_788 = tpu.memref_slice %arg2[%run_scoped3A_3, %mul3A_2] : memref<2x16384xi32, #tpu.memory_space<hbm>> -> memref<1x512xi32, #tpu.memory_space<hbm>>
      %dma_start3A_789 = tpu.memref_squeeze %dma_start3A_788 : memref<1x512xi32, #tpu.memory_space<hbm>> -> memref<512xi32, #tpu.memory_space<hbm>>
      %dma_start3A_790 = tpu.memref_slice %arg2[%run_scoped3A_3, %mul3A_2] : memref<2x16384xi32, #tpu.memory_space<hbm>> -> memref<1x512xi32, #tpu.memory_space<hbm>>
      %dma_start3A_791 = tpu.memref_squeeze %dma_start3A_790 : memref<1x512xi32, #tpu.memory_space<hbm>> -> memref<512xi32, #tpu.memory_space<hbm>>
      tpu.enqueue_dma source(%dma_start3A_791 : memref<512xi32, #tpu.memory_space<hbm>>) target(%arg8 : memref<512xi32, #tpu.memory_space<vmem>>) target_semaphore(%run_scoped3A_787 : memref<!tpu.dma_semaphore, #tpu.memory_space<semaphore_mem>>)
      %dma_wait3A_792 = tpu.memref_slice %arg2[%run_scoped3A_3, %mul3A_2] : memref<2x16384xi32, #tpu.memory_space<hbm>> -> memref<1x512xi32, #tpu.memory_space<hbm>>
      %dma_wait3A_793 = tpu.memref_squeeze %dma_wait3A_792 : memref<1x512xi32, #tpu.memory_space<hbm>> -> memref<512xi32, #tpu.memory_space<hbm>>
      %dma_wait3A_794 = tpu.memref_slice %arg2[%run_scoped3A_3, %mul3A_2] : memref<2x16384xi32, #tpu.memory_space<hbm>> -> memref<1x512xi32, #tpu.memory_space<hbm>>
      %dma_wait3A_795 = tpu.memref_squeeze %dma_wait3A_794 : memref<1x512xi32, #tpu.memory_space<hbm>> -> memref<512xi32, #tpu.memory_space<hbm>>
      tpu.wait_dma2 semaphore(%run_scoped3A_787 : memref<!tpu.dma_semaphore, #tpu.memory_space<semaphore_mem>>) src(%dma_wait3A_795 : memref<512xi32, #tpu.memory_space<hbm>>) dst(%arg8 : memref<512xi32, #tpu.memory_space<vmem>>)
      tpu.yield
    }) : () -> ()
    %get3A = arith.constant 0 : index
    %get3A_4 = tpu.vector_load %arg6[%get3A] {strides = array<i32>} : memref<512xi32, #tpu.memory_space<vmem>>, vector<16xi32>,
    %max3A = arith.constant 0 : i32
    %max3A_5 = vector.broadcast %max3A : i32 to vector<16xi32>
    %max3A_6 = arith.maxsi %get3A_4, %max3A_5 : vector<16xi32>
    %min3A = arith.constant 99999 : i32
    %min3A_7 = vector.broadcast %min3A : i32 to vector<16xi32>
    %min3A_8 = arith.minsi %max3A_6, %min3A_7 : vector<16xi32>
    %swap3A = arith.constant 0 : i32
    %swap3A_9 = arith.index_cast %swap3A : i32 to index
    %swap3A_10 = arith.constant 0 : index
    %swap3A_11 = tpu.vector_load %arg7[%swap3A_9, %swap3A_10] {strides = array<i32>} : memref<4x128xi32, #tpu.memory_space<vmem>>, vector<16xi32>,
    tpu.vector_store %arg7[%swap3A_9, %swap3A_10], %min3A_8 {strides = array<i32>} : memref<4x128xi32, #tpu.memory_space<vmem>>, vector<16xi32>,
    %get3A_12 = arith.constant 0 : index
    %get3A_13 = tpu.vector_load %arg8[%get3A_12] {strides = array<i32>} : memref<512xi32, #tpu.memory_space<vmem>>, vector<16xi32>,
    %max3A_14 = arith.constant 0 : i32
    %max3A_15 = vector.broadcast %max3A_14 : i32 to vector<16xi32>
    %max3A_16 = arith.maxsi %get3A_13, %max3A_15 : vector<16xi32>
    %min3A_17 = arith.constant 999 : i32
    %min3A_18 = vector.broadcast %min3A_17 : i32 to vector<16xi32>
    %min3A_19 = arith.minsi %max3A_16, %min3A_18 : vector<16xi32>
    %swap3A_20 = arith.constant 0 : index
    %swap3A_21 = tpu.vector_load %arg8[%swap3A_20] {strides = array<i32>} : memref<512xi32, #tpu.memory_space<vmem>>, vector<16xi32>,
    tpu.vector_store %arg8[%swap3A_20], %min3A_19 {strides = array<i32>} : memref<512xi32, #tpu.memory_space<vmem>>, vector<16xi32>,
    %get3A_22 = arith.constant 16 : index
    %get3A_23 = tpu.vector_load %arg6[%get3A_22] {strides = array<i32>} : memref<512xi32, #tpu.memory_space<vmem>>, vector<16xi32>,
    %max3A_24 = arith.constant 0 : i32
    %max3A_25 = vector.broadcast %max3A_24 : i32 to vector<16xi32>
    %max3A_26 = arith.maxsi %get3A_23, %max3A_25 : vector<16xi32>
    %min3A_27 = arith.constant 99999 : i32
    %min3A_28 = vector.broadcast %min3A_27 : i32 to vector<16xi32>
    %min3A_29 = arith.minsi %max3A_26, %min3A_28 : vector<16xi32>
    %swap3A_30 = arith.constant 0 : i32
    %swap3A_31 = arith.index_cast %swap3A_30 : i32 to index
    %swap3A_32 = arith.constant 16 : index
    %swap3A_33 = tpu.vector_load %arg7[%swap3A_31, %swap3A_32] {strides = array<i32>} : memref<4x128xi32, #tpu.memory_space<vmem>>, vector<16xi32>,
    tpu.vector_store %arg7[%swap3A_31, %swap3A_32], %min3A_29 {strides = array<i32>} : memref<4x128xi32, #tpu.memory_space<vmem>>, vector<16xi32>,
    %get3A_34 = arith.constant 16 : index
    %get3A_35 = tpu.vector_load %arg8[%get3A_34] {strides = array<i32>} : memref<512xi32, #tpu.memory_space<vmem>>, vector<16xi32>,
    %max3A_36 = arith.constant 0 : i32
    %max3A_37 = vector.broadcast %max3A_36 : i32 to vector<16xi32>
    %max3A_38 = arith.maxsi %get3A_35, %max3A_37 : vector<16xi32>
    %min3A_39 = arith.constant 999 : i32
    %min3A_40 = vector.broadcast %min3A_39 : i32 to vector<16xi32>
    %min3A_41 = arith.minsi %max3A_38, %min3A_40 : vector<16xi32>
    %swap3A_42 = arith.constant 16 : index
    %swap3A_43 = tpu.vector_load %arg8[%swap3A_42] {strides = array<i32>} : memref<512xi32, #tpu.memory_space<vmem>>, vector<16xi32>,
    tpu.vector_store %arg8[%swap3A_42], %min3A_41 {strides = array<i32>} : memref<512xi32, #tpu.memory_space<vmem>>, vector<16xi32>,
    %get3A_44 = arith.constant 32 : index
    %get3A_45 = tpu.vector_load %arg6[%get3A_44] {strides = array<i32>} : memref<512xi32, #tpu.memory_space<vmem>>, vector<16xi32>,
    %max3A_46 = arith.constant 0 : i32
    %max3A_47 = vector.broadcast %max3A_46 : i32 to vector<16xi32>
    %max3A_48 = arith.maxsi %get3A_45, %max3A_47 : vector<16xi32>
    %min3A_49 = arith.constant 99999 : i32
    %min3A_50 = vector.broadcast %min3A_49 : i32 to vector<16xi32>
    %min3A_51 = arith.minsi %max3A_48, %min3A_50 : vector<16xi32>
    %swap3A_52 = arith.constant 0 : i32
    %swap3A_53 = arith.index_cast %swap3A_52 : i32 to index
    %swap3A_54 = arith.constant 32 : index
    %swap3A_55 = tpu.vector_load %arg7[%swap3A_53, %swap3A_54] {strides = array<i32>} : memref<4x128xi32, #tpu.memory_space<vmem>>, vector<16xi32>,
    tpu.vector_store %arg7[%swap3A_53, %swap3A_54], %min3A_51 {strides = array<i32>} : memref<4x128xi32, #tpu.memory_space<vmem>>, vector<16xi32>,
    %get3A_56 = arith.constant 32 : index
    %get3A_57 = tpu.vector_load %arg8[%get3A_56] {strides = array<i32>} : memref<512xi32, #tpu.memory_space<vmem>>, vector<16xi32>,
    %max3A_58 = arith.constant 0 : i32
    %max3A_59 = vector.broadcast %max3A_58 : i32 to vector<16xi32>
    %max3A_60 = arith.maxsi %get3A_57, %max3A_59 : vector<16xi32>
    %min3A_61 = arith.constant 999 : i32
    %min3A_62 = vector.broadcast %min3A_61 : i32 to vector<16xi32>
    %min3A_63 = arith.minsi %max3A_60, %min3A_62 : vector<16xi32>
    %swap3A_64 = arith.constant 32 : index
    %swap3A_65 = tpu.vector_load %arg8[%swap3A_64] {strides = array<i32>} : memref<512xi32, #tpu.memory_space<vmem>>, vector<16xi32>,
    tpu.vector_store %arg8[%swap3A_64], %min3A_63 {strides = array<i32>} : memref<512xi32, #tpu.memory_space<vmem>>, vector<16xi32>,
    %get3A_66 = arith.constant 48 : index
    %get3A_67 = tpu.vector_load %arg6[%get3A_66] {strides = array<i32>} : memref<512xi32, #tpu.memory_space<vmem>>, vector<16xi32>,
    %max3A_68 = arith.constant 0 : i32
    %max3A_69 = vector.broadcast %max3A_68 : i32 to vector<16xi32>
    %max3A_70 = arith.maxsi %get3A_67, %max3A_69 : vector<16xi32>
    %min3A_71 = arith.constant 99999 : i32
    %min3A_72 = vector.broadcast %min3A_71 : i32 to vector<16xi32>
    %min3A_73 = arith.minsi %max3A_70, %min3A_72 : vector<16xi32>
    %swap3A_74 = arith.constant 0 : i32
    %swap3A_75 = arith.index_cast %swap3A_74 : i32 to index
    %swap3A_76 = arith.constant 48 : index
    %swap3A_77 = tpu.vector_load %arg7[%swap3A_75, %swap3A_76] {strides = array<i32>} : memref<4x128xi32, #tpu.memory_space<vmem>>, vector<16xi32>,
    tpu.vector_store %arg7[%swap3A_75, %swap3A_76], %min3A_73 {strides = array<i32>} : memref<4x128xi32, #tpu.memory_space<vmem>>, vector<16xi32>,
    %get3A_78 = arith.constant 48 : index
    %get3A_79 = tpu.vector_load %arg8[%get3A_78] {strides = array<i32>} : memref<512xi32, #tpu.memory_space<vmem>>, vector<16xi32>,
    %max3A_80 = arith.constant 0 : i32
    %max3A_81 = vector.broadcast %max3A_80 : i32 to vector<16xi32>
    %max3A_82 = arith.maxsi %get3A_79, %max3A_81 : vector<16xi32>
    %min3A_83 = arith.constant 999 : i32
    %min3A_84 = vector.broadcast %min3A_83 : i32 to vector<16xi32>
    %min3A_85 = arith.minsi %max3A_82, %min3A_84 : vector<16xi32>
    %swap3A_86 = arith.constant 48 : index
    %swap3A_87 = tpu.vector_load %arg8[%swap3A_86] {strides = array<i32>} : memref<512xi32, #tpu.memory_space<vmem>>, vector<16xi32>,
    tpu.vector_store %arg8[%swap3A_86], %min3A_85 {strides = array<i32>} : memref<512xi32, #tpu.memory_space<vmem>>, vector<16xi32>,
    %get3A_88 = arith.constant 64 : index
    %get3A_89 = tpu.vector_load %arg6[%get3A_88] {strides = array<i32>} : memref<512xi32, #tpu.memory_space<vmem>>, vector<16xi32>,
    %max3A_90 = arith.constant 0 : i32
    %max3A_91 = vector.broadcast %max3A_90 : i32 to vector<16xi32>
    %max3A_92 = arith.maxsi %get3A_89, %max3A_91 : vector<16xi32>
    %min3A_93 = arith.constant 99999 : i32
    %min3A_94 = vector.broadcast %min3A_93 : i32 to vector<16xi32>
    %min3A_95 = arith.minsi %max3A_92, %min3A_94 : vector<16xi32>
    %swap3A_96 = arith.constant 0 : i32
    %swap3A_97 = arith.index_cast %swap3A_96 : i32 to index
    %swap3A_98 = arith.constant 64 : index
    %swap3A_99 = tpu.vector_load %arg7[%swap3A_97, %swap3A_98] {strides = array<i32>} : memref<4x128xi32, #tpu.memory_space<vmem>>, vector<16xi32>,
    tpu.vector_store %arg7[%swap3A_97, %swap3A_98], %min3A_95 {strides = array<i32>} : memref<4x128xi32, #tpu.memory_space<vmem>>, vector<16xi32>,
    %get3A_100 = arith.constant 64 : index
    %get3A_101 = tpu.vector_load %arg8[%get3A_100] {strides = array<i32>} : memref<512xi32, #tpu.memory_space<vmem>>, vector<16xi32>,
    %max3A_102 = arith.constant 0 : i32
    %max3A_103 = vector.broadcast %max3A_102 : i32 to vector<16xi32>
    %max3A_104 = arith.maxsi %get3A_101, %max3A_103 : vector<16xi32>
    %min3A_105 = arith.constant 999 : i32
    %min3A_106 = vector.broadcast %min3A_105 : i32 to vector<16xi32>
    %min3A_107 = arith.minsi %max3A_104, %min3A_106 : vector<16xi32>
    %swap3A_108 = arith.constant 64 : index
    %swap3A_109 = tpu.vector_load %arg8[%swap3A_108] {strides = array<i32>} : memref<512xi32, #tpu.memory_space<vmem>>, vector<16xi32>,
    tpu.vector_store %arg8[%swap3A_108], %min3A_107 {strides = array<i32>} : memref<512xi32, #tpu.memory_space<vmem>>, vector<16xi32>,
    %get3A_110 = arith.constant 80 : index
    %get3A_111 = tpu.vector_load %arg6[%get3A_110] {strides = array<i32>} : memref<512xi32, #tpu.memory_space<vmem>>, vector<16xi32>,
    %max3A_112 = arith.constant 0 : i32
    %max3A_113 = vector.broadcast %max3A_112 : i32 to vector<16xi32>
    %max3A_114 = arith.maxsi %get3A_111, %max3A_113 : vector<16xi32>
    %min3A_115 = arith.constant 99999 : i32
    %min3A_116 = vector.broadcast %min3A_115 : i32 to vector<16xi32>
    %min3A_117 = arith.minsi %max3A_114, %min3A_116 : vector<16xi32>
    %swap3A_118 = arith.constant 0 : i32
    %swap3A_119 = arith.index_cast %swap3A_118 : i32 to index
    %swap3A_120 = arith.constant 80 : index
    %swap3A_121 = tpu.vector_load %arg7[%swap3A_119, %swap3A_120] {strides = array<i32>} : memref<4x128xi32, #tpu.memory_space<vmem>>, vector<16xi32>,
    tpu.vector_store %arg7[%swap3A_119, %swap3A_120], %min3A_117 {strides = array<i32>} : memref<4x128xi32, #tpu.memory_space<vmem>>, vector<16xi32>,
    %get3A_122 = arith.constant 80 : index
    %get3A_123 = tpu.vector_load %arg8[%get3A_122] {strides = array<i32>} : memref<512xi32, #tpu.memory_space<vmem>>, vector<16xi32>,
    %max3A_124 = arith.constant 0 : i32
    %max3A_125 = vector.broadcast %max3A_124 : i32 to vector<16xi32>
    %max3A_126 = arith.maxsi %get3A_123, %max3A_125 : vector<16xi32>
    %min3A_127 = arith.constant 999 : i32
    %min3A_128 = vector.broadcast %min3A_127 : i32 to vector<16xi32>
    %min3A_129 = arith.minsi %max3A_126, %min3A_128 : vector<16xi32>
    %swap3A_130 = arith.constant 80 : index
    %swap3A_131 = tpu.vector_load %arg8[%swap3A_130] {strides = array<i32>} : memref<512xi32, #tpu.memory_space<vmem>>, vector<16xi32>,
    tpu.vector_store %arg8[%swap3A_130], %min3A_129 {strides = array<i32>} : memref<512xi32, #tpu.memory_space<vmem>>, vector<16xi32>,
    %get3A_132 = arith.constant 96 : index
    %get3A_133 = tpu.vector_load %arg6[%get3A_132] {strides = array<i32>} : memref<512xi32, #tpu.memory_space<vmem>>, vector<16xi32>,
    %max3A_134 = arith.constant 0 : i32
    %max3A_135 = vector.broadcast %max3A_134 : i32 to vector<16xi32>
    %max3A_136 = arith.maxsi %get3A_133, %max3A_135 : vector<16xi32>
    %min3A_137 = arith.constant 99999 : i32
    %min3A_138 = vector.broadcast %min3A_137 : i32 to vector<16xi32>
    %min3A_139 = arith.minsi %max3A_136, %min3A_138 : vector<16xi32>
    %swap3A_140 = arith.constant 0 : i32
    %swap3A_141 = arith.index_cast %swap3A_140 : i32 to index
    %swap3A_142 = arith.constant 96 : index
    %swap3A_143 = tpu.vector_load %arg7[%swap3A_141, %swap3A_142] {strides = array<i32>} : memref<4x128xi32, #tpu.memory_space<vmem>>, vector<16xi32>,
    tpu.vector_store %arg7[%swap3A_141, %swap3A_142], %min3A_139 {strides = array<i32>} : memref<4x128xi32, #tpu.memory_space<vmem>>, vector<16xi32>,
    %get3A_144 = arith.constant 96 : index
    %get3A_145 = tpu.vector_load %arg8[%get3A_144] {strides = array<i32>} : memref<512xi32, #tpu.memory_space<vmem>>, vector<16xi32>,
    %max3A_146 = arith.constant 0 : i32
    %max3A_147 = vector.broadcast %max3A_146 : i32 to vector<16xi32>
    %max3A_148 = arith.maxsi %get3A_145, %max3A_147 : vector<16xi32>
    %min3A_149 = arith.constant 999 : i32
    %min3A_150 = vector.broadcast %min3A_149 : i32 to vector<16xi32>
    %min3A_151 = arith.minsi %max3A_148, %min3A_150 : vector<16xi32>
    %swap3A_152 = arith.constant 96 : index
    %swap3A_153 = tpu.vector_load %arg8[%swap3A_152] {strides = array<i32>} : memref<512xi32, #tpu.memory_space<vmem>>, vector<16xi32>,
    tpu.vector_store %arg8[%swap3A_152], %min3A_151 {strides = array<i32>} : memref<512xi32, #tpu.memory_space<vmem>>, vector<16xi32>,
    %get3A_154 = arith.constant 112 : index
    %get3A_155 = tpu.vector_load %arg6[%get3A_154] {strides = array<i32>} : memref<512xi32, #tpu.memory_space<vmem>>, vector<16xi32>,
    %max3A_156 = arith.constant 0 : i32
    %max3A_157 = vector.broadcast %max3A_156 : i32 to vector<16xi32>
    %max3A_158 = arith.maxsi %get3A_155, %max3A_157 : vector<16xi32>
    %min3A_159 = arith.constant 99999 : i32
    %min3A_160 = vector.broadcast %min3A_159 : i32 to vector<16xi32>
    %min3A_161 = arith.minsi %max3A_158, %min3A_160 : vector<16xi32>
    %swap3A_162 = arith.constant 0 : i32
    %swap3A_163 = arith.index_cast %swap3A_162 : i32 to index
    %swap3A_164 = arith.constant 112 : index
    %swap3A_165 = tpu.vector_load %arg7[%swap3A_163, %swap3A_164] {strides = array<i32>} : memref<4x128xi32, #tpu.memory_space<vmem>>, vector<16xi32>,
    tpu.vector_store %arg7[%swap3A_163, %swap3A_164], %min3A_161 {strides = array<i32>} : memref<4x128xi32, #tpu.memory_space<vmem>>, vector<16xi32>,
    %get3A_166 = arith.constant 112 : index
    %get3A_167 = tpu.vector_load %arg8[%get3A_166] {strides = array<i32>} : memref<512xi32, #tpu.memory_space<vmem>>, vector<16xi32>,
    %max3A_168 = arith.constant 0 : i32
    %max3A_169 = vector.broadcast %max3A_168 : i32 to vector<16xi32>
    %max3A_170 = arith.maxsi %get3A_167, %max3A_169 : vector<16xi32>
    %min3A_171 = arith.constant 999 : i32
    %min3A_172 = vector.broadcast %min3A_171 : i32 to vector<16xi32>
    %min3A_173 = arith.minsi %max3A_170, %min3A_172 : vector<16xi32>
    %swap3A_174 = arith.constant 112 : index
    %swap3A_175 = tpu.vector_load %arg8[%swap3A_174] {strides = array<i32>} : memref<512xi32, #tpu.memory_space<vmem>>, vector<16xi32>,
    tpu.vector_store %arg8[%swap3A_174], %min3A_173 {strides = array<i32>} : memref<512xi32, #tpu.memory_space<vmem>>, vector<16xi32>,
    %get3A_176 = arith.constant 128 : index
    %get3A_177 = tpu.vector_load %arg6[%get3A_176] {strides = array<i32>} : memref<512xi32, #tpu.memory_space<vmem>>, vector<16xi32>,
    %max3A_178 = arith.constant 0 : i32
    %max3A_179 = vector.broadcast %max3A_178 : i32 to vector<16xi32>
    %max3A_180 = arith.maxsi %get3A_177, %max3A_179 : vector<16xi32>
    %min3A_181 = arith.constant 99999 : i32
    %min3A_182 = vector.broadcast %min3A_181 : i32 to vector<16xi32>
    %min3A_183 = arith.minsi %max3A_180, %min3A_182 : vector<16xi32>
    %swap3A_184 = arith.constant 1 : i32
    %swap3A_185 = arith.index_cast %swap3A_184 : i32 to index
    %swap3A_186 = arith.constant 0 : index
    %swap3A_187 = tpu.vector_load %arg7[%swap3A_185, %swap3A_186] {strides = array<i32>} : memref<4x128xi32, #tpu.memory_space<vmem>>, vector<16xi32>,
    tpu.vector_store %arg7[%swap3A_185, %swap3A_186], %min3A_183 {strides = array<i32>} : memref<4x128xi32, #tpu.memory_space<vmem>>, vector<16xi32>,
    %get3A_188 = arith.constant 128 : index
    %get3A_189 = tpu.vector_load %arg8[%get3A_188] {strides = array<i32>} : memref<512xi32, #tpu.memory_space<vmem>>, vector<16xi32>,
    %max3A_190 = arith.constant 0 : i32
    %max3A_191 = vector.broadcast %max3A_190 : i32 to vector<16xi32>
    %max3A_192 = arith.maxsi %get3A_189, %max3A_191 : vector<16xi32>
    %min3A_193 = arith.constant 999 : i32
    %min3A_194 = vector.broadcast %min3A_193 : i32 to vector<16xi32>
    %min3A_195 = arith.minsi %max3A_192, %min3A_194 : vector<16xi32>
    %swap3A_196 = arith.constant 128 : index
    %swap3A_197 = tpu.vector_load %arg8[%swap3A_196] {strides = array<i32>} : memref<512xi32, #tpu.memory_space<vmem>>, vector<16xi32>,
    tpu.vector_store %arg8[%swap3A_196], %min3A_195 {strides = array<i32>} : memref<512xi32, #tpu.memory_space<vmem>>, vector<16xi32>,
    %get3A_198 = arith.constant 144 : index
    %get3A_199 = tpu.vector_load %arg6[%get3A_198] {strides = array<i32>} : memref<512xi32, #tpu.memory_space<vmem>>, vector<16xi32>,
    %max3A_200 = arith.constant 0 : i32
    %max3A_201 = vector.broadcast %max3A_200 : i32 to vector<16xi32>
    %max3A_202 = arith.maxsi %get3A_199, %max3A_201 : vector<16xi32>
    %min3A_203 = arith.constant 99999 : i32
    %min3A_204 = vector.broadcast %min3A_203 : i32 to vector<16xi32>
    %min3A_205 = arith.minsi %max3A_202, %min3A_204 : vector<16xi32>
    %swap3A_206 = arith.constant 1 : i32
    %swap3A_207 = arith.index_cast %swap3A_206 : i32 to index
    %swap3A_208 = arith.constant 16 : index
    %swap3A_209 = tpu.vector_load %arg7[%swap3A_207, %swap3A_208] {strides = array<i32>} : memref<4x128xi32, #tpu.memory_space<vmem>>, vector<16xi32>,
    tpu.vector_store %arg7[%swap3A_207, %swap3A_208], %min3A_205 {strides = array<i32>} : memref<4x128xi32, #tpu.memory_space<vmem>>, vector<16xi32>,
    %get3A_210 = arith.constant 144 : index
    %get3A_211 = tpu.vector_load %arg8[%get3A_210] {strides = array<i32>} : memref<512xi32, #tpu.memory_space<vmem>>, vector<16xi32>,
    %max3A_212 = arith.constant 0 : i32
    %max3A_213 = vector.broadcast %max3A_212 : i32 to vector<16xi32>
    %max3A_214 = arith.maxsi %get3A_211, %max3A_213 : vector<16xi32>
    %min3A_215 = arith.constant 999 : i32
    %min3A_216 = vector.broadcast %min3A_215 : i32 to vector<16xi32>
    %min3A_217 = arith.minsi %max3A_214, %min3A_216 : vector<16xi32>
    %swap3A_218 = arith.constant 144 : index
    %swap3A_219 = tpu.vector_load %arg8[%swap3A_218] {strides = array<i32>} : memref<512xi32, #tpu.memory_space<vmem>>, vector<16xi32>,
    tpu.vector_store %arg8[%swap3A_218], %min3A_217 {strides = array<i32>} : memref<512xi32, #tpu.memory_space<vmem>>, vector<16xi32>,
    %get3A_220 = arith.constant 160 : index
    %get3A_221 = tpu.vector_load %arg6[%get3A_220] {strides = array<i32>} : memref<512xi32, #tpu.memory_space<vmem>>, vector<16xi32>,
    %max3A_222 = arith.constant 0 : i32
    %max3A_223 = vector.broadcast %max3A_222 : i32 to vector<16xi32>
    %max3A_224 = arith.maxsi %get3A_221, %max3A_223 : vector<16xi32>
    %min3A_225 = arith.constant 99999 : i32
    %min3A_226 = vector.broadcast %min3A_225 : i32 to vector<16xi32>
    %min3A_227 = arith.minsi %max3A_224, %min3A_226 : vector<16xi32>
    %swap3A_228 = arith.constant 1 : i32
    %swap3A_229 = arith.index_cast %swap3A_228 : i32 to index
    %swap3A_230 = arith.constant 32 : index
    %swap3A_231 = tpu.vector_load %arg7[%swap3A_229, %swap3A_230] {strides = array<i32>} : memref<4x128xi32, #tpu.memory_space<vmem>>, vector<16xi32>,
    tpu.vector_store %arg7[%swap3A_229, %swap3A_230], %min3A_227 {strides = array<i32>} : memref<4x128xi32, #tpu.memory_space<vmem>>, vector<16xi32>,
    %get3A_232 = arith.constant 160 : index
    %get3A_233 = tpu.vector_load %arg8[%get3A_232] {strides = array<i32>} : memref<512xi32, #tpu.memory_space<vmem>>, vector<16xi32>,
    %max3A_234 = arith.constant 0 : i32
    %max3A_235 = vector.broadcast %max3A_234 : i32 to vector<16xi32>
    %max3A_236 = arith.maxsi %get3A_233, %max3A_235 : vector<16xi32>
    %min3A_237 = arith.constant 999 : i32
    %min3A_238 = vector.broadcast %min3A_237 : i32 to vector<16xi32>
    %min3A_239 = arith.minsi %max3A_236, %min3A_238 : vector<16xi32>
    %swap3A_240 = arith.constant 160 : index
    %swap3A_241 = tpu.vector_load %arg8[%swap3A_240] {strides = array<i32>} : memref<512xi32, #tpu.memory_space<vmem>>, vector<16xi32>,
    tpu.vector_store %arg8[%swap3A_240], %min3A_239 {strides = array<i32>} : memref<512xi32, #tpu.memory_space<vmem>>, vector<16xi32>,
    %get3A_242 = arith.constant 176 : index
    %get3A_243 = tpu.vector_load %arg6[%get3A_242] {strides = array<i32>} : memref<512xi32, #tpu.memory_space<vmem>>, vector<16xi32>,
    %max3A_244 = arith.constant 0 : i32
    %max3A_245 = vector.broadcast %max3A_244 : i32 to vector<16xi32>
    %max3A_246 = arith.maxsi %get3A_243, %max3A_245 : vector<16xi32>
    %min3A_247 = arith.constant 99999 : i32
    %min3A_248 = vector.broadcast %min3A_247 : i32 to vector<16xi32>
    %min3A_249 = arith.minsi %max3A_246, %min3A_248 : vector<16xi32>
    %swap3A_250 = arith.constant 1 : i32
    %swap3A_251 = arith.index_cast %swap3A_250 : i32 to index
    %swap3A_252 = arith.constant 48 : index
    %swap3A_253 = tpu.vector_load %arg7[%swap3A_251, %swap3A_252] {strides = array<i32>} : memref<4x128xi32, #tpu.memory_space<vmem>>, vector<16xi32>,
    tpu.vector_store %arg7[%swap3A_251, %swap3A_252], %min3A_249 {strides = array<i32>} : memref<4x128xi32, #tpu.memory_space<vmem>>, vector<16xi32>,
    %get3A_254 = arith.constant 176 : index
    %get3A_255 = tpu.vector_load %arg8[%get3A_254] {strides = array<i32>} : memref<512xi32, #tpu.memory_space<vmem>>, vector<16xi32>,
    %max3A_256 = arith.constant 0 : i32
    %max3A_257 = vector.broadcast %max3A_256 : i32 to vector<16xi32>
    %max3A_258 = arith.maxsi %get3A_255, %max3A_257 : vector<16xi32>
    %min3A_259 = arith.constant 999 : i32
    %min3A_260 = vector.broadcast %min3A_259 : i32 to vector<16xi32>
    %min3A_261 = arith.minsi %max3A_258, %min3A_260 : vector<16xi32>
    %swap3A_262 = arith.constant 176 : index
    %swap3A_263 = tpu.vector_load %arg8[%swap3A_262] {strides = array<i32>} : memref<512xi32, #tpu.memory_space<vmem>>, vector<16xi32>,
    tpu.vector_store %arg8[%swap3A_262], %min3A_261 {strides = array<i32>} : memref<512xi32, #tpu.memory_space<vmem>>, vector<16xi32>,
    %get3A_264 = arith.constant 192 : index
    %get3A_265 = tpu.vector_load %arg6[%get3A_264] {strides = array<i32>} : memref<512xi32, #tpu.memory_space<vmem>>, vector<16xi32>,
    %max3A_266 = arith.constant 0 : i32
    %max3A_267 = vector.broadcast %max3A_266 : i32 to vector<16xi32>
    %max3A_268 = arith.maxsi %get3A_265, %max3A_267 : vector<16xi32>
    %min3A_269 = arith.constant 99999 : i32
    %min3A_270 = vector.broadcast %min3A_269 : i32 to vector<16xi32>
    %min3A_271 = arith.minsi %max3A_268, %min3A_270 : vector<16xi32>
    %swap3A_272 = arith.constant 1 : i32
    %swap3A_273 = arith.index_cast %swap3A_272 : i32 to index
    %swap3A_274 = arith.constant 64 : index
    %swap3A_275 = tpu.vector_load %arg7[%swap3A_273, %swap3A_274] {strides = array<i32>} : memref<4x128xi32, #tpu.memory_space<vmem>>, vector<16xi32>,
    tpu.vector_store %arg7[%swap3A_273, %swap3A_274], %min3A_271 {strides = array<i32>} : memref<4x128xi32, #tpu.memory_space<vmem>>, vector<16xi32>,
    %get3A_276 = arith.constant 192 : index
    %get3A_277 = tpu.vector_load %arg8[%get3A_276] {strides = array<i32>} : memref<512xi32, #tpu.memory_space<vmem>>, vector<16xi32>,
    %max3A_278 = arith.constant 0 : i32
    %max3A_279 = vector.broadcast %max3A_278 : i32 to vector<16xi32>
    %max3A_280 = arith.maxsi %get3A_277, %max3A_279 : vector<16xi32>
    %min3A_281 = arith.constant 999 : i32
    %min3A_282 = vector.broadcast %min3A_281 : i32 to vector<16xi32>
    %min3A_283 = arith.minsi %max3A_280, %min3A_282 : vector<16xi32>
    %swap3A_284 = arith.constant 192 : index
    %swap3A_285 = tpu.vector_load %arg8[%swap3A_284] {strides = array<i32>} : memref<512xi32, #tpu.memory_space<vmem>>, vector<16xi32>,
    tpu.vector_store %arg8[%swap3A_284], %min3A_283 {strides = array<i32>} : memref<512xi32, #tpu.memory_space<vmem>>, vector<16xi32>,
    %get3A_286 = arith.constant 208 : index
    %get3A_287 = tpu.vector_load %arg6[%get3A_286] {strides = array<i32>} : memref<512xi32, #tpu.memory_space<vmem>>, vector<16xi32>,
    %max3A_288 = arith.constant 0 : i32
    %max3A_289 = vector.broadcast %max3A_288 : i32 to vector<16xi32>
    %max3A_290 = arith.maxsi %get3A_287, %max3A_289 : vector<16xi32>
    %min3A_291 = arith.constant 99999 : i32
    %min3A_292 = vector.broadcast %min3A_291 : i32 to vector<16xi32>
    %min3A_293 = arith.minsi %max3A_290, %min3A_292 : vector<16xi32>
    %swap3A_294 = arith.constant 1 : i32
    %swap3A_295 = arith.index_cast %swap3A_294 : i32 to index
    %swap3A_296 = arith.constant 80 : index
    %swap3A_297 = tpu.vector_load %arg7[%swap3A_295, %swap3A_296] {strides = array<i32>} : memref<4x128xi32, #tpu.memory_space<vmem>>, vector<16xi32>,
    tpu.vector_store %arg7[%swap3A_295, %swap3A_296], %min3A_293 {strides = array<i32>} : memref<4x128xi32, #tpu.memory_space<vmem>>, vector<16xi32>,
    %get3A_298 = arith.constant 208 : index
    %get3A_299 = tpu.vector_load %arg8[%get3A_298] {strides = array<i32>} : memref<512xi32, #tpu.memory_space<vmem>>, vector<16xi32>,
    %max3A_300 = arith.constant 0 : i32
    %max3A_301 = vector.broadcast %max3A_300 : i32 to vector<16xi32>
    %max3A_302 = arith.maxsi %get3A_299, %max3A_301 : vector<16xi32>
    %min3A_303 = arith.constant 999 : i32
    %min3A_304 = vector.broadcast %min3A_303 : i32 to vector<16xi32>
    %min3A_305 = arith.minsi %max3A_302, %min3A_304 : vector<16xi32>
    %swap3A_306 = arith.constant 208 : index
    %swap3A_307 = tpu.vector_load %arg8[%swap3A_306] {strides = array<i32>} : memref<512xi32, #tpu.memory_space<vmem>>, vector<16xi32>,
    tpu.vector_store %arg8[%swap3A_306], %min3A_305 {strides = array<i32>} : memref<512xi32, #tpu.memory_space<vmem>>, vector<16xi32>,
    %get3A_308 = arith.constant 224 : index
    %get3A_309 = tpu.vector_load %arg6[%get3A_308] {strides = array<i32>} : memref<512xi32, #tpu.memory_space<vmem>>, vector<16xi32>,
    %max3A_310 = arith.constant 0 : i32
    %max3A_311 = vector.broadcast %max3A_310 : i32 to vector<16xi32>
    %max3A_312 = arith.maxsi %get3A_309, %max3A_311 : vector<16xi32>
    %min3A_313 = arith.constant 99999 : i32
    %min3A_314 = vector.broadcast %min3A_313 : i32 to vector<16xi32>
    %min3A_315 = arith.minsi %max3A_312, %min3A_314 : vector<16xi32>
    %swap3A_316 = arith.constant 1 : i32
    %swap3A_317 = arith.index_cast %swap3A_316 : i32 to index
    %swap3A_318 = arith.constant 96 : index
    %swap3A_319 = tpu.vector_load %arg7[%swap3A_317, %swap3A_318] {strides = array<i32>} : memref<4x128xi32, #tpu.memory_space<vmem>>, vector<16xi32>,
    tpu.vector_store %arg7[%swap3A_317, %swap3A_318], %min3A_315 {strides = array<i32>} : memref<4x128xi32, #tpu.memory_space<vmem>>, vector<16xi32>,
    %get3A_320 = arith.constant 224 : index
    %get3A_321 = tpu.vector_load %arg8[%get3A_320] {strides = array<i32>} : memref<512xi32, #tpu.memory_space<vmem>>, vector<16xi32>,
    %max3A_322 = arith.constant 0 : i32
    %max3A_323 = vector.broadcast %max3A_322 : i32 to vector<16xi32>
    %max3A_324 = arith.maxsi %get3A_321, %max3A_323 : vector<16xi32>
    %min3A_325 = arith.constant 999 : i32
    %min3A_326 = vector.broadcast %min3A_325 : i32 to vector<16xi32>
    %min3A_327 = arith.minsi %max3A_324, %min3A_326 : vector<16xi32>
    %swap3A_328 = arith.constant 224 : index
    %swap3A_329 = tpu.vector_load %arg8[%swap3A_328] {strides = array<i32>} : memref<512xi32, #tpu.memory_space<vmem>>, vector<16xi32>,
    tpu.vector_store %arg8[%swap3A_328], %min3A_327 {strides = array<i32>} : memref<512xi32, #tpu.memory_space<vmem>>, vector<16xi32>,
    %get3A_330 = arith.constant 240 : index
    %get3A_331 = tpu.vector_load %arg6[%get3A_330] {strides = array<i32>} : memref<512xi32, #tpu.memory_space<vmem>>, vector<16xi32>,
    %max3A_332 = arith.constant 0 : i32
    %max3A_333 = vector.broadcast %max3A_332 : i32 to vector<16xi32>
    %max3A_334 = arith.maxsi %get3A_331, %max3A_333 : vector<16xi32>
    %min3A_335 = arith.constant 99999 : i32
    %min3A_336 = vector.broadcast %min3A_335 : i32 to vector<16xi32>
    %min3A_337 = arith.minsi %max3A_334, %min3A_336 : vector<16xi32>
    %swap3A_338 = arith.constant 1 : i32
    %swap3A_339 = arith.index_cast %swap3A_338 : i32 to index
    %swap3A_340 = arith.constant 112 : index
    %swap3A_341 = tpu.vector_load %arg7[%swap3A_339, %swap3A_340] {strides = array<i32>} : memref<4x128xi32, #tpu.memory_space<vmem>>, vector<16xi32>,
    tpu.vector_store %arg7[%swap3A_339, %swap3A_340], %min3A_337 {strides = array<i32>} : memref<4x128xi32, #tpu.memory_space<vmem>>, vector<16xi32>,
    %get3A_342 = arith.constant 240 : index
    %get3A_343 = tpu.vector_load %arg8[%get3A_342] {strides = array<i32>} : memref<512xi32, #tpu.memory_space<vmem>>, vector<16xi32>,
    %max3A_344 = arith.constant 0 : i32
    %max3A_345 = vector.broadcast %max3A_344 : i32 to vector<16xi32>
    %max3A_346 = arith.maxsi %get3A_343, %max3A_345 : vector<16xi32>
    %min3A_347 = arith.constant 999 : i32
    %min3A_348 = vector.broadcast %min3A_347 : i32 to vector<16xi32>
    %min3A_349 = arith.minsi %max3A_346, %min3A_348 : vector<16xi32>
    %swap3A_350 = arith.constant 240 : index
    %swap3A_351 = tpu.vector_load %arg8[%swap3A_350] {strides = array<i32>} : memref<512xi32, #tpu.memory_space<vmem>>, vector<16xi32>,
    tpu.vector_store %arg8[%swap3A_350], %min3A_349 {strides = array<i32>} : memref<512xi32, #tpu.memory_space<vmem>>, vector<16xi32>,
    %get3A_352 = arith.constant 256 : index
    %get3A_353 = tpu.vector_load %arg6[%get3A_352] {strides = array<i32>} : memref<512xi32, #tpu.memory_space<vmem>>, vector<16xi32>,
    %max3A_354 = arith.constant 0 : i32
    %max3A_355 = vector.broadcast %max3A_354 : i32 to vector<16xi32>
    %max3A_356 = arith.maxsi %get3A_353, %max3A_355 : vector<16xi32>
    %min3A_357 = arith.constant 99999 : i32
    %min3A_358 = vector.broadcast %min3A_357 : i32 to vector<16xi32>
    %min3A_359 = arith.minsi %max3A_356, %min3A_358 : vector<16xi32>
    %swap3A_360 = arith.constant 2 : i32
    %swap3A_361 = arith.index_cast %swap3A_360 : i32 to index
    %swap3A_362 = arith.constant 0 : index
    %swap3A_363 = tpu.vector_load %arg7[%swap3A_361, %swap3A_362] {strides = array<i32>} : memref<4x128xi32, #tpu.memory_space<vmem>>, vector<16xi32>,
    tpu.vector_store %arg7[%swap3A_361, %swap3A_362], %min3A_359 {strides = array<i32>} : memref<4x128xi32, #tpu.memory_space<vmem>>, vector<16xi32>,
    %get3A_364 = arith.constant 256 : index
    %get3A_365 = tpu.vector_load %arg8[%get3A_364] {strides = array<i32>} : memref<512xi32, #tpu.memory_space<vmem>>, vector<16xi32>,
    %max3A_366 = arith.constant 0 : i32
    %max3A_367 = vector.broadcast %max3A_366 : i32 to vector<16xi32>
    %max3A_368 = arith.maxsi %get3A_365, %max3A_367 : vector<16xi32>
    %min3A_369 = arith.constant 999 : i32
    %min3A_370 = vector.broadcast %min3A_369 : i32 to vector<16xi32>
    %min3A_371 = arith.minsi %max3A_368, %min3A_370 : vector<16xi32>
    %swap3A_372 = arith.constant 256 : index
    %swap3A_373 = tpu.vector_load %arg8[%swap3A_372] {strides = array<i32>} : memref<512xi32, #tpu.memory_space<vmem>>, vector<16xi32>,
    tpu.vector_store %arg8[%swap3A_372], %min3A_371 {strides = array<i32>} : memref<512xi32, #tpu.memory_space<vmem>>, vector<16xi32>,
    %get3A_374 = arith.constant 272 : index
    %get3A_375 = tpu.vector_load %arg6[%get3A_374] {strides = array<i32>} : memref<512xi32, #tpu.memory_space<vmem>>, vector<16xi32>,
    %max3A_376 = arith.constant 0 : i32
    %max3A_377 = vector.broadcast %max3A_376 : i32 to vector<16xi32>
    %max3A_378 = arith.maxsi %get3A_375, %max3A_377 : vector<16xi32>
    %min3A_379 = arith.constant 99999 : i32
    %min3A_380 = vector.broadcast %min3A_379 : i32 to vector<16xi32>
    %min3A_381 = arith.minsi %max3A_378, %min3A_380 : vector<16xi32>
    %swap3A_382 = arith.constant 2 : i32
    %swap3A_383 = arith.index_cast %swap3A_382 : i32 to index
    %swap3A_384 = arith.constant 16 : index
    %swap3A_385 = tpu.vector_load %arg7[%swap3A_383, %swap3A_384] {strides = array<i32>} : memref<4x128xi32, #tpu.memory_space<vmem>>, vector<16xi32>,
    tpu.vector_store %arg7[%swap3A_383, %swap3A_384], %min3A_381 {strides = array<i32>} : memref<4x128xi32, #tpu.memory_space<vmem>>, vector<16xi32>,
    %get3A_386 = arith.constant 272 : index
    %get3A_387 = tpu.vector_load %arg8[%get3A_386] {strides = array<i32>} : memref<512xi32, #tpu.memory_space<vmem>>, vector<16xi32>,
    %max3A_388 = arith.constant 0 : i32
    %max3A_389 = vector.broadcast %max3A_388 : i32 to vector<16xi32>
    %max3A_390 = arith.maxsi %get3A_387, %max3A_389 : vector<16xi32>
    %min3A_391 = arith.constant 999 : i32
    %min3A_392 = vector.broadcast %min3A_391 : i32 to vector<16xi32>
    %min3A_393 = arith.minsi %max3A_390, %min3A_392 : vector<16xi32>
    %swap3A_394 = arith.constant 272 : index
    %swap3A_395 = tpu.vector_load %arg8[%swap3A_394] {strides = array<i32>} : memref<512xi32, #tpu.memory_space<vmem>>, vector<16xi32>,
    tpu.vector_store %arg8[%swap3A_394], %min3A_393 {strides = array<i32>} : memref<512xi32, #tpu.memory_space<vmem>>, vector<16xi32>,
    %get3A_396 = arith.constant 288 : index
    %get3A_397 = tpu.vector_load %arg6[%get3A_396] {strides = array<i32>} : memref<512xi32, #tpu.memory_space<vmem>>, vector<16xi32>,
    %max3A_398 = arith.constant 0 : i32
    %max3A_399 = vector.broadcast %max3A_398 : i32 to vector<16xi32>
    %max3A_400 = arith.maxsi %get3A_397, %max3A_399 : vector<16xi32>
    %min3A_401 = arith.constant 99999 : i32
    %min3A_402 = vector.broadcast %min3A_401 : i32 to vector<16xi32>
    %min3A_403 = arith.minsi %max3A_400, %min3A_402 : vector<16xi32>
    %swap3A_404 = arith.constant 2 : i32
    %swap3A_405 = arith.index_cast %swap3A_404 : i32 to index
    %swap3A_406 = arith.constant 32 : index
    %swap3A_407 = tpu.vector_load %arg7[%swap3A_405, %swap3A_406] {strides = array<i32>} : memref<4x128xi32, #tpu.memory_space<vmem>>, vector<16xi32>,
    tpu.vector_store %arg7[%swap3A_405, %swap3A_406], %min3A_403 {strides = array<i32>} : memref<4x128xi32, #tpu.memory_space<vmem>>, vector<16xi32>,
    %get3A_408 = arith.constant 288 : index
    %get3A_409 = tpu.vector_load %arg8[%get3A_408] {strides = array<i32>} : memref<512xi32, #tpu.memory_space<vmem>>, vector<16xi32>,
    %max3A_410 = arith.constant 0 : i32
    %max3A_411 = vector.broadcast %max3A_410 : i32 to vector<16xi32>
    %max3A_412 = arith.maxsi %get3A_409, %max3A_411 : vector<16xi32>
    %min3A_413 = arith.constant 999 : i32
    %min3A_414 = vector.broadcast %min3A_413 : i32 to vector<16xi32>
    %min3A_415 = arith.minsi %max3A_412, %min3A_414 : vector<16xi32>
    %swap3A_416 = arith.constant 288 : index
    %swap3A_417 = tpu.vector_load %arg8[%swap3A_416] {strides = array<i32>} : memref<512xi32, #tpu.memory_space<vmem>>, vector<16xi32>,
    tpu.vector_store %arg8[%swap3A_416], %min3A_415 {strides = array<i32>} : memref<512xi32, #tpu.memory_space<vmem>>, vector<16xi32>,
    %get3A_418 = arith.constant 304 : index
    %get3A_419 = tpu.vector_load %arg6[%get3A_418] {strides = array<i32>} : memref<512xi32, #tpu.memory_space<vmem>>, vector<16xi32>,
    %max3A_420 = arith.constant 0 : i32
    %max3A_421 = vector.broadcast %max3A_420 : i32 to vector<16xi32>
    %max3A_422 = arith.maxsi %get3A_419, %max3A_421 : vector<16xi32>
    %min3A_423 = arith.constant 99999 : i32
    %min3A_424 = vector.broadcast %min3A_423 : i32 to vector<16xi32>
    %min3A_425 = arith.minsi %max3A_422, %min3A_424 : vector<16xi32>
    %swap3A_426 = arith.constant 2 : i32
    %swap3A_427 = arith.index_cast %swap3A_426 : i32 to index
    %swap3A_428 = arith.constant 48 : index
    %swap3A_429 = tpu.vector_load %arg7[%swap3A_427, %swap3A_428] {strides = array<i32>} : memref<4x128xi32, #tpu.memory_space<vmem>>, vector<16xi32>,
    tpu.vector_store %arg7[%swap3A_427, %swap3A_428], %min3A_425 {strides = array<i32>} : memref<4x128xi32, #tpu.memory_space<vmem>>, vector<16xi32>,
    %get3A_430 = arith.constant 304 : index
    %get3A_431 = tpu.vector_load %arg8[%get3A_430] {strides = array<i32>} : memref<512xi32, #tpu.memory_space<vmem>>, vector<16xi32>,
    %max3A_432 = arith.constant 0 : i32
    %max3A_433 = vector.broadcast %max3A_432 : i32 to vector<16xi32>
    %max3A_434 = arith.maxsi %get3A_431, %max3A_433 : vector<16xi32>
    %min3A_435 = arith.constant 999 : i32
    %min3A_436 = vector.broadcast %min3A_435 : i32 to vector<16xi32>
    %min3A_437 = arith.minsi %max3A_434, %min3A_436 : vector<16xi32>
    %swap3A_438 = arith.constant 304 : index
    %swap3A_439 = tpu.vector_load %arg8[%swap3A_438] {strides = array<i32>} : memref<512xi32, #tpu.memory_space<vmem>>, vector<16xi32>,
    tpu.vector_store %arg8[%swap3A_438], %min3A_437 {strides = array<i32>} : memref<512xi32, #tpu.memory_space<vmem>>, vector<16xi32>,
    %get3A_440 = arith.constant 320 : index
    %get3A_441 = tpu.vector_load %arg6[%get3A_440] {strides = array<i32>} : memref<512xi32, #tpu.memory_space<vmem>>, vector<16xi32>,
    %max3A_442 = arith.constant 0 : i32
    %max3A_443 = vector.broadcast %max3A_442 : i32 to vector<16xi32>
    %max3A_444 = arith.maxsi %get3A_441, %max3A_443 : vector<16xi32>
    %min3A_445 = arith.constant 99999 : i32
    %min3A_446 = vector.broadcast %min3A_445 : i32 to vector<16xi32>
    %min3A_447 = arith.minsi %max3A_444, %min3A_446 : vector<16xi32>
    %swap3A_448 = arith.constant 2 : i32
    %swap3A_449 = arith.index_cast %swap3A_448 : i32 to index
    %swap3A_450 = arith.constant 64 : index
    %swap3A_451 = tpu.vector_load %arg7[%swap3A_449, %swap3A_450] {strides = array<i32>} : memref<4x128xi32, #tpu.memory_space<vmem>>, vector<16xi32>,
    tpu.vector_store %arg7[%swap3A_449, %swap3A_450], %min3A_447 {strides = array<i32>} : memref<4x128xi32, #tpu.memory_space<vmem>>, vector<16xi32>,
    %get3A_452 = arith.constant 320 : index
    %get3A_453 = tpu.vector_load %arg8[%get3A_452] {strides = array<i32>} : memref<512xi32, #tpu.memory_space<vmem>>, vector<16xi32>,
    %max3A_454 = arith.constant 0 : i32
    %max3A_455 = vector.broadcast %max3A_454 : i32 to vector<16xi32>
    %max3A_456 = arith.maxsi %get3A_453, %max3A_455 : vector<16xi32>
    %min3A_457 = arith.constant 999 : i32
    %min3A_458 = vector.broadcast %min3A_457 : i32 to vector<16xi32>
    %min3A_459 = arith.minsi %max3A_456, %min3A_458 : vector<16xi32>
    %swap3A_460 = arith.constant 320 : index
    %swap3A_461 = tpu.vector_load %arg8[%swap3A_460] {strides = array<i32>} : memref<512xi32, #tpu.memory_space<vmem>>, vector<16xi32>,
    tpu.vector_store %arg8[%swap3A_460], %min3A_459 {strides = array<i32>} : memref<512xi32, #tpu.memory_space<vmem>>, vector<16xi32>,
    %get3A_462 = arith.constant 336 : index
    %get3A_463 = tpu.vector_load %arg6[%get3A_462] {strides = array<i32>} : memref<512xi32, #tpu.memory_space<vmem>>, vector<16xi32>,
    %max3A_464 = arith.constant 0 : i32
    %max3A_465 = vector.broadcast %max3A_464 : i32 to vector<16xi32>
    %max3A_466 = arith.maxsi %get3A_463, %max3A_465 : vector<16xi32>
    %min3A_467 = arith.constant 99999 : i32
    %min3A_468 = vector.broadcast %min3A_467 : i32 to vector<16xi32>
    %min3A_469 = arith.minsi %max3A_466, %min3A_468 : vector<16xi32>
    %swap3A_470 = arith.constant 2 : i32
    %swap3A_471 = arith.index_cast %swap3A_470 : i32 to index
    %swap3A_472 = arith.constant 80 : index
    %swap3A_473 = tpu.vector_load %arg7[%swap3A_471, %swap3A_472] {strides = array<i32>} : memref<4x128xi32, #tpu.memory_space<vmem>>, vector<16xi32>,
    tpu.vector_store %arg7[%swap3A_471, %swap3A_472], %min3A_469 {strides = array<i32>} : memref<4x128xi32, #tpu.memory_space<vmem>>, vector<16xi32>,
    %get3A_474 = arith.constant 336 : index
    %get3A_475 = tpu.vector_load %arg8[%get3A_474] {strides = array<i32>} : memref<512xi32, #tpu.memory_space<vmem>>, vector<16xi32>,
    %max3A_476 = arith.constant 0 : i32
    %max3A_477 = vector.broadcast %max3A_476 : i32 to vector<16xi32>
    %max3A_478 = arith.maxsi %get3A_475, %max3A_477 : vector<16xi32>
    %min3A_479 = arith.constant 999 : i32
    %min3A_480 = vector.broadcast %min3A_479 : i32 to vector<16xi32>
    %min3A_481 = arith.minsi %max3A_478, %min3A_480 : vector<16xi32>
    %swap3A_482 = arith.constant 336 : index
    %swap3A_483 = tpu.vector_load %arg8[%swap3A_482] {strides = array<i32>} : memref<512xi32, #tpu.memory_space<vmem>>, vector<16xi32>,
    tpu.vector_store %arg8[%swap3A_482], %min3A_481 {strides = array<i32>} : memref<512xi32, #tpu.memory_space<vmem>>, vector<16xi32>,
    %get3A_484 = arith.constant 352 : index
    %get3A_485 = tpu.vector_load %arg6[%get3A_484] {strides = array<i32>} : memref<512xi32, #tpu.memory_space<vmem>>, vector<16xi32>,
    %max3A_486 = arith.constant 0 : i32
    %max3A_487 = vector.broadcast %max3A_486 : i32 to vector<16xi32>
    %max3A_488 = arith.maxsi %get3A_485, %max3A_487 : vector<16xi32>
    %min3A_489 = arith.constant 99999 : i32
    %min3A_490 = vector.broadcast %min3A_489 : i32 to vector<16xi32>
    %min3A_491 = arith.minsi %max3A_488, %min3A_490 : vector<16xi32>
    %swap3A_492 = arith.constant 2 : i32
    %swap3A_493 = arith.index_cast %swap3A_492 : i32 to index
    %swap3A_494 = arith.constant 96 : index
    %swap3A_495 = tpu.vector_load %arg7[%swap3A_493, %swap3A_494] {strides = array<i32>} : memref<4x128xi32, #tpu.memory_space<vmem>>, vector<16xi32>,
    tpu.vector_store %arg7[%swap3A_493, %swap3A_494], %min3A_491 {strides = array<i32>} : memref<4x128xi32, #tpu.memory_space<vmem>>, vector<16xi32>,
    %get3A_496 = arith.constant 352 : index
    %get3A_497 = tpu.vector_load %arg8[%get3A_496] {strides = array<i32>} : memref<512xi32, #tpu.memory_space<vmem>>, vector<16xi32>,
    %max3A_498 = arith.constant 0 : i32
    %max3A_499 = vector.broadcast %max3A_498 : i32 to vector<16xi32>
    %max3A_500 = arith.maxsi %get3A_497, %max3A_499 : vector<16xi32>
    %min3A_501 = arith.constant 999 : i32
    %min3A_502 = vector.broadcast %min3A_501 : i32 to vector<16xi32>
    %min3A_503 = arith.minsi %max3A_500, %min3A_502 : vector<16xi32>
    %swap3A_504 = arith.constant 352 : index
    %swap3A_505 = tpu.vector_load %arg8[%swap3A_504] {strides = array<i32>} : memref<512xi32, #tpu.memory_space<vmem>>, vector<16xi32>,
    tpu.vector_store %arg8[%swap3A_504], %min3A_503 {strides = array<i32>} : memref<512xi32, #tpu.memory_space<vmem>>, vector<16xi32>,
    %get3A_506 = arith.constant 368 : index
    %get3A_507 = tpu.vector_load %arg6[%get3A_506] {strides = array<i32>} : memref<512xi32, #tpu.memory_space<vmem>>, vector<16xi32>,
    %max3A_508 = arith.constant 0 : i32
    %max3A_509 = vector.broadcast %max3A_508 : i32 to vector<16xi32>
    %max3A_510 = arith.maxsi %get3A_507, %max3A_509 : vector<16xi32>
    %min3A_511 = arith.constant 99999 : i32
    %min3A_512 = vector.broadcast %min3A_511 : i32 to vector<16xi32>
    %min3A_513 = arith.minsi %max3A_510, %min3A_512 : vector<16xi32>
    %swap3A_514 = arith.constant 2 : i32
    %swap3A_515 = arith.index_cast %swap3A_514 : i32 to index
    %swap3A_516 = arith.constant 112 : index
    %swap3A_517 = tpu.vector_load %arg7[%swap3A_515, %swap3A_516] {strides = array<i32>} : memref<4x128xi32, #tpu.memory_space<vmem>>, vector<16xi32>,
    tpu.vector_store %arg7[%swap3A_515, %swap3A_516], %min3A_513 {strides = array<i32>} : memref<4x128xi32, #tpu.memory_space<vmem>>, vector<16xi32>,
    %get3A_518 = arith.constant 368 : index
    %get3A_519 = tpu.vector_load %arg8[%get3A_518] {strides = array<i32>} : memref<512xi32, #tpu.memory_space<vmem>>, vector<16xi32>,
    %max3A_520 = arith.constant 0 : i32
    %max3A_521 = vector.broadcast %max3A_520 : i32 to vector<16xi32>
    %max3A_522 = arith.maxsi %get3A_519, %max3A_521 : vector<16xi32>
    %min3A_523 = arith.constant 999 : i32
    %min3A_524 = vector.broadcast %min3A_523 : i32 to vector<16xi32>
    %min3A_525 = arith.minsi %max3A_522, %min3A_524 : vector<16xi32>
    %swap3A_526 = arith.constant 368 : index
    %swap3A_527 = tpu.vector_load %arg8[%swap3A_526] {strides = array<i32>} : memref<512xi32, #tpu.memory_space<vmem>>, vector<16xi32>,
    tpu.vector_store %arg8[%swap3A_526], %min3A_525 {strides = array<i32>} : memref<512xi32, #tpu.memory_space<vmem>>, vector<16xi32>,
    %get3A_528 = arith.constant 384 : index
    %get3A_529 = tpu.vector_load %arg6[%get3A_528] {strides = array<i32>} : memref<512xi32, #tpu.memory_space<vmem>>, vector<16xi32>,
    %max3A_530 = arith.constant 0 : i32
    %max3A_531 = vector.broadcast %max3A_530 : i32 to vector<16xi32>
    %max3A_532 = arith.maxsi %get3A_529, %max3A_531 : vector<16xi32>
    %min3A_533 = arith.constant 99999 : i32
    %min3A_534 = vector.broadcast %min3A_533 : i32 to vector<16xi32>
    %min3A_535 = arith.minsi %max3A_532, %min3A_534 : vector<16xi32>
    %swap3A_536 = arith.constant 3 : i32
    %swap3A_537 = arith.index_cast %swap3A_536 : i32 to index
    %swap3A_538 = arith.constant 0 : index
    %swap3A_539 = tpu.vector_load %arg7[%swap3A_537, %swap3A_538] {strides = array<i32>} : memref<4x128xi32, #tpu.memory_space<vmem>>, vector<16xi32>,
    tpu.vector_store %arg7[%swap3A_537, %swap3A_538], %min3A_535 {strides = array<i32>} : memref<4x128xi32, #tpu.memory_space<vmem>>, vector<16xi32>,
    %get3A_540 = arith.constant 384 : index
    %get3A_541 = tpu.vector_load %arg8[%get3A_540] {strides = array<i32>} : memref<512xi32, #tpu.memory_space<vmem>>, vector<16xi32>,
    %max3A_542 = arith.constant 0 : i32
    %max3A_543 = vector.broadcast %max3A_542 : i32 to vector<16xi32>
    %max3A_544 = arith.maxsi %get3A_541, %max3A_543 : vector<16xi32>
    %min3A_545 = arith.constant 999 : i32
    %min3A_546 = vector.broadcast %min3A_545 : i32 to vector<16xi32>
    %min3A_547 = arith.minsi %max3A_544, %min3A_546 : vector<16xi32>
    %swap3A_548 = arith.constant 384 : index
    %swap3A_549 = tpu.vector_load %arg8[%swap3A_548] {strides = array<i32>} : memref<512xi32, #tpu.memory_space<vmem>>, vector<16xi32>,
    tpu.vector_store %arg8[%swap3A_548], %min3A_547 {strides = array<i32>} : memref<512xi32, #tpu.memory_space<vmem>>, vector<16xi32>,
    %get3A_550 = arith.constant 400 : index
    %get3A_551 = tpu.vector_load %arg6[%get3A_550] {strides = array<i32>} : memref<512xi32, #tpu.memory_space<vmem>>, vector<16xi32>,
    %max3A_552 = arith.constant 0 : i32
    %max3A_553 = vector.broadcast %max3A_552 : i32 to vector<16xi32>
    %max3A_554 = arith.maxsi %get3A_551, %max3A_553 : vector<16xi32>
    %min3A_555 = arith.constant 99999 : i32
    %min3A_556 = vector.broadcast %min3A_555 : i32 to vector<16xi32>
    %min3A_557 = arith.minsi %max3A_554, %min3A_556 : vector<16xi32>
    %swap3A_558 = arith.constant 3 : i32
    %swap3A_559 = arith.index_cast %swap3A_558 : i32 to index
    %swap3A_560 = arith.constant 16 : index
    %swap3A_561 = tpu.vector_load %arg7[%swap3A_559, %swap3A_560] {strides = array<i32>} : memref<4x128xi32, #tpu.memory_space<vmem>>, vector<16xi32>,
    tpu.vector_store %arg7[%swap3A_559, %swap3A_560], %min3A_557 {strides = array<i32>} : memref<4x128xi32, #tpu.memory_space<vmem>>, vector<16xi32>,
    %get3A_562 = arith.constant 400 : index
    %get3A_563 = tpu.vector_load %arg8[%get3A_562] {strides = array<i32>} : memref<512xi32, #tpu.memory_space<vmem>>, vector<16xi32>,
    %max3A_564 = arith.constant 0 : i32
    %max3A_565 = vector.broadcast %max3A_564 : i32 to vector<16xi32>
    %max3A_566 = arith.maxsi %get3A_563, %max3A_565 : vector<16xi32>
    %min3A_567 = arith.constant 999 : i32
    %min3A_568 = vector.broadcast %min3A_567 : i32 to vector<16xi32>
    %min3A_569 = arith.minsi %max3A_566, %min3A_568 : vector<16xi32>
    %swap3A_570 = arith.constant 400 : index
    %swap3A_571 = tpu.vector_load %arg8[%swap3A_570] {strides = array<i32>} : memref<512xi32, #tpu.memory_space<vmem>>, vector<16xi32>,
    tpu.vector_store %arg8[%swap3A_570], %min3A_569 {strides = array<i32>} : memref<512xi32, #tpu.memory_space<vmem>>, vector<16xi32>,
    %get3A_572 = arith.constant 416 : index
    %get3A_573 = tpu.vector_load %arg6[%get3A_572] {strides = array<i32>} : memref<512xi32, #tpu.memory_space<vmem>>, vector<16xi32>,
    %max3A_574 = arith.constant 0 : i32
    %max3A_575 = vector.broadcast %max3A_574 : i32 to vector<16xi32>
    %max3A_576 = arith.maxsi %get3A_573, %max3A_575 : vector<16xi32>
    %min3A_577 = arith.constant 99999 : i32
    %min3A_578 = vector.broadcast %min3A_577 : i32 to vector<16xi32>
    %min3A_579 = arith.minsi %max3A_576, %min3A_578 : vector<16xi32>
    %swap3A_580 = arith.constant 3 : i32
    %swap3A_581 = arith.index_cast %swap3A_580 : i32 to index
    %swap3A_582 = arith.constant 32 : index
    %swap3A_583 = tpu.vector_load %arg7[%swap3A_581, %swap3A_582] {strides = array<i32>} : memref<4x128xi32, #tpu.memory_space<vmem>>, vector<16xi32>,
    tpu.vector_store %arg7[%swap3A_581, %swap3A_582], %min3A_579 {strides = array<i32>} : memref<4x128xi32, #tpu.memory_space<vmem>>, vector<16xi32>,
    %get3A_584 = arith.constant 416 : index
    %get3A_585 = tpu.vector_load %arg8[%get3A_584] {strides = array<i32>} : memref<512xi32, #tpu.memory_space<vmem>>, vector<16xi32>,
    %max3A_586 = arith.constant 0 : i32
    %max3A_587 = vector.broadcast %max3A_586 : i32 to vector<16xi32>
    %max3A_588 = arith.maxsi %get3A_585, %max3A_587 : vector<16xi32>
    %min3A_589 = arith.constant 999 : i32
    %min3A_590 = vector.broadcast %min3A_589 : i32 to vector<16xi32>
    %min3A_591 = arith.minsi %max3A_588, %min3A_590 : vector<16xi32>
    %swap3A_592 = arith.constant 416 : index
    %swap3A_593 = tpu.vector_load %arg8[%swap3A_592] {strides = array<i32>} : memref<512xi32, #tpu.memory_space<vmem>>, vector<16xi32>,
    tpu.vector_store %arg8[%swap3A_592], %min3A_591 {strides = array<i32>} : memref<512xi32, #tpu.memory_space<vmem>>, vector<16xi32>,
    %get3A_594 = arith.constant 432 : index
    %get3A_595 = tpu.vector_load %arg6[%get3A_594] {strides = array<i32>} : memref<512xi32, #tpu.memory_space<vmem>>, vector<16xi32>,
    %max3A_596 = arith.constant 0 : i32
    %max3A_597 = vector.broadcast %max3A_596 : i32 to vector<16xi32>
    %max3A_598 = arith.maxsi %get3A_595, %max3A_597 : vector<16xi32>
    %min3A_599 = arith.constant 99999 : i32
    %min3A_600 = vector.broadcast %min3A_599 : i32 to vector<16xi32>
    %min3A_601 = arith.minsi %max3A_598, %min3A_600 : vector<16xi32>
    %swap3A_602 = arith.constant 3 : i32
    %swap3A_603 = arith.index_cast %swap3A_602 : i32 to index
    %swap3A_604 = arith.constant 48 : index
    %swap3A_605 = tpu.vector_load %arg7[%swap3A_603, %swap3A_604] {strides = array<i32>} : memref<4x128xi32, #tpu.memory_space<vmem>>, vector<16xi32>,
    tpu.vector_store %arg7[%swap3A_603, %swap3A_604], %min3A_601 {strides = array<i32>} : memref<4x128xi32, #tpu.memory_space<vmem>>, vector<16xi32>,
    %get3A_606 = arith.constant 432 : index
    %get3A_607 = tpu.vector_load %arg8[%get3A_606] {strides = array<i32>} : memref<512xi32, #tpu.memory_space<vmem>>, vector<16xi32>,
    %max3A_608 = arith.constant 0 : i32
    %max3A_609 = vector.broadcast %max3A_608 : i32 to vector<16xi32>
    %max3A_610 = arith.maxsi %get3A_607, %max3A_609 : vector<16xi32>
    %min3A_611 = arith.constant 999 : i32
    %min3A_612 = vector.broadcast %min3A_611 : i32 to vector<16xi32>
    %min3A_613 = arith.minsi %max3A_610, %min3A_612 : vector<16xi32>
    %swap3A_614 = arith.constant 432 : index
    %swap3A_615 = tpu.vector_load %arg8[%swap3A_614] {strides = array<i32>} : memref<512xi32, #tpu.memory_space<vmem>>, vector<16xi32>,
    tpu.vector_store %arg8[%swap3A_614], %min3A_613 {strides = array<i32>} : memref<512xi32, #tpu.memory_space<vmem>>, vector<16xi32>,
    %get3A_616 = arith.constant 448 : index
    %get3A_617 = tpu.vector_load %arg6[%get3A_616] {strides = array<i32>} : memref<512xi32, #tpu.memory_space<vmem>>, vector<16xi32>,
    %max3A_618 = arith.constant 0 : i32
    %max3A_619 = vector.broadcast %max3A_618 : i32 to vector<16xi32>
    %max3A_620 = arith.maxsi %get3A_617, %max3A_619 : vector<16xi32>
    %min3A_621 = arith.constant 99999 : i32
    %min3A_622 = vector.broadcast %min3A_621 : i32 to vector<16xi32>
    %min3A_623 = arith.minsi %max3A_620, %min3A_622 : vector<16xi32>
    %swap3A_624 = arith.constant 3 : i32
    %swap3A_625 = arith.index_cast %swap3A_624 : i32 to index
    %swap3A_626 = arith.constant 64 : index
    %swap3A_627 = tpu.vector_load %arg7[%swap3A_625, %swap3A_626] {strides = array<i32>} : memref<4x128xi32, #tpu.memory_space<vmem>>, vector<16xi32>,
    tpu.vector_store %arg7[%swap3A_625, %swap3A_626], %min3A_623 {strides = array<i32>} : memref<4x128xi32, #tpu.memory_space<vmem>>, vector<16xi32>,
    %get3A_628 = arith.constant 448 : index
    %get3A_629 = tpu.vector_load %arg8[%get3A_628] {strides = array<i32>} : memref<512xi32, #tpu.memory_space<vmem>>, vector<16xi32>,
    %max3A_630 = arith.constant 0 : i32
    %max3A_631 = vector.broadcast %max3A_630 : i32 to vector<16xi32>
    %max3A_632 = arith.maxsi %get3A_629, %max3A_631 : vector<16xi32>
    %min3A_633 = arith.constant 999 : i32
    %min3A_634 = vector.broadcast %min3A_633 : i32 to vector<16xi32>
    %min3A_635 = arith.minsi %max3A_632, %min3A_634 : vector<16xi32>
    %swap3A_636 = arith.constant 448 : index
    %swap3A_637 = tpu.vector_load %arg8[%swap3A_636] {strides = array<i32>} : memref<512xi32, #tpu.memory_space<vmem>>, vector<16xi32>,
    tpu.vector_store %arg8[%swap3A_636], %min3A_635 {strides = array<i32>} : memref<512xi32, #tpu.memory_space<vmem>>, vector<16xi32>,
    %get3A_638 = arith.constant 464 : index
    %get3A_639 = tpu.vector_load %arg6[%get3A_638] {strides = array<i32>} : memref<512xi32, #tpu.memory_space<vmem>>, vector<16xi32>,
    %max3A_640 = arith.constant 0 : i32
    %max3A_641 = vector.broadcast %max3A_640 : i32 to vector<16xi32>
    %max3A_642 = arith.maxsi %get3A_639, %max3A_641 : vector<16xi32>
    %min3A_643 = arith.constant 99999 : i32
    %min3A_644 = vector.broadcast %min3A_643 : i32 to vector<16xi32>
    %min3A_645 = arith.minsi %max3A_642, %min3A_644 : vector<16xi32>
    %swap3A_646 = arith.constant 3 : i32
    %swap3A_647 = arith.index_cast %swap3A_646 : i32 to index
    %swap3A_648 = arith.constant 80 : index
    %swap3A_649 = tpu.vector_load %arg7[%swap3A_647, %swap3A_648] {strides = array<i32>} : memref<4x128xi32, #tpu.memory_space<vmem>>, vector<16xi32>,
    tpu.vector_store %arg7[%swap3A_647, %swap3A_648], %min3A_645 {strides = array<i32>} : memref<4x128xi32, #tpu.memory_space<vmem>>, vector<16xi32>,
    %get3A_650 = arith.constant 464 : index
    %get3A_651 = tpu.vector_load %arg8[%get3A_650] {strides = array<i32>} : memref<512xi32, #tpu.memory_space<vmem>>, vector<16xi32>,
    %max3A_652 = arith.constant 0 : i32
    %max3A_653 = vector.broadcast %max3A_652 : i32 to vector<16xi32>
    %max3A_654 = arith.maxsi %get3A_651, %max3A_653 : vector<16xi32>
    %min3A_655 = arith.constant 999 : i32
    %min3A_656 = vector.broadcast %min3A_655 : i32 to vector<16xi32>
    %min3A_657 = arith.minsi %max3A_654, %min3A_656 : vector<16xi32>
    %swap3A_658 = arith.constant 464 : index
    %swap3A_659 = tpu.vector_load %arg8[%swap3A_658] {strides = array<i32>} : memref<512xi32, #tpu.memory_space<vmem>>, vector<16xi32>,
    tpu.vector_store %arg8[%swap3A_658], %min3A_657 {strides = array<i32>} : memref<512xi32, #tpu.memory_space<vmem>>, vector<16xi32>,
    %get3A_660 = arith.constant 480 : index
    %get3A_661 = tpu.vector_load %arg6[%get3A_660] {strides = array<i32>} : memref<512xi32, #tpu.memory_space<vmem>>, vector<16xi32>,
    %max3A_662 = arith.constant 0 : i32
    %max3A_663 = vector.broadcast %max3A_662 : i32 to vector<16xi32>
    %max3A_664 = arith.maxsi %get3A_661, %max3A_663 : vector<16xi32>
    %min3A_665 = arith.constant 99999 : i32
    %min3A_666 = vector.broadcast %min3A_665 : i32 to vector<16xi32>
    %min3A_667 = arith.minsi %max3A_664, %min3A_666 : vector<16xi32>
    %swap3A_668 = arith.constant 3 : i32
    %swap3A_669 = arith.index_cast %swap3A_668 : i32 to index
    %swap3A_670 = arith.constant 96 : index
    %swap3A_671 = tpu.vector_load %arg7[%swap3A_669, %swap3A_670] {strides = array<i32>} : memref<4x128xi32, #tpu.memory_space<vmem>>, vector<16xi32>,
    tpu.vector_store %arg7[%swap3A_669, %swap3A_670], %min3A_667 {strides = array<i32>} : memref<4x128xi32, #tpu.memory_space<vmem>>, vector<16xi32>,
    %get3A_672 = arith.constant 480 : index
    %get3A_673 = tpu.vector_load %arg8[%get3A_672] {strides = array<i32>} : memref<512xi32, #tpu.memory_space<vmem>>, vector<16xi32>,
    %max3A_674 = arith.constant 0 : i32
    %max3A_675 = vector.broadcast %max3A_674 : i32 to vector<16xi32>
    %max3A_676 = arith.maxsi %get3A_673, %max3A_675 : vector<16xi32>
    %min3A_677 = arith.constant 999 : i32
    %min3A_678 = vector.broadcast %min3A_677 : i32 to vector<16xi32>
    %min3A_679 = arith.minsi %max3A_676, %min3A_678 : vector<16xi32>
    %swap3A_680 = arith.constant 480 : index
    %swap3A_681 = tpu.vector_load %arg8[%swap3A_680] {strides = array<i32>} : memref<512xi32, #tpu.memory_space<vmem>>, vector<16xi32>,
    tpu.vector_store %arg8[%swap3A_680], %min3A_679 {strides = array<i32>} : memref<512xi32, #tpu.memory_space<vmem>>, vector<16xi32>,
    %get3A_682 = arith.constant 496 : index
    %get3A_683 = tpu.vector_load %arg6[%get3A_682] {strides = array<i32>} : memref<512xi32, #tpu.memory_space<vmem>>, vector<16xi32>,
    %max3A_684 = arith.constant 0 : i32
    %max3A_685 = vector.broadcast %max3A_684 : i32 to vector<16xi32>
    %max3A_686 = arith.maxsi %get3A_683, %max3A_685 : vector<16xi32>
    %min3A_687 = arith.constant 99999 : i32
    %min3A_688 = vector.broadcast %min3A_687 : i32 to vector<16xi32>
    %min3A_689 = arith.minsi %max3A_686, %min3A_688 : vector<16xi32>
    %swap3A_690 = arith.constant 3 : i32
    %swap3A_691 = arith.index_cast %swap3A_690 : i32 to index
    %swap3A_692 = arith.constant 112 : index
    %swap3A_693 = tpu.vector_load %arg7[%swap3A_691, %swap3A_692] {strides = array<i32>} : memref<4x128xi32, #tpu.memory_space<vmem>>, vector<16xi32>,
    tpu.vector_store %arg7[%swap3A_691, %swap3A_692], %min3A_689 {strides = array<i32>} : memref<4x128xi32, #tpu.memory_space<vmem>>, vector<16xi32>,
    %get3A_694 = arith.constant 496 : index
    %get3A_695 = tpu.vector_load %arg8[%get3A_694] {strides = array<i32>} : memref<512xi32, #tpu.memory_space<vmem>>, vector<16xi32>,
    %max3A_696 = arith.constant 0 : i32
    %max3A_697 = vector.broadcast %max3A_696 : i32 to vector<16xi32>
    %max3A_698 = arith.maxsi %get3A_695, %max3A_697 : vector<16xi32>
    %min3A_699 = arith.constant 999 : i32
    %min3A_700 = vector.broadcast %min3A_699 : i32 to vector<16xi32>
    %min3A_701 = arith.minsi %max3A_698, %min3A_700 : vector<16xi32>
    %swap3A_702 = arith.constant 496 : index
    %swap3A_703 = tpu.vector_load %arg8[%swap3A_702] {strides = array<i32>} : memref<512xi32, #tpu.memory_space<vmem>>, vector<16xi32>,
    tpu.vector_store %arg8[%swap3A_702], %min3A_701 {strides = array<i32>} : memref<512xi32, #tpu.memory_space<vmem>>, vector<16xi32>,
    %dma_start3A = arith.constant 0 : i32
    %dma_start3A_704 = arith.constant 0 : i32
    %dma_start3A_705 = arith.constant 0 : i32
    %dma_start3A_706 = tpu.memref_slice %arg9[%dma_start3A_704, %dma_start3A_705] : memref<512x64xf32, #tpu.memory_space<vmem>> -> memref<128x64xf32, #tpu.memory_space<vmem>>
    %dma_start3A_707 = arith.constant 0 : i32
    %dma_start3A_708 = tpu.memref_slice %arg7[%dma_start3A, %dma_start3A_707] : memref<4x128xi32, #tpu.memory_space<vmem>> -> memref<1x128xi32, #tpu.memory_space<vmem>>
    %dma_start3A_709 = tpu.memref_squeeze %dma_start3A_708 : memref<1x128xi32, #tpu.memory_space<vmem>> -> memref<128xi32, #tpu.memory_space<vmem>>
    %dma_start3A_710 = arith.constant 0 : i32
    %dma_start3A_711 = arith.constant 0 : i32
    %dma_start3A_712 = tpu.memref_slice %arg3[%dma_start3A_710, %dma_start3A_711] : memref<100000x64xf32, #tpu.memory_space<hbm>> -> memref<100000x64xf32, #tpu.memory_space<hbm>>
    tpu.enqueue_indirect_dma source(%dma_start3A_712 : memref<100000x64xf32, #tpu.memory_space<hbm>>) target(%dma_start3A_706 : memref<128x64xf32, #tpu.memory_space<vmem>>) offsets(%dma_start3A_709 : memref<128xi32, #tpu.memory_space<vmem>>) semaphore(%arg12 : memref<!tpu.dma_semaphore, #tpu.memory_space<semaphore_mem>>)
    %dma_start3A_713 = arith.constant 1 : i32
    %dma_start3A_714 = arith.constant 128 : i32
    %dma_start3A_715 = arith.constant 0 : i32
    %dma_start3A_716 = tpu.memref_slice %arg9[%dma_start3A_714, %dma_start3A_715] : memref<512x64xf32, #tpu.memory_space<vmem>> -> memref<128x64xf32, #tpu.memory_space<vmem>>
    %dma_start3A_717 = arith.constant 0 : i32
    %dma_start3A_718 = tpu.memref_slice %arg7[%dma_start3A_713, %dma_start3A_717] : memref<4x128xi32, #tpu.memory_space<vmem>> -> memref<1x128xi32, #tpu.memory_space<vmem>>
    %dma_start3A_719 = tpu.memref_squeeze %dma_start3A_718 : memref<1x128xi32, #tpu.memory_space<vmem>> -> memref<128xi32, #tpu.memory_space<vmem>>
    %dma_start3A_720 = arith.constant 0 : i32
    %dma_start3A_721 = arith.constant 0 : i32
    %dma_start3A_722 = tpu.memref_slice %arg3[%dma_start3A_720, %dma_start3A_721] : memref<100000x64xf32, #tpu.memory_space<hbm>> -> memref<100000x64xf32, #tpu.memory_space<hbm>>
    tpu.enqueue_indirect_dma source(%dma_start3A_722 : memref<100000x64xf32, #tpu.memory_space<hbm>>) target(%dma_start3A_716 : memref<128x64xf32, #tpu.memory_space<vmem>>) offsets(%dma_start3A_719 : memref<128xi32, #tpu.memory_space<vmem>>) semaphore(%arg12 : memref<!tpu.dma_semaphore, #tpu.memory_space<semaphore_mem>>)
    %dma_start3A_723 = arith.constant 2 : i32
    %dma_start3A_724 = arith.constant 256 : i32
    %dma_start3A_725 = arith.constant 0 : i32
    %dma_start3A_726 = tpu.memref_slice %arg9[%dma_start3A_724, %dma_start3A_725] : memref<512x64xf32, #tpu.memory_space<vmem>> -> memref<128x64xf32, #tpu.memory_space<vmem>>
    %dma_start3A_727 = arith.constant 0 : i32
    %dma_start3A_728 = tpu.memref_slice %arg7[%dma_start3A_723, %dma_start3A_727] : memref<4x128xi32, #tpu.memory_space<vmem>> -> memref<1x128xi32, #tpu.memory_space<vmem>>
    %dma_start3A_729 = tpu.memref_squeeze %dma_start3A_728 : memref<1x128xi32, #tpu.memory_space<vmem>> -> memref<128xi32, #tpu.memory_space<vmem>>
    %dma_start3A_730 = arith.constant 0 : i32
    %dma_start3A_731 = arith.constant 0 : i32
    %dma_start3A_732 = tpu.memref_slice %arg3[%dma_start3A_730, %dma_start3A_731] : memref<100000x64xf32, #tpu.memory_space<hbm>> -> memref<100000x64xf32, #tpu.memory_space<hbm>>
    tpu.enqueue_indirect_dma source(%dma_start3A_732 : memref<100000x64xf32, #tpu.memory_space<hbm>>) target(%dma_start3A_726 : memref<128x64xf32, #tpu.memory_space<vmem>>) offsets(%dma_start3A_729 : memref<128xi32, #tpu.memory_space<vmem>>) semaphore(%arg12 : memref<!tpu.dma_semaphore, #tpu.memory_space<semaphore_mem>>)
    %dma_start3A_733 = arith.constant 3 : i32
    %dma_start3A_734 = arith.constant 384 : i32
    %dma_start3A_735 = arith.constant 0 : i32
    %dma_start3A_736 = tpu.memref_slice %arg9[%dma_start3A_734, %dma_start3A_735] : memref<512x64xf32, #tpu.memory_space<vmem>> -> memref<128x64xf32, #tpu.memory_space<vmem>>
    %dma_start3A_737 = arith.constant 0 : i32
    %dma_start3A_738 = tpu.memref_slice %arg7[%dma_start3A_733, %dma_start3A_737] : memref<4x128xi32, #tpu.memory_space<vmem>> -> memref<1x128xi32, #tpu.memory_space<vmem>>
    %dma_start3A_739 = tpu.memref_squeeze %dma_start3A_738 : memref<1x128xi32, #tpu.memory_space<vmem>> -> memref<128xi32, #tpu.memory_space<vmem>>
    %dma_start3A_740 = arith.constant 0 : i32
    %dma_start3A_741 = arith.constant 0 : i32
    %dma_start3A_742 = tpu.memref_slice %arg3[%dma_start3A_740, %dma_start3A_741] : memref<100000x64xf32, #tpu.memory_space<hbm>> -> memref<100000x64xf32, #tpu.memory_space<hbm>>
    tpu.enqueue_indirect_dma source(%dma_start3A_742 : memref<100000x64xf32, #tpu.memory_space<hbm>>) target(%dma_start3A_736 : memref<128x64xf32, #tpu.memory_space<vmem>>) offsets(%dma_start3A_739 : memref<128xi32, #tpu.memory_space<vmem>>) semaphore(%arg12 : memref<!tpu.dma_semaphore, #tpu.memory_space<semaphore_mem>>)
    %dma_wait3A = arith.constant 0 : i32
    %dma_wait3A_743 = arith.constant 0 : i32
    %dma_wait3A_744 = arith.constant 0 : i32
    %dma_wait3A_745 = tpu.memref_slice %arg9[%dma_wait3A_743, %dma_wait3A_744] : memref<512x64xf32, #tpu.memory_space<vmem>> -> memref<128x64xf32, #tpu.memory_space<vmem>>
    %dma_wait3A_746 = arith.constant 0 : i32
    %dma_wait3A_747 = tpu.memref_slice %arg7[%dma_wait3A, %dma_wait3A_746] : memref<4x128xi32, #tpu.memory_space<vmem>> -> memref<1x128xi32, #tpu.memory_space<vmem>>
    %dma_wait3A_748 = tpu.memref_squeeze %dma_wait3A_747 : memref<1x128xi32, #tpu.memory_space<vmem>> -> memref<128xi32, #tpu.memory_space<vmem>>
    %dma_wait3A_749 = arith.constant 0 : i32
    %dma_wait3A_750 = arith.constant 0 : i32
    %dma_wait3A_751 = tpu.memref_slice %arg3[%dma_wait3A_749, %dma_wait3A_750] : memref<100000x64xf32, #tpu.memory_space<hbm>> -> memref<100000x64xf32, #tpu.memory_space<hbm>>
    tpu.wait_indirect_dma semaphore(%arg12 : memref<!tpu.dma_semaphore, #tpu.memory_space<semaphore_mem>>) src(%dma_wait3A_751 : memref<100000x64xf32, #tpu.memory_space<hbm>>) dst(%dma_wait3A_745 : memref<128x64xf32, #tpu.memory_space<vmem>>)
    %dma_wait3A_752 = arith.constant 1 : i32
    %dma_wait3A_753 = arith.constant 128 : i32
    %dma_wait3A_754 = arith.constant 0 : i32
    %dma_wait3A_755 = tpu.memref_slice %arg9[%dma_wait3A_753, %dma_wait3A_754] : memref<512x64xf32, #tpu.memory_space<vmem>> -> memref<128x64xf32, #tpu.memory_space<vmem>>
    %dma_wait3A_756 = arith.constant 0 : i32
    %dma_wait3A_757 = tpu.memref_slice %arg7[%dma_wait3A_752, %dma_wait3A_756] : memref<4x128xi32, #tpu.memory_space<vmem>> -> memref<1x128xi32, #tpu.memory_space<vmem>>
    %dma_wait3A_758 = tpu.memref_squeeze %dma_wait3A_757 : memref<1x128xi32, #tpu.memory_space<vmem>> -> memref<128xi32, #tpu.memory_space<vmem>>
    %dma_wait3A_759 = arith.constant 0 : i32
    %dma_wait3A_760 = arith.constant 0 : i32
    %dma_wait3A_761 = tpu.memref_slice %arg3[%dma_wait3A_759, %dma_wait3A_760] : memref<100000x64xf32, #tpu.memory_space<hbm>> -> memref<100000x64xf32, #tpu.memory_space<hbm>>
    tpu.wait_indirect_dma semaphore(%arg12 : memref<!tpu.dma_semaphore, #tpu.memory_space<semaphore_mem>>) src(%dma_wait3A_761 : memref<100000x64xf32, #tpu.memory_space<hbm>>) dst(%dma_wait3A_755 : memref<128x64xf32, #tpu.memory_space<vmem>>)
    %dma_wait3A_762 = arith.constant 2 : i32
    %dma_wait3A_763 = arith.constant 256 : i32
    %dma_wait3A_764 = arith.constant 0 : i32
    %dma_wait3A_765 = tpu.memref_slice %arg9[%dma_wait3A_763, %dma_wait3A_764] : memref<512x64xf32, #tpu.memory_space<vmem>> -> memref<128x64xf32, #tpu.memory_space<vmem>>
    %dma_wait3A_766 = arith.constant 0 : i32
    %dma_wait3A_767 = tpu.memref_slice %arg7[%dma_wait3A_762, %dma_wait3A_766] : memref<4x128xi32, #tpu.memory_space<vmem>> -> memref<1x128xi32, #tpu.memory_space<vmem>>
    %dma_wait3A_768 = tpu.memref_squeeze %dma_wait3A_767 : memref<1x128xi32, #tpu.memory_space<vmem>> -> memref<128xi32, #tpu.memory_space<vmem>>
    %dma_wait3A_769 = arith.constant 0 : i32
    %dma_wait3A_770 = arith.constant 0 : i32
    %dma_wait3A_771 = tpu.memref_slice %arg3[%dma_wait3A_769, %dma_wait3A_770] : memref<100000x64xf32, #tpu.memory_space<hbm>> -> memref<100000x64xf32, #tpu.memory_space<hbm>>
    tpu.wait_indirect_dma semaphore(%arg12 : memref<!tpu.dma_semaphore, #tpu.memory_space<semaphore_mem>>) src(%dma_wait3A_771 : memref<100000x64xf32, #tpu.memory_space<hbm>>) dst(%dma_wait3A_765 : memref<128x64xf32, #tpu.memory_space<vmem>>)
    %dma_wait3A_772 = arith.constant 3 : i32
    %dma_wait3A_773 = arith.constant 384 : i32
    %dma_wait3A_774 = arith.constant 0 : i32
    %dma_wait3A_775 = tpu.memref_slice %arg9[%dma_wait3A_773, %dma_wait3A_774] : memref<512x64xf32, #tpu.memory_space<vmem>> -> memref<128x64xf32, #tpu.memory_space<vmem>>
    %dma_wait3A_776 = arith.constant 0 : i32
    %dma_wait3A_777 = tpu.memref_slice %arg7[%dma_wait3A_772, %dma_wait3A_776] : memref<4x128xi32, #tpu.memory_space<vmem>> -> memref<1x128xi32, #tpu.memory_space<vmem>>
    %dma_wait3A_778 = tpu.memref_squeeze %dma_wait3A_777 : memref<1x128xi32, #tpu.memory_space<vmem>> -> memref<128xi32, #tpu.memory_space<vmem>>
    %dma_wait3A_779 = arith.constant 0 : i32
    %dma_wait3A_780 = arith.constant 0 : i32
    %dma_wait3A_781 = tpu.memref_slice %arg3[%dma_wait3A_779, %dma_wait3A_780] : memref<100000x64xf32, #tpu.memory_space<hbm>> -> memref<100000x64xf32, #tpu.memory_space<hbm>>
    tpu.wait_indirect_dma semaphore(%arg12 : memref<!tpu.dma_semaphore, #tpu.memory_space<semaphore_mem>>) src(%dma_wait3A_781 : memref<100000x64xf32, #tpu.memory_space<hbm>>) dst(%dma_wait3A_775 : memref<128x64xf32, #tpu.memory_space<vmem>>)
    tpu.wait_dma2 semaphore(%arg12 : memref<!tpu.dma_semaphore, #tpu.memory_space<semaphore_mem>>) src(%arg4 : memref<64x1000xf32, #tpu.memory_space<hbm>>) dst(%arg10 : memref<64x1000xf32, #tpu.memory_space<vmem>>)
    %scan3A = arith.constant 0 : i32
    %scan3A_782 = arith.constant 0 : i32
    %scan3A_783 = arith.constant 32 : i32
    %scan3A_784 = arith.addi %scan3A_782, %scan3A_783 : i32
    %scan3A_785 = arith.constant 1 : i32
    scf.for %scan3A_787 = %scan3A_782 to %scan3A_784 step %scan3A_785  : i32 {
      %mul3A_788 = arith.constant 16 : i32
      %mul3A_789 = arith.muli %scan3A_787, %mul3A_788 : i32
      %add3A_790 = vector.broadcast %mul3A_789 : i32 to vector<16xi32>
      %add3A_791 = arith.addi %add3A_790, %iota3A : vector<16xi32>
      %mul3A_792 = arith.constant 16 : i32
      %mul3A_793 = arith.muli %scan3A_787, %mul3A_792 : i32
      %get3A_794 = arith.index_cast %mul3A_793 : i32 to index
      %get3A_795 = tpu.vector_load %arg8[%get3A_794] {strides = array<i32>} : memref<512xi32, #tpu.memory_space<vmem>>, vector<16xi32>,
      %broadcast_in_dim3A = arith.constant 0.000000e+00 : f32
      %broadcast_in_dim3A_796 = vector.broadcast %broadcast_in_dim3A : f32 to vector<16xf32>
      %broadcast_in_dim3A_797 = arith.constant 0 : i32
      %broadcast_in_dim3A_798 = vector.broadcast %broadcast_in_dim3A_797 : i32 to vector<16xi32>
      %gather3A = tpu.vector_load_idx %arg9[%add3A_791, %broadcast_in_dim3A_798] : memref<512x64xf32, #tpu.memory_space<vmem>>[vector<16xi32>, vector<16xi32>], vector<16xf32>,
      %gather3A_799 = tpu.vector_load_idx %arg10[%broadcast_in_dim3A_798, %get3A_795] : memref<64x1000xf32, #tpu.memory_space<vmem>>[vector<16xi32>, vector<16xi32>], vector<16xf32>,
      %mul3A_800 = arith.mulf %gather3A, %gather3A_799 : vector<16xf32>
      %add3A_801 = arith.addf %broadcast_in_dim3A_796, %mul3A_800 : vector<16xf32>
      %broadcast_in_dim3A_802 = arith.constant 1 : i32
      %broadcast_in_dim3A_803 = vector.broadcast %broadcast_in_dim3A_802 : i32 to vector<16xi32>
      %gather3A_804 = tpu.vector_load_idx %arg9[%add3A_791, %broadcast_in_dim3A_803] : memref<512x64xf32, #tpu.memory_space<vmem>>[vector<16xi32>, vector<16xi32>], vector<16xf32>,
      %gather3A_805 = tpu.vector_load_idx %arg10[%broadcast_in_dim3A_803, %get3A_795] : memref<64x1000xf32, #tpu.memory_space<vmem>>[vector<16xi32>, vector<16xi32>], vector<16xf32>,
      %mul3A_806 = arith.mulf %gather3A_804, %gather3A_805 : vector<16xf32>
      %add3A_807 = arith.addf %add3A_801, %mul3A_806 : vector<16xf32>
      %broadcast_in_dim3A_808 = arith.constant 2 : i32
      %broadcast_in_dim3A_809 = vector.broadcast %broadcast_in_dim3A_808 : i32 to vector<16xi32>
      %gather3A_810 = tpu.vector_load_idx %arg9[%add3A_791, %broadcast_in_dim3A_809] : memref<512x64xf32, #tpu.memory_space<vmem>>[vector<16xi32>, vector<16xi32>], vector<16xf32>,
      %gather3A_811 = tpu.vector_load_idx %arg10[%broadcast_in_dim3A_809, %get3A_795] : memref<64x1000xf32, #tpu.memory_space<vmem>>[vector<16xi32>, vector<16xi32>], vector<16xf32>,
      %mul3A_812 = arith.mulf %gather3A_810, %gather3A_811 : vector<16xf32>
      %add3A_813 = arith.addf %add3A_807, %mul3A_812 : vector<16xf32>
      %broadcast_in_dim3A_814 = arith.constant 3 : i32
      %broadcast_in_dim3A_815 = vector.broadcast %broadcast_in_dim3A_814 : i32 to vector<16xi32>
      %gather3A_816 = tpu.vector_load_idx %arg9[%add3A_791, %broadcast_in_dim3A_815] : memref<512x64xf32, #tpu.memory_space<vmem>>[vector<16xi32>, vector<16xi32>], vector<16xf32>,
      %gather3A_817 = tpu.vector_load_idx %arg10[%broadcast_in_dim3A_815, %get3A_795] : memref<64x1000xf32, #tpu.memory_space<vmem>>[vector<16xi32>, vector<16xi32>], vector<16xf32>,
      %mul3A_818 = arith.mulf %gather3A_816, %gather3A_817 : vector<16xf32>
      %add3A_819 = arith.addf %add3A_813, %mul3A_818 : vector<16xf32>
      %broadcast_in_dim3A_820 = arith.constant 4 : i32
      %broadcast_in_dim3A_821 = vector.broadcast %broadcast_in_dim3A_820 : i32 to vector<16xi32>
      %gather3A_822 = tpu.vector_load_idx %arg9[%add3A_791, %broadcast_in_dim3A_821] : memref<512x64xf32, #tpu.memory_space<vmem>>[vector<16xi32>, vector<16xi32>], vector<16xf32>,
      %gather3A_823 = tpu.vector_load_idx %arg10[%broadcast_in_dim3A_821, %get3A_795] : memref<64x1000xf32, #tpu.memory_space<vmem>>[vector<16xi32>, vector<16xi32>], vector<16xf32>,
      %mul3A_824 = arith.mulf %gather3A_822, %gather3A_823 : vector<16xf32>
      %add3A_825 = arith.addf %add3A_819, %mul3A_824 : vector<16xf32>
      %broadcast_in_dim3A_826 = arith.constant 5 : i32
      %broadcast_in_dim3A_827 = vector.broadcast %broadcast_in_dim3A_826 : i32 to vector<16xi32>
      %gather3A_828 = tpu.vector_load_idx %arg9[%add3A_791, %broadcast_in_dim3A_827] : memref<512x64xf32, #tpu.memory_space<vmem>>[vector<16xi32>, vector<16xi32>], vector<16xf32>,
      %gather3A_829 = tpu.vector_load_idx %arg10[%broadcast_in_dim3A_827, %get3A_795] : memref<64x1000xf32, #tpu.memory_space<vmem>>[vector<16xi32>, vector<16xi32>], vector<16xf32>,
      %mul3A_830 = arith.mulf %gather3A_828, %gather3A_829 : vector<16xf32>
      %add3A_831 = arith.addf %add3A_825, %mul3A_830 : vector<16xf32>
      %broadcast_in_dim3A_832 = arith.constant 6 : i32
      %broadcast_in_dim3A_833 = vector.broadcast %broadcast_in_dim3A_832 : i32 to vector<16xi32>
      %gather3A_834 = tpu.vector_load_idx %arg9[%add3A_791, %broadcast_in_dim3A_833] : memref<512x64xf32, #tpu.memory_space<vmem>>[vector<16xi32>, vector<16xi32>], vector<16xf32>,
      %gather3A_835 = tpu.vector_load_idx %arg10[%broadcast_in_dim3A_833, %get3A_795] : memref<64x1000xf32, #tpu.memory_space<vmem>>[vector<16xi32>, vector<16xi32>], vector<16xf32>,
      %mul3A_836 = arith.mulf %gather3A_834, %gather3A_835 : vector<16xf32>
      %add3A_837 = arith.addf %add3A_831, %mul3A_836 : vector<16xf32>
      %broadcast_in_dim3A_838 = arith.constant 7 : i32
      %broadcast_in_dim3A_839 = vector.broadcast %broadcast_in_dim3A_838 : i32 to vector<16xi32>
      %gather3A_840 = tpu.vector_load_idx %arg9[%add3A_791, %broadcast_in_dim3A_839] : memref<512x64xf32, #tpu.memory_space<vmem>>[vector<16xi32>, vector<16xi32>], vector<16xf32>,
      %gather3A_841 = tpu.vector_load_idx %arg10[%broadcast_in_dim3A_839, %get3A_795] : memref<64x1000xf32, #tpu.memory_space<vmem>>[vector<16xi32>, vector<16xi32>], vector<16xf32>,
      %mul3A_842 = arith.mulf %gather3A_840, %gather3A_841 : vector<16xf32>
      %add3A_843 = arith.addf %add3A_837, %mul3A_842 : vector<16xf32>
      %broadcast_in_dim3A_844 = arith.constant 8 : i32
      %broadcast_in_dim3A_845 = vector.broadcast %broadcast_in_dim3A_844 : i32 to vector<16xi32>
      %gather3A_846 = tpu.vector_load_idx %arg9[%add3A_791, %broadcast_in_dim3A_845] : memref<512x64xf32, #tpu.memory_space<vmem>>[vector<16xi32>, vector<16xi32>], vector<16xf32>,
      %gather3A_847 = tpu.vector_load_idx %arg10[%broadcast_in_dim3A_845, %get3A_795] : memref<64x1000xf32, #tpu.memory_space<vmem>>[vector<16xi32>, vector<16xi32>], vector<16xf32>,
      %mul3A_848 = arith.mulf %gather3A_846, %gather3A_847 : vector<16xf32>
      %add3A_849 = arith.addf %add3A_843, %mul3A_848 : vector<16xf32>
      %broadcast_in_dim3A_850 = arith.constant 9 : i32
      %broadcast_in_dim3A_851 = vector.broadcast %broadcast_in_dim3A_850 : i32 to vector<16xi32>
      %gather3A_852 = tpu.vector_load_idx %arg9[%add3A_791, %broadcast_in_dim3A_851] : memref<512x64xf32, #tpu.memory_space<vmem>>[vector<16xi32>, vector<16xi32>], vector<16xf32>,
      %gather3A_853 = tpu.vector_load_idx %arg10[%broadcast_in_dim3A_851, %get3A_795] : memref<64x1000xf32, #tpu.memory_space<vmem>>[vector<16xi32>, vector<16xi32>], vector<16xf32>,
      %mul3A_854 = arith.mulf %gather3A_852, %gather3A_853 : vector<16xf32>
      %add3A_855 = arith.addf %add3A_849, %mul3A_854 : vector<16xf32>
      %broadcast_in_dim3A_856 = arith.constant 10 : i32
      %broadcast_in_dim3A_857 = vector.broadcast %broadcast_in_dim3A_856 : i32 to vector<16xi32>
      %gather3A_858 = tpu.vector_load_idx %arg9[%add3A_791, %broadcast_in_dim3A_857] : memref<512x64xf32, #tpu.memory_space<vmem>>[vector<16xi32>, vector<16xi32>], vector<16xf32>,
      %gather3A_859 = tpu.vector_load_idx %arg10[%broadcast_in_dim3A_857, %get3A_795] : memref<64x1000xf32, #tpu.memory_space<vmem>>[vector<16xi32>, vector<16xi32>], vector<16xf32>,
      %mul3A_860 = arith.mulf %gather3A_858, %gather3A_859 : vector<16xf32>
      %add3A_861 = arith.addf %add3A_855, %mul3A_860 : vector<16xf32>
      %broadcast_in_dim3A_862 = arith.constant 11 : i32
      %broadcast_in_dim3A_863 = vector.broadcast %broadcast_in_dim3A_862 : i32 to vector<16xi32>
      %gather3A_864 = tpu.vector_load_idx %arg9[%add3A_791, %broadcast_in_dim3A_863] : memref<512x64xf32, #tpu.memory_space<vmem>>[vector<16xi32>, vector<16xi32>], vector<16xf32>,
      %gather3A_865 = tpu.vector_load_idx %arg10[%broadcast_in_dim3A_863, %get3A_795] : memref<64x1000xf32, #tpu.memory_space<vmem>>[vector<16xi32>, vector<16xi32>], vector<16xf32>,
      %mul3A_866 = arith.mulf %gather3A_864, %gather3A_865 : vector<16xf32>
      %add3A_867 = arith.addf %add3A_861, %mul3A_866 : vector<16xf32>
      %broadcast_in_dim3A_868 = arith.constant 12 : i32
      %broadcast_in_dim3A_869 = vector.broadcast %broadcast_in_dim3A_868 : i32 to vector<16xi32>
      %gather3A_870 = tpu.vector_load_idx %arg9[%add3A_791, %broadcast_in_dim3A_869] : memref<512x64xf32, #tpu.memory_space<vmem>>[vector<16xi32>, vector<16xi32>], vector<16xf32>,
      %gather3A_871 = tpu.vector_load_idx %arg10[%broadcast_in_dim3A_869, %get3A_795] : memref<64x1000xf32, #tpu.memory_space<vmem>>[vector<16xi32>, vector<16xi32>], vector<16xf32>,
      %mul3A_872 = arith.mulf %gather3A_870, %gather3A_871 : vector<16xf32>
      %add3A_873 = arith.addf %add3A_867, %mul3A_872 : vector<16xf32>
      %broadcast_in_dim3A_874 = arith.constant 13 : i32
      %broadcast_in_dim3A_875 = vector.broadcast %broadcast_in_dim3A_874 : i32 to vector<16xi32>
      %gather3A_876 = tpu.vector_load_idx %arg9[%add3A_791, %broadcast_in_dim3A_875] : memref<512x64xf32, #tpu.memory_space<vmem>>[vector<16xi32>, vector<16xi32>], vector<16xf32>,
      %gather3A_877 = tpu.vector_load_idx %arg10[%broadcast_in_dim3A_875, %get3A_795] : memref<64x1000xf32, #tpu.memory_space<vmem>>[vector<16xi32>, vector<16xi32>], vector<16xf32>,
      %mul3A_878 = arith.mulf %gather3A_876, %gather3A_877 : vector<16xf32>
      %add3A_879 = arith.addf %add3A_873, %mul3A_878 : vector<16xf32>
      %broadcast_in_dim3A_880 = arith.constant 14 : i32
      %broadcast_in_dim3A_881 = vector.broadcast %broadcast_in_dim3A_880 : i32 to vector<16xi32>
      %gather3A_882 = tpu.vector_load_idx %arg9[%add3A_791, %broadcast_in_dim3A_881] : memref<512x64xf32, #tpu.memory_space<vmem>>[vector<16xi32>, vector<16xi32>], vector<16xf32>,
      %gather3A_883 = tpu.vector_load_idx %arg10[%broadcast_in_dim3A_881, %get3A_795] : memref<64x1000xf32, #tpu.memory_space<vmem>>[vector<16xi32>, vector<16xi32>], vector<16xf32>,
      %mul3A_884 = arith.mulf %gather3A_882, %gather3A_883 : vector<16xf32>
      %add3A_885 = arith.addf %add3A_879, %mul3A_884 : vector<16xf32>
      %broadcast_in_dim3A_886 = arith.constant 15 : i32
      %broadcast_in_dim3A_887 = vector.broadcast %broadcast_in_dim3A_886 : i32 to vector<16xi32>
      %gather3A_888 = tpu.vector_load_idx %arg9[%add3A_791, %broadcast_in_dim3A_887] : memref<512x64xf32, #tpu.memory_space<vmem>>[vector<16xi32>, vector<16xi32>], vector<16xf32>,
      %gather3A_889 = tpu.vector_load_idx %arg10[%broadcast_in_dim3A_887, %get3A_795] : memref<64x1000xf32, #tpu.memory_space<vmem>>[vector<16xi32>, vector<16xi32>], vector<16xf32>,
      %mul3A_890 = arith.mulf %gather3A_888, %gather3A_889 : vector<16xf32>
      %add3A_891 = arith.addf %add3A_885, %mul3A_890 : vector<16xf32>
      %broadcast_in_dim3A_892 = arith.constant 16 : i32
      %broadcast_in_dim3A_893 = vector.broadcast %broadcast_in_dim3A_892 : i32 to vector<16xi32>
      %gather3A_894 = tpu.vector_load_idx %arg9[%add3A_791, %broadcast_in_dim3A_893] : memref<512x64xf32, #tpu.memory_space<vmem>>[vector<16xi32>, vector<16xi32>], vector<16xf32>,
      %gather3A_895 = tpu.vector_load_idx %arg10[%broadcast_in_dim3A_893, %get3A_795] : memref<64x1000xf32, #tpu.memory_space<vmem>>[vector<16xi32>, vector<16xi32>], vector<16xf32>,
      %mul3A_896 = arith.mulf %gather3A_894, %gather3A_895 : vector<16xf32>
      %add3A_897 = arith.addf %add3A_891, %mul3A_896 : vector<16xf32>
      %broadcast_in_dim3A_898 = arith.constant 17 : i32
      %broadcast_in_dim3A_899 = vector.broadcast %broadcast_in_dim3A_898 : i32 to vector<16xi32>
      %gather3A_900 = tpu.vector_load_idx %arg9[%add3A_791, %broadcast_in_dim3A_899] : memref<512x64xf32, #tpu.memory_space<vmem>>[vector<16xi32>, vector<16xi32>], vector<16xf32>,
      %gather3A_901 = tpu.vector_load_idx %arg10[%broadcast_in_dim3A_899, %get3A_795] : memref<64x1000xf32, #tpu.memory_space<vmem>>[vector<16xi32>, vector<16xi32>], vector<16xf32>,
      %mul3A_902 = arith.mulf %gather3A_900, %gather3A_901 : vector<16xf32>
      %add3A_903 = arith.addf %add3A_897, %mul3A_902 : vector<16xf32>
      %broadcast_in_dim3A_904 = arith.constant 18 : i32
      %broadcast_in_dim3A_905 = vector.broadcast %broadcast_in_dim3A_904 : i32 to vector<16xi32>
      %gather3A_906 = tpu.vector_load_idx %arg9[%add3A_791, %broadcast_in_dim3A_905] : memref<512x64xf32, #tpu.memory_space<vmem>>[vector<16xi32>, vector<16xi32>], vector<16xf32>,
      %gather3A_907 = tpu.vector_load_idx %arg10[%broadcast_in_dim3A_905, %get3A_795] : memref<64x1000xf32, #tpu.memory_space<vmem>>[vector<16xi32>, vector<16xi32>], vector<16xf32>,
      %mul3A_908 = arith.mulf %gather3A_906, %gather3A_907 : vector<16xf32>
      %add3A_909 = arith.addf %add3A_903, %mul3A_908 : vector<16xf32>
      %broadcast_in_dim3A_910 = arith.constant 19 : i32
      %broadcast_in_dim3A_911 = vector.broadcast %broadcast_in_dim3A_910 : i32 to vector<16xi32>
      %gather3A_912 = tpu.vector_load_idx %arg9[%add3A_791, %broadcast_in_dim3A_911] : memref<512x64xf32, #tpu.memory_space<vmem>>[vector<16xi32>, vector<16xi32>], vector<16xf32>,
      %gather3A_913 = tpu.vector_load_idx %arg10[%broadcast_in_dim3A_911, %get3A_795] : memref<64x1000xf32, #tpu.memory_space<vmem>>[vector<16xi32>, vector<16xi32>], vector<16xf32>,
      %mul3A_914 = arith.mulf %gather3A_912, %gather3A_913 : vector<16xf32>
      %add3A_915 = arith.addf %add3A_909, %mul3A_914 : vector<16xf32>
      %broadcast_in_dim3A_916 = arith.constant 20 : i32
      %broadcast_in_dim3A_917 = vector.broadcast %broadcast_in_dim3A_916 : i32 to vector<16xi32>
      %gather3A_918 = tpu.vector_load_idx %arg9[%add3A_791, %broadcast_in_dim3A_917] : memref<512x64xf32, #tpu.memory_space<vmem>>[vector<16xi32>, vector<16xi32>], vector<16xf32>,
      %gather3A_919 = tpu.vector_load_idx %arg10[%broadcast_in_dim3A_917, %get3A_795] : memref<64x1000xf32, #tpu.memory_space<vmem>>[vector<16xi32>, vector<16xi32>], vector<16xf32>,
      %mul3A_920 = arith.mulf %gather3A_918, %gather3A_919 : vector<16xf32>
      %add3A_921 = arith.addf %add3A_915, %mul3A_920 : vector<16xf32>
      %broadcast_in_dim3A_922 = arith.constant 21 : i32
      %broadcast_in_dim3A_923 = vector.broadcast %broadcast_in_dim3A_922 : i32 to vector<16xi32>
      %gather3A_924 = tpu.vector_load_idx %arg9[%add3A_791, %broadcast_in_dim3A_923] : memref<512x64xf32, #tpu.memory_space<vmem>>[vector<16xi32>, vector<16xi32>], vector<16xf32>,
      %gather3A_925 = tpu.vector_load_idx %arg10[%broadcast_in_dim3A_923, %get3A_795] : memref<64x1000xf32, #tpu.memory_space<vmem>>[vector<16xi32>, vector<16xi32>], vector<16xf32>,
      %mul3A_926 = arith.mulf %gather3A_924, %gather3A_925 : vector<16xf32>
      %add3A_927 = arith.addf %add3A_921, %mul3A_926 : vector<16xf32>
      %broadcast_in_dim3A_928 = arith.constant 22 : i32
      %broadcast_in_dim3A_929 = vector.broadcast %broadcast_in_dim3A_928 : i32 to vector<16xi32>
      %gather3A_930 = tpu.vector_load_idx %arg9[%add3A_791, %broadcast_in_dim3A_929] : memref<512x64xf32, #tpu.memory_space<vmem>>[vector<16xi32>, vector<16xi32>], vector<16xf32>,
      %gather3A_931 = tpu.vector_load_idx %arg10[%broadcast_in_dim3A_929, %get3A_795] : memref<64x1000xf32, #tpu.memory_space<vmem>>[vector<16xi32>, vector<16xi32>], vector<16xf32>,
      %mul3A_932 = arith.mulf %gather3A_930, %gather3A_931 : vector<16xf32>
      %add3A_933 = arith.addf %add3A_927, %mul3A_932 : vector<16xf32>
      %broadcast_in_dim3A_934 = arith.constant 23 : i32
      %broadcast_in_dim3A_935 = vector.broadcast %broadcast_in_dim3A_934 : i32 to vector<16xi32>
      %gather3A_936 = tpu.vector_load_idx %arg9[%add3A_791, %broadcast_in_dim3A_935] : memref<512x64xf32, #tpu.memory_space<vmem>>[vector<16xi32>, vector<16xi32>], vector<16xf32>,
      %gather3A_937 = tpu.vector_load_idx %arg10[%broadcast_in_dim3A_935, %get3A_795] : memref<64x1000xf32, #tpu.memory_space<vmem>>[vector<16xi32>, vector<16xi32>], vector<16xf32>,
      %mul3A_938 = arith.mulf %gather3A_936, %gather3A_937 : vector<16xf32>
      %add3A_939 = arith.addf %add3A_933, %mul3A_938 : vector<16xf32>
      %broadcast_in_dim3A_940 = arith.constant 24 : i32
      %broadcast_in_dim3A_941 = vector.broadcast %broadcast_in_dim3A_940 : i32 to vector<16xi32>
      %gather3A_942 = tpu.vector_load_idx %arg9[%add3A_791, %broadcast_in_dim3A_941] : memref<512x64xf32, #tpu.memory_space<vmem>>[vector<16xi32>, vector<16xi32>], vector<16xf32>,
      %gather3A_943 = tpu.vector_load_idx %arg10[%broadcast_in_dim3A_941, %get3A_795] : memref<64x1000xf32, #tpu.memory_space<vmem>>[vector<16xi32>, vector<16xi32>], vector<16xf32>,
      %mul3A_944 = arith.mulf %gather3A_942, %gather3A_943 : vector<16xf32>
      %add3A_945 = arith.addf %add3A_939, %mul3A_944 : vector<16xf32>
      %broadcast_in_dim3A_946 = arith.constant 25 : i32
      %broadcast_in_dim3A_947 = vector.broadcast %broadcast_in_dim3A_946 : i32 to vector<16xi32>
      %gather3A_948 = tpu.vector_load_idx %arg9[%add3A_791, %broadcast_in_dim3A_947] : memref<512x64xf32, #tpu.memory_space<vmem>>[vector<16xi32>, vector<16xi32>], vector<16xf32>,
      %gather3A_949 = tpu.vector_load_idx %arg10[%broadcast_in_dim3A_947, %get3A_795] : memref<64x1000xf32, #tpu.memory_space<vmem>>[vector<16xi32>, vector<16xi32>], vector<16xf32>,
      %mul3A_950 = arith.mulf %gather3A_948, %gather3A_949 : vector<16xf32>
      %add3A_951 = arith.addf %add3A_945, %mul3A_950 : vector<16xf32>
      %broadcast_in_dim3A_952 = arith.constant 26 : i32
      %broadcast_in_dim3A_953 = vector.broadcast %broadcast_in_dim3A_952 : i32 to vector<16xi32>
      %gather3A_954 = tpu.vector_load_idx %arg9[%add3A_791, %broadcast_in_dim3A_953] : memref<512x64xf32, #tpu.memory_space<vmem>>[vector<16xi32>, vector<16xi32>], vector<16xf32>,
      %gather3A_955 = tpu.vector_load_idx %arg10[%broadcast_in_dim3A_953, %get3A_795] : memref<64x1000xf32, #tpu.memory_space<vmem>>[vector<16xi32>, vector<16xi32>], vector<16xf32>,
      %mul3A_956 = arith.mulf %gather3A_954, %gather3A_955 : vector<16xf32>
      %add3A_957 = arith.addf %add3A_951, %mul3A_956 : vector<16xf32>
      %broadcast_in_dim3A_958 = arith.constant 27 : i32
      %broadcast_in_dim3A_959 = vector.broadcast %broadcast_in_dim3A_958 : i32 to vector<16xi32>
      %gather3A_960 = tpu.vector_load_idx %arg9[%add3A_791, %broadcast_in_dim3A_959] : memref<512x64xf32, #tpu.memory_space<vmem>>[vector<16xi32>, vector<16xi32>], vector<16xf32>,
      %gather3A_961 = tpu.vector_load_idx %arg10[%broadcast_in_dim3A_959, %get3A_795] : memref<64x1000xf32, #tpu.memory_space<vmem>>[vector<16xi32>, vector<16xi32>], vector<16xf32>,
      %mul3A_962 = arith.mulf %gather3A_960, %gather3A_961 : vector<16xf32>
      %add3A_963 = arith.addf %add3A_957, %mul3A_962 : vector<16xf32>
      %broadcast_in_dim3A_964 = arith.constant 28 : i32
      %broadcast_in_dim3A_965 = vector.broadcast %broadcast_in_dim3A_964 : i32 to vector<16xi32>
      %gather3A_966 = tpu.vector_load_idx %arg9[%add3A_791, %broadcast_in_dim3A_965] : memref<512x64xf32, #tpu.memory_space<vmem>>[vector<16xi32>, vector<16xi32>], vector<16xf32>,
      %gather3A_967 = tpu.vector_load_idx %arg10[%broadcast_in_dim3A_965, %get3A_795] : memref<64x1000xf32, #tpu.memory_space<vmem>>[vector<16xi32>, vector<16xi32>], vector<16xf32>,
      %mul3A_968 = arith.mulf %gather3A_966, %gather3A_967 : vector<16xf32>
      %add3A_969 = arith.addf %add3A_963, %mul3A_968 : vector<16xf32>
      %broadcast_in_dim3A_970 = arith.constant 29 : i32
      %broadcast_in_dim3A_971 = vector.broadcast %broadcast_in_dim3A_970 : i32 to vector<16xi32>
      %gather3A_972 = tpu.vector_load_idx %arg9[%add3A_791, %broadcast_in_dim3A_971] : memref<512x64xf32, #tpu.memory_space<vmem>>[vector<16xi32>, vector<16xi32>], vector<16xf32>,
      %gather3A_973 = tpu.vector_load_idx %arg10[%broadcast_in_dim3A_971, %get3A_795] : memref<64x1000xf32, #tpu.memory_space<vmem>>[vector<16xi32>, vector<16xi32>], vector<16xf32>,
      %mul3A_974 = arith.mulf %gather3A_972, %gather3A_973 : vector<16xf32>
      %add3A_975 = arith.addf %add3A_969, %mul3A_974 : vector<16xf32>
      %broadcast_in_dim3A_976 = arith.constant 30 : i32
      %broadcast_in_dim3A_977 = vector.broadcast %broadcast_in_dim3A_976 : i32 to vector<16xi32>
      %gather3A_978 = tpu.vector_load_idx %arg9[%add3A_791, %broadcast_in_dim3A_977] : memref<512x64xf32, #tpu.memory_space<vmem>>[vector<16xi32>, vector<16xi32>], vector<16xf32>,
      %gather3A_979 = tpu.vector_load_idx %arg10[%broadcast_in_dim3A_977, %get3A_795] : memref<64x1000xf32, #tpu.memory_space<vmem>>[vector<16xi32>, vector<16xi32>], vector<16xf32>,
      %mul3A_980 = arith.mulf %gather3A_978, %gather3A_979 : vector<16xf32>
      %add3A_981 = arith.addf %add3A_975, %mul3A_980 : vector<16xf32>
      %broadcast_in_dim3A_982 = arith.constant 31 : i32
      %broadcast_in_dim3A_983 = vector.broadcast %broadcast_in_dim3A_982 : i32 to vector<16xi32>
      %gather3A_984 = tpu.vector_load_idx %arg9[%add3A_791, %broadcast_in_dim3A_983] : memref<512x64xf32, #tpu.memory_space<vmem>>[vector<16xi32>, vector<16xi32>], vector<16xf32>,
      %gather3A_985 = tpu.vector_load_idx %arg10[%broadcast_in_dim3A_983, %get3A_795] : memref<64x1000xf32, #tpu.memory_space<vmem>>[vector<16xi32>, vector<16xi32>], vector<16xf32>,
      %mul3A_986 = arith.mulf %gather3A_984, %gather3A_985 : vector<16xf32>
      %add3A_987 = arith.addf %add3A_981, %mul3A_986 : vector<16xf32>
      %broadcast_in_dim3A_988 = arith.constant 32 : i32
      %broadcast_in_dim3A_989 = vector.broadcast %broadcast_in_dim3A_988 : i32 to vector<16xi32>
      %gather3A_990 = tpu.vector_load_idx %arg9[%add3A_791, %broadcast_in_dim3A_989] : memref<512x64xf32, #tpu.memory_space<vmem>>[vector<16xi32>, vector<16xi32>], vector<16xf32>,
      %gather3A_991 = tpu.vector_load_idx %arg10[%broadcast_in_dim3A_989, %get3A_795] : memref<64x1000xf32, #tpu.memory_space<vmem>>[vector<16xi32>, vector<16xi32>], vector<16xf32>,
      %mul3A_992 = arith.mulf %gather3A_990, %gather3A_991 : vector<16xf32>
      %add3A_993 = arith.addf %add3A_987, %mul3A_992 : vector<16xf32>
      %broadcast_in_dim3A_994 = arith.constant 33 : i32
      %broadcast_in_dim3A_995 = vector.broadcast %broadcast_in_dim3A_994 : i32 to vector<16xi32>
      %gather3A_996 = tpu.vector_load_idx %arg9[%add3A_791, %broadcast_in_dim3A_995] : memref<512x64xf32, #tpu.memory_space<vmem>>[vector<16xi32>, vector<16xi32>], vector<16xf32>,
      %gather3A_997 = tpu.vector_load_idx %arg10[%broadcast_in_dim3A_995, %get3A_795] : memref<64x1000xf32, #tpu.memory_space<vmem>>[vector<16xi32>, vector<16xi32>], vector<16xf32>,
      %mul3A_998 = arith.mulf %gather3A_996, %gather3A_997 : vector<16xf32>
      %add3A_999 = arith.addf %add3A_993, %mul3A_998 : vector<16xf32>
      %broadcast_in_dim3A_1000 = arith.constant 34 : i32
      %broadcast_in_dim3A_1001 = vector.broadcast %broadcast_in_dim3A_1000 : i32 to vector<16xi32>
      %gather3A_1002 = tpu.vector_load_idx %arg9[%add3A_791, %broadcast_in_dim3A_1001] : memref<512x64xf32, #tpu.memory_space<vmem>>[vector<16xi32>, vector<16xi32>], vector<16xf32>,
      %gather3A_1003 = tpu.vector_load_idx %arg10[%broadcast_in_dim3A_1001, %get3A_795] : memref<64x1000xf32, #tpu.memory_space<vmem>>[vector<16xi32>, vector<16xi32>], vector<16xf32>,
      %mul3A_1004 = arith.mulf %gather3A_1002, %gather3A_1003 : vector<16xf32>
      %add3A_1005 = arith.addf %add3A_999, %mul3A_1004 : vector<16xf32>
      %broadcast_in_dim3A_1006 = arith.constant 35 : i32
      %broadcast_in_dim3A_1007 = vector.broadcast %broadcast_in_dim3A_1006 : i32 to vector<16xi32>
      %gather3A_1008 = tpu.vector_load_idx %arg9[%add3A_791, %broadcast_in_dim3A_1007] : memref<512x64xf32, #tpu.memory_space<vmem>>[vector<16xi32>, vector<16xi32>], vector<16xf32>,
      %gather3A_1009 = tpu.vector_load_idx %arg10[%broadcast_in_dim3A_1007, %get3A_795] : memref<64x1000xf32, #tpu.memory_space<vmem>>[vector<16xi32>, vector<16xi32>], vector<16xf32>,
      %mul3A_1010 = arith.mulf %gather3A_1008, %gather3A_1009 : vector<16xf32>
      %add3A_1011 = arith.addf %add3A_1005, %mul3A_1010 : vector<16xf32>
      %broadcast_in_dim3A_1012 = arith.constant 36 : i32
      %broadcast_in_dim3A_1013 = vector.broadcast %broadcast_in_dim3A_1012 : i32 to vector<16xi32>
      %gather3A_1014 = tpu.vector_load_idx %arg9[%add3A_791, %broadcast_in_dim3A_1013] : memref<512x64xf32, #tpu.memory_space<vmem>>[vector<16xi32>, vector<16xi32>], vector<16xf32>,
      %gather3A_1015 = tpu.vector_load_idx %arg10[%broadcast_in_dim3A_1013, %get3A_795] : memref<64x1000xf32, #tpu.memory_space<vmem>>[vector<16xi32>, vector<16xi32>], vector<16xf32>,
      %mul3A_1016 = arith.mulf %gather3A_1014, %gather3A_1015 : vector<16xf32>
      %add3A_1017 = arith.addf %add3A_1011, %mul3A_1016 : vector<16xf32>
      %broadcast_in_dim3A_1018 = arith.constant 37 : i32
      %broadcast_in_dim3A_1019 = vector.broadcast %broadcast_in_dim3A_1018 : i32 to vector<16xi32>
      %gather3A_1020 = tpu.vector_load_idx %arg9[%add3A_791, %broadcast_in_dim3A_1019] : memref<512x64xf32, #tpu.memory_space<vmem>>[vector<16xi32>, vector<16xi32>], vector<16xf32>,
      %gather3A_1021 = tpu.vector_load_idx %arg10[%broadcast_in_dim3A_1019, %get3A_795] : memref<64x1000xf32, #tpu.memory_space<vmem>>[vector<16xi32>, vector<16xi32>], vector<16xf32>,
      %mul3A_1022 = arith.mulf %gather3A_1020, %gather3A_1021 : vector<16xf32>
      %add3A_1023 = arith.addf %add3A_1017, %mul3A_1022 : vector<16xf32>
      %broadcast_in_dim3A_1024 = arith.constant 38 : i32
      %broadcast_in_dim3A_1025 = vector.broadcast %broadcast_in_dim3A_1024 : i32 to vector<16xi32>
      %gather3A_1026 = tpu.vector_load_idx %arg9[%add3A_791, %broadcast_in_dim3A_1025] : memref<512x64xf32, #tpu.memory_space<vmem>>[vector<16xi32>, vector<16xi32>], vector<16xf32>,
      %gather3A_1027 = tpu.vector_load_idx %arg10[%broadcast_in_dim3A_1025, %get3A_795] : memref<64x1000xf32, #tpu.memory_space<vmem>>[vector<16xi32>, vector<16xi32>], vector<16xf32>,
      %mul3A_1028 = arith.mulf %gather3A_1026, %gather3A_1027 : vector<16xf32>
      %add3A_1029 = arith.addf %add3A_1023, %mul3A_1028 : vector<16xf32>
      %broadcast_in_dim3A_1030 = arith.constant 39 : i32
      %broadcast_in_dim3A_1031 = vector.broadcast %broadcast_in_dim3A_1030 : i32 to vector<16xi32>
      %gather3A_1032 = tpu.vector_load_idx %arg9[%add3A_791, %broadcast_in_dim3A_1031] : memref<512x64xf32, #tpu.memory_space<vmem>>[vector<16xi32>, vector<16xi32>], vector<16xf32>,
      %gather3A_1033 = tpu.vector_load_idx %arg10[%broadcast_in_dim3A_1031, %get3A_795] : memref<64x1000xf32, #tpu.memory_space<vmem>>[vector<16xi32>, vector<16xi32>], vector<16xf32>,
      %mul3A_1034 = arith.mulf %gather3A_1032, %gather3A_1033 : vector<16xf32>
      %add3A_1035 = arith.addf %add3A_1029, %mul3A_1034 : vector<16xf32>
      %broadcast_in_dim3A_1036 = arith.constant 40 : i32
      %broadcast_in_dim3A_1037 = vector.broadcast %broadcast_in_dim3A_1036 : i32 to vector<16xi32>
      %gather3A_1038 = tpu.vector_load_idx %arg9[%add3A_791, %broadcast_in_dim3A_1037] : memref<512x64xf32, #tpu.memory_space<vmem>>[vector<16xi32>, vector<16xi32>], vector<16xf32>,
      %gather3A_1039 = tpu.vector_load_idx %arg10[%broadcast_in_dim3A_1037, %get3A_795] : memref<64x1000xf32, #tpu.memory_space<vmem>>[vector<16xi32>, vector<16xi32>], vector<16xf32>,
      %mul3A_1040 = arith.mulf %gather3A_1038, %gather3A_1039 : vector<16xf32>
      %add3A_1041 = arith.addf %add3A_1035, %mul3A_1040 : vector<16xf32>
      %broadcast_in_dim3A_1042 = arith.constant 41 : i32
      %broadcast_in_dim3A_1043 = vector.broadcast %broadcast_in_dim3A_1042 : i32 to vector<16xi32>
      %gather3A_1044 = tpu.vector_load_idx %arg9[%add3A_791, %broadcast_in_dim3A_1043] : memref<512x64xf32, #tpu.memory_space<vmem>>[vector<16xi32>, vector<16xi32>], vector<16xf32>,
      %gather3A_1045 = tpu.vector_load_idx %arg10[%broadcast_in_dim3A_1043, %get3A_795] : memref<64x1000xf32, #tpu.memory_space<vmem>>[vector<16xi32>, vector<16xi32>], vector<16xf32>,
      %mul3A_1046 = arith.mulf %gather3A_1044, %gather3A_1045 : vector<16xf32>
      %add3A_1047 = arith.addf %add3A_1041, %mul3A_1046 : vector<16xf32>
      %broadcast_in_dim3A_1048 = arith.constant 42 : i32
      %broadcast_in_dim3A_1049 = vector.broadcast %broadcast_in_dim3A_1048 : i32 to vector<16xi32>
      %gather3A_1050 = tpu.vector_load_idx %arg9[%add3A_791, %broadcast_in_dim3A_1049] : memref<512x64xf32, #tpu.memory_space<vmem>>[vector<16xi32>, vector<16xi32>], vector<16xf32>,
      %gather3A_1051 = tpu.vector_load_idx %arg10[%broadcast_in_dim3A_1049, %get3A_795] : memref<64x1000xf32, #tpu.memory_space<vmem>>[vector<16xi32>, vector<16xi32>], vector<16xf32>,
      %mul3A_1052 = arith.mulf %gather3A_1050, %gather3A_1051 : vector<16xf32>
      %add3A_1053 = arith.addf %add3A_1047, %mul3A_1052 : vector<16xf32>
      %broadcast_in_dim3A_1054 = arith.constant 43 : i32
      %broadcast_in_dim3A_1055 = vector.broadcast %broadcast_in_dim3A_1054 : i32 to vector<16xi32>
      %gather3A_1056 = tpu.vector_load_idx %arg9[%add3A_791, %broadcast_in_dim3A_1055] : memref<512x64xf32, #tpu.memory_space<vmem>>[vector<16xi32>, vector<16xi32>], vector<16xf32>,
      %gather3A_1057 = tpu.vector_load_idx %arg10[%broadcast_in_dim3A_1055, %get3A_795] : memref<64x1000xf32, #tpu.memory_space<vmem>>[vector<16xi32>, vector<16xi32>], vector<16xf32>,
      %mul3A_1058 = arith.mulf %gather3A_1056, %gather3A_1057 : vector<16xf32>
      %add3A_1059 = arith.addf %add3A_1053, %mul3A_1058 : vector<16xf32>
      %broadcast_in_dim3A_1060 = arith.constant 44 : i32
      %broadcast_in_dim3A_1061 = vector.broadcast %broadcast_in_dim3A_1060 : i32 to vector<16xi32>
      %gather3A_1062 = tpu.vector_load_idx %arg9[%add3A_791, %broadcast_in_dim3A_1061] : memref<512x64xf32, #tpu.memory_space<vmem>>[vector<16xi32>, vector<16xi32>], vector<16xf32>,
      %gather3A_1063 = tpu.vector_load_idx %arg10[%broadcast_in_dim3A_1061, %get3A_795] : memref<64x1000xf32, #tpu.memory_space<vmem>>[vector<16xi32>, vector<16xi32>], vector<16xf32>,
      %mul3A_1064 = arith.mulf %gather3A_1062, %gather3A_1063 : vector<16xf32>
      %add3A_1065 = arith.addf %add3A_1059, %mul3A_1064 : vector<16xf32>
      %broadcast_in_dim3A_1066 = arith.constant 45 : i32
      %broadcast_in_dim3A_1067 = vector.broadcast %broadcast_in_dim3A_1066 : i32 to vector<16xi32>
      %gather3A_1068 = tpu.vector_load_idx %arg9[%add3A_791, %broadcast_in_dim3A_1067] : memref<512x64xf32, #tpu.memory_space<vmem>>[vector<16xi32>, vector<16xi32>], vector<16xf32>,
      %gather3A_1069 = tpu.vector_load_idx %arg10[%broadcast_in_dim3A_1067, %get3A_795] : memref<64x1000xf32, #tpu.memory_space<vmem>>[vector<16xi32>, vector<16xi32>], vector<16xf32>,
      %mul3A_1070 = arith.mulf %gather3A_1068, %gather3A_1069 : vector<16xf32>
      %add3A_1071 = arith.addf %add3A_1065, %mul3A_1070 : vector<16xf32>
      %broadcast_in_dim3A_1072 = arith.constant 46 : i32
      %broadcast_in_dim3A_1073 = vector.broadcast %broadcast_in_dim3A_1072 : i32 to vector<16xi32>
      %gather3A_1074 = tpu.vector_load_idx %arg9[%add3A_791, %broadcast_in_dim3A_1073] : memref<512x64xf32, #tpu.memory_space<vmem>>[vector<16xi32>, vector<16xi32>], vector<16xf32>,
      %gather3A_1075 = tpu.vector_load_idx %arg10[%broadcast_in_dim3A_1073, %get3A_795] : memref<64x1000xf32, #tpu.memory_space<vmem>>[vector<16xi32>, vector<16xi32>], vector<16xf32>,
      %mul3A_1076 = arith.mulf %gather3A_1074, %gather3A_1075 : vector<16xf32>
      %add3A_1077 = arith.addf %add3A_1071, %mul3A_1076 : vector<16xf32>
      %broadcast_in_dim3A_1078 = arith.constant 47 : i32
      %broadcast_in_dim3A_1079 = vector.broadcast %broadcast_in_dim3A_1078 : i32 to vector<16xi32>
      %gather3A_1080 = tpu.vector_load_idx %arg9[%add3A_791, %broadcast_in_dim3A_1079] : memref<512x64xf32, #tpu.memory_space<vmem>>[vector<16xi32>, vector<16xi32>], vector<16xf32>,
      %gather3A_1081 = tpu.vector_load_idx %arg10[%broadcast_in_dim3A_1079, %get3A_795] : memref<64x1000xf32, #tpu.memory_space<vmem>>[vector<16xi32>, vector<16xi32>], vector<16xf32>,
      %mul3A_1082 = arith.mulf %gather3A_1080, %gather3A_1081 : vector<16xf32>
      %add3A_1083 = arith.addf %add3A_1077, %mul3A_1082 : vector<16xf32>
      %broadcast_in_dim3A_1084 = arith.constant 48 : i32
      %broadcast_in_dim3A_1085 = vector.broadcast %broadcast_in_dim3A_1084 : i32 to vector<16xi32>
      %gather3A_1086 = tpu.vector_load_idx %arg9[%add3A_791, %broadcast_in_dim3A_1085] : memref<512x64xf32, #tpu.memory_space<vmem>>[vector<16xi32>, vector<16xi32>], vector<16xf32>,
      %gather3A_1087 = tpu.vector_load_idx %arg10[%broadcast_in_dim3A_1085, %get3A_795] : memref<64x1000xf32, #tpu.memory_space<vmem>>[vector<16xi32>, vector<16xi32>], vector<16xf32>,
      %mul3A_1088 = arith.mulf %gather3A_1086, %gather3A_1087 : vector<16xf32>
      %add3A_1089 = arith.addf %add3A_1083, %mul3A_1088 : vector<16xf32>
      %broadcast_in_dim3A_1090 = arith.constant 49 : i32
      %broadcast_in_dim3A_1091 = vector.broadcast %broadcast_in_dim3A_1090 : i32 to vector<16xi32>
      %gather3A_1092 = tpu.vector_load_idx %arg9[%add3A_791, %broadcast_in_dim3A_1091] : memref<512x64xf32, #tpu.memory_space<vmem>>[vector<16xi32>, vector<16xi32>], vector<16xf32>,
      %gather3A_1093 = tpu.vector_load_idx %arg10[%broadcast_in_dim3A_1091, %get3A_795] : memref<64x1000xf32, #tpu.memory_space<vmem>>[vector<16xi32>, vector<16xi32>], vector<16xf32>,
      %mul3A_1094 = arith.mulf %gather3A_1092, %gather3A_1093 : vector<16xf32>
      %add3A_1095 = arith.addf %add3A_1089, %mul3A_1094 : vector<16xf32>
      %broadcast_in_dim3A_1096 = arith.constant 50 : i32
      %broadcast_in_dim3A_1097 = vector.broadcast %broadcast_in_dim3A_1096 : i32 to vector<16xi32>
      %gather3A_1098 = tpu.vector_load_idx %arg9[%add3A_791, %broadcast_in_dim3A_1097] : memref<512x64xf32, #tpu.memory_space<vmem>>[vector<16xi32>, vector<16xi32>], vector<16xf32>,
      %gather3A_1099 = tpu.vector_load_idx %arg10[%broadcast_in_dim3A_1097, %get3A_795] : memref<64x1000xf32, #tpu.memory_space<vmem>>[vector<16xi32>, vector<16xi32>], vector<16xf32>,
      %mul3A_1100 = arith.mulf %gather3A_1098, %gather3A_1099 : vector<16xf32>
      %add3A_1101 = arith.addf %add3A_1095, %mul3A_1100 : vector<16xf32>
      %broadcast_in_dim3A_1102 = arith.constant 51 : i32
      %broadcast_in_dim3A_1103 = vector.broadcast %broadcast_in_dim3A_1102 : i32 to vector<16xi32>
      %gather3A_1104 = tpu.vector_load_idx %arg9[%add3A_791, %broadcast_in_dim3A_1103] : memref<512x64xf32, #tpu.memory_space<vmem>>[vector<16xi32>, vector<16xi32>], vector<16xf32>,
      %gather3A_1105 = tpu.vector_load_idx %arg10[%broadcast_in_dim3A_1103, %get3A_795] : memref<64x1000xf32, #tpu.memory_space<vmem>>[vector<16xi32>, vector<16xi32>], vector<16xf32>,
      %mul3A_1106 = arith.mulf %gather3A_1104, %gather3A_1105 : vector<16xf32>
      %add3A_1107 = arith.addf %add3A_1101, %mul3A_1106 : vector<16xf32>
      %broadcast_in_dim3A_1108 = arith.constant 52 : i32
      %broadcast_in_dim3A_1109 = vector.broadcast %broadcast_in_dim3A_1108 : i32 to vector<16xi32>
      %gather3A_1110 = tpu.vector_load_idx %arg9[%add3A_791, %broadcast_in_dim3A_1109] : memref<512x64xf32, #tpu.memory_space<vmem>>[vector<16xi32>, vector<16xi32>], vector<16xf32>,
      %gather3A_1111 = tpu.vector_load_idx %arg10[%broadcast_in_dim3A_1109, %get3A_795] : memref<64x1000xf32, #tpu.memory_space<vmem>>[vector<16xi32>, vector<16xi32>], vector<16xf32>,
      %mul3A_1112 = arith.mulf %gather3A_1110, %gather3A_1111 : vector<16xf32>
      %add3A_1113 = arith.addf %add3A_1107, %mul3A_1112 : vector<16xf32>
      %broadcast_in_dim3A_1114 = arith.constant 53 : i32
      %broadcast_in_dim3A_1115 = vector.broadcast %broadcast_in_dim3A_1114 : i32 to vector<16xi32>
      %gather3A_1116 = tpu.vector_load_idx %arg9[%add3A_791, %broadcast_in_dim3A_1115] : memref<512x64xf32, #tpu.memory_space<vmem>>[vector<16xi32>, vector<16xi32>], vector<16xf32>,
      %gather3A_1117 = tpu.vector_load_idx %arg10[%broadcast_in_dim3A_1115, %get3A_795] : memref<64x1000xf32, #tpu.memory_space<vmem>>[vector<16xi32>, vector<16xi32>], vector<16xf32>,
      %mul3A_1118 = arith.mulf %gather3A_1116, %gather3A_1117 : vector<16xf32>
      %add3A_1119 = arith.addf %add3A_1113, %mul3A_1118 : vector<16xf32>
      %broadcast_in_dim3A_1120 = arith.constant 54 : i32
      %broadcast_in_dim3A_1121 = vector.broadcast %broadcast_in_dim3A_1120 : i32 to vector<16xi32>
      %gather3A_1122 = tpu.vector_load_idx %arg9[%add3A_791, %broadcast_in_dim3A_1121] : memref<512x64xf32, #tpu.memory_space<vmem>>[vector<16xi32>, vector<16xi32>], vector<16xf32>,
      %gather3A_1123 = tpu.vector_load_idx %arg10[%broadcast_in_dim3A_1121, %get3A_795] : memref<64x1000xf32, #tpu.memory_space<vmem>>[vector<16xi32>, vector<16xi32>], vector<16xf32>,
      %mul3A_1124 = arith.mulf %gather3A_1122, %gather3A_1123 : vector<16xf32>
      %add3A_1125 = arith.addf %add3A_1119, %mul3A_1124 : vector<16xf32>
      %broadcast_in_dim3A_1126 = arith.constant 55 : i32
      %broadcast_in_dim3A_1127 = vector.broadcast %broadcast_in_dim3A_1126 : i32 to vector<16xi32>
      %gather3A_1128 = tpu.vector_load_idx %arg9[%add3A_791, %broadcast_in_dim3A_1127] : memref<512x64xf32, #tpu.memory_space<vmem>>[vector<16xi32>, vector<16xi32>], vector<16xf32>,
      %gather3A_1129 = tpu.vector_load_idx %arg10[%broadcast_in_dim3A_1127, %get3A_795] : memref<64x1000xf32, #tpu.memory_space<vmem>>[vector<16xi32>, vector<16xi32>], vector<16xf32>,
      %mul3A_1130 = arith.mulf %gather3A_1128, %gather3A_1129 : vector<16xf32>
      %add3A_1131 = arith.addf %add3A_1125, %mul3A_1130 : vector<16xf32>
      %broadcast_in_dim3A_1132 = arith.constant 56 : i32
      %broadcast_in_dim3A_1133 = vector.broadcast %broadcast_in_dim3A_1132 : i32 to vector<16xi32>
      %gather3A_1134 = tpu.vector_load_idx %arg9[%add3A_791, %broadcast_in_dim3A_1133] : memref<512x64xf32, #tpu.memory_space<vmem>>[vector<16xi32>, vector<16xi32>], vector<16xf32>,
      %gather3A_1135 = tpu.vector_load_idx %arg10[%broadcast_in_dim3A_1133, %get3A_795] : memref<64x1000xf32, #tpu.memory_space<vmem>>[vector<16xi32>, vector<16xi32>], vector<16xf32>,
      %mul3A_1136 = arith.mulf %gather3A_1134, %gather3A_1135 : vector<16xf32>
      %add3A_1137 = arith.addf %add3A_1131, %mul3A_1136 : vector<16xf32>
      %broadcast_in_dim3A_1138 = arith.constant 57 : i32
      %broadcast_in_dim3A_1139 = vector.broadcast %broadcast_in_dim3A_1138 : i32 to vector<16xi32>
      %gather3A_1140 = tpu.vector_load_idx %arg9[%add3A_791, %broadcast_in_dim3A_1139] : memref<512x64xf32, #tpu.memory_space<vmem>>[vector<16xi32>, vector<16xi32>], vector<16xf32>,
      %gather3A_1141 = tpu.vector_load_idx %arg10[%broadcast_in_dim3A_1139, %get3A_795] : memref<64x1000xf32, #tpu.memory_space<vmem>>[vector<16xi32>, vector<16xi32>], vector<16xf32>,
      %mul3A_1142 = arith.mulf %gather3A_1140, %gather3A_1141 : vector<16xf32>
      %add3A_1143 = arith.addf %add3A_1137, %mul3A_1142 : vector<16xf32>
      %broadcast_in_dim3A_1144 = arith.constant 58 : i32
      %broadcast_in_dim3A_1145 = vector.broadcast %broadcast_in_dim3A_1144 : i32 to vector<16xi32>
      %gather3A_1146 = tpu.vector_load_idx %arg9[%add3A_791, %broadcast_in_dim3A_1145] : memref<512x64xf32, #tpu.memory_space<vmem>>[vector<16xi32>, vector<16xi32>], vector<16xf32>,
      %gather3A_1147 = tpu.vector_load_idx %arg10[%broadcast_in_dim3A_1145, %get3A_795] : memref<64x1000xf32, #tpu.memory_space<vmem>>[vector<16xi32>, vector<16xi32>], vector<16xf32>,
      %mul3A_1148 = arith.mulf %gather3A_1146, %gather3A_1147 : vector<16xf32>
      %add3A_1149 = arith.addf %add3A_1143, %mul3A_1148 : vector<16xf32>
      %broadcast_in_dim3A_1150 = arith.constant 59 : i32
      %broadcast_in_dim3A_1151 = vector.broadcast %broadcast_in_dim3A_1150 : i32 to vector<16xi32>
      %gather3A_1152 = tpu.vector_load_idx %arg9[%add3A_791, %broadcast_in_dim3A_1151] : memref<512x64xf32, #tpu.memory_space<vmem>>[vector<16xi32>, vector<16xi32>], vector<16xf32>,
      %gather3A_1153 = tpu.vector_load_idx %arg10[%broadcast_in_dim3A_1151, %get3A_795] : memref<64x1000xf32, #tpu.memory_space<vmem>>[vector<16xi32>, vector<16xi32>], vector<16xf32>,
      %mul3A_1154 = arith.mulf %gather3A_1152, %gather3A_1153 : vector<16xf32>
      %add3A_1155 = arith.addf %add3A_1149, %mul3A_1154 : vector<16xf32>
      %broadcast_in_dim3A_1156 = arith.constant 60 : i32
      %broadcast_in_dim3A_1157 = vector.broadcast %broadcast_in_dim3A_1156 : i32 to vector<16xi32>
      %gather3A_1158 = tpu.vector_load_idx %arg9[%add3A_791, %broadcast_in_dim3A_1157] : memref<512x64xf32, #tpu.memory_space<vmem>>[vector<16xi32>, vector<16xi32>], vector<16xf32>,
      %gather3A_1159 = tpu.vector_load_idx %arg10[%broadcast_in_dim3A_1157, %get3A_795] : memref<64x1000xf32, #tpu.memory_space<vmem>>[vector<16xi32>, vector<16xi32>], vector<16xf32>,
      %mul3A_1160 = arith.mulf %gather3A_1158, %gather3A_1159 : vector<16xf32>
      %add3A_1161 = arith.addf %add3A_1155, %mul3A_1160 : vector<16xf32>
      %broadcast_in_dim3A_1162 = arith.constant 61 : i32
      %broadcast_in_dim3A_1163 = vector.broadcast %broadcast_in_dim3A_1162 : i32 to vector<16xi32>
      %gather3A_1164 = tpu.vector_load_idx %arg9[%add3A_791, %broadcast_in_dim3A_1163] : memref<512x64xf32, #tpu.memory_space<vmem>>[vector<16xi32>, vector<16xi32>], vector<16xf32>,
      %gather3A_1165 = tpu.vector_load_idx %arg10[%broadcast_in_dim3A_1163, %get3A_795] : memref<64x1000xf32, #tpu.memory_space<vmem>>[vector<16xi32>, vector<16xi32>], vector<16xf32>,
      %mul3A_1166 = arith.mulf %gather3A_1164, %gather3A_1165 : vector<16xf32>
      %add3A_1167 = arith.addf %add3A_1161, %mul3A_1166 : vector<16xf32>
      %broadcast_in_dim3A_1168 = arith.constant 62 : i32
      %broadcast_in_dim3A_1169 = vector.broadcast %broadcast_in_dim3A_1168 : i32 to vector<16xi32>
      %gather3A_1170 = tpu.vector_load_idx %arg9[%add3A_791, %broadcast_in_dim3A_1169] : memref<512x64xf32, #tpu.memory_space<vmem>>[vector<16xi32>, vector<16xi32>], vector<16xf32>,
      %gather3A_1171 = tpu.vector_load_idx %arg10[%broadcast_in_dim3A_1169, %get3A_795] : memref<64x1000xf32, #tpu.memory_space<vmem>>[vector<16xi32>, vector<16xi32>], vector<16xf32>,
      %mul3A_1172 = arith.mulf %gather3A_1170, %gather3A_1171 : vector<16xf32>
      %add3A_1173 = arith.addf %add3A_1167, %mul3A_1172 : vector<16xf32>
      %broadcast_in_dim3A_1174 = arith.constant 63 : i32
      %broadcast_in_dim3A_1175 = vector.broadcast %broadcast_in_dim3A_1174 : i32 to vector<16xi32>
      %gather3A_1176 = tpu.vector_load_idx %arg9[%add3A_791, %broadcast_in_dim3A_1175] : memref<512x64xf32, #tpu.memory_space<vmem>>[vector<16xi32>, vector<16xi32>], vector<16xf32>,
      %gather3A_1177 = tpu.vector_load_idx %arg10[%broadcast_in_dim3A_1175, %get3A_795] : memref<64x1000xf32, #tpu.memory_space<vmem>>[vector<16xi32>, vector<16xi32>], vector<16xf32>,
      %mul3A_1178 = arith.mulf %gather3A_1176, %gather3A_1177 : vector<16xf32>
      %add3A_1179 = arith.addf %add3A_1173, %mul3A_1178 : vector<16xf32>
      %neg3A = arith.constant 0.000000e+00 : f32
      %neg3A_1180 = vector.broadcast %neg3A : f32 to vector<16xf32>
      %neg3A_1181 = arith.subf %neg3A_1180, %add3A_1179 : vector<16xf32>
      %exp3A = math.exp %neg3A_1181 : vector<16xf32>
      %add3A_1182 = arith.constant 1.000000e+00 : f32
      %add3A_1183 = vector.broadcast %add3A_1182 : f32 to vector<16xf32>
      %add3A_1184 = arith.addf %add3A_1183, %exp3A : vector<16xf32>
      %div3A = arith.constant 1.000000e+00 : f32
      %div3A_1185 = vector.broadcast %div3A : f32 to vector<16xf32>
      %div3A_1186 = arith.divf %div3A_1185, %add3A_1184 : vector<16xf32>
      %mul3A_1187 = arith.constant 16 : i32
      %mul3A_1188 = arith.muli %scan3A_787, %mul3A_1187 : i32
      %swap3A_1189 = arith.index_cast %mul3A_1188 : i32 to index
      %swap3A_1190 = tpu.vector_load %arg11[%swap3A_1189] {strides = array<i32>} : memref<512xf32, #tpu.memory_space<vmem>>, vector<16xf32>,
      tpu.vector_store %arg11[%swap3A_1189], %div3A_1186 {strides = array<i32>} : memref<512xf32, #tpu.memory_space<vmem>>, vector<16xf32>,
    }
    %scan3A_786 = arith.constant 32 : i32
    "tpu.region"() ({
      %run_scoped3A_787 = tpu.sem_alloc : memref<!tpu.dma_semaphore, #tpu.memory_space<semaphore_mem>>
      %dma_start3A_788 = tpu.memref_slice %arg5[%mul3A_2] : memref<16384xf32, #tpu.memory_space<hbm>> -> memref<512xf32, #tpu.memory_space<hbm>>
      %dma_start3A_789 = tpu.memref_slice %arg5[%mul3A_2] : memref<16384xf32, #tpu.memory_space<hbm>> -> memref<512xf32, #tpu.memory_space<hbm>>
      tpu.enqueue_dma source(%arg11 : memref<512xf32, #tpu.memory_space<vmem>>) target(%dma_start3A_789 : memref<512xf32, #tpu.memory_space<hbm>>) target_semaphore(%run_scoped3A_787 : memref<!tpu.dma_semaphore, #tpu.memory_space<semaphore_mem>>)
      %dma_wait3A_790 = tpu.memref_slice %arg5[%mul3A_2] : memref<16384xf32, #tpu.memory_space<hbm>> -> memref<512xf32, #tpu.memory_space<hbm>>
      %dma_wait3A_791 = tpu.memref_slice %arg5[%mul3A_2] : memref<16384xf32, #tpu.memory_space<hbm>> -> memref<512xf32, #tpu.memory_space<hbm>>
      tpu.wait_dma2 semaphore(%run_scoped3A_787 : memref<!tpu.dma_semaphore, #tpu.memory_space<semaphore_mem>>) src(%arg11 : memref<512xf32, #tpu.memory_space<vmem>>) dst(%dma_wait3A_791 : memref<512xf32, #tpu.memory_space<hbm>>)
      tpu.yield
    }) : () -> ()
    return
  }
}

</mosaic_0001>

<sc_bundles>
// kernel: kernel.3.cloned.1.call-start
scs
__scs_entry_jumppad:
0x0: {  	(pc) =	sbr.rel $0x88, $3  }
0x1: {  	(tag) =	ssettag $0x0;
	lr =	simm.s32 $0x1  }
0x2: {  	[smem:$0x3F9E] =	sst lr;
	_ =	strace $0xD0000000  }
0x3: {  	_ = 	snop  }
0x4: {  	_ = 	snop  }
0x5: {  	_ = 	snop  }
0x6: {  	_ = 	snop  }
0x7: {  	_ = 	snop  }
__scs_overlays_trampoline_lowered:
0x8: {  	[smem:$0x3FAD] =	sst s0  }
0x9: {  	[smem:$0x3FAE] =	sst s1  }
0xa: {  	[smem:$0x3FAF] =	sst s2  }
0xb: {  	[smem:$0x3FB0] =	sst s3  }
0xc: {  	[smem:$0x3FB1] =	sst s4  }
0xd: {  	[smem:$0x3FB2] =	sst s5  }
0xe: {  	[smem:$0x3FB3] =	sst s6  }
0xf: {  	[smem:$0x3FB4] =	sst s7  }
0x10: {  	[smem:$0x3FB5] =	sst s8  }
0x11: {  	[smem:$0x3FB6] =	sst s9;
	s0 =	simm.s32 @!p0 $0x0  }
0x12: {  	s1 =	sld [smem:$0x3F9C];
	s0 =	simm.s32 @p0 $0x1  }
0x13: {  	[smem:$0x3FB7] =	sst s0;
	s0 =	simm.s32 @!p1 $0x0  }
0x14: {  	s2 =	sld [smem:$0x3F9B];
	s0 =	simm.s32 @p1 $0x1  }
0x15: {  	[smem:$0x3FB8] =	sst s0;
	s0 =	simm.s32 @!p2 $0x0  }
0x16: {  	s3 =	sld [smem:$0x3FDB];
	s0 =	simm.s32 @p2 $0x1  }
0x17: {  	s4 =	simm.s32 $0x1BF5;
	[smem:$0x3FBA] =	sst s0  }
0x18: {  	s0 =	sld [smem:$0x3F9D];
	_ =	swait.ge [sflag:s4], $0x0  }
0x19: {  	s7 =	sld [smem:$0x3F9E]  }
0x1a: {  	s8 =	sadd.s32 $0xFFFFE003, lr  }
0x1b: {  	s9 =	sadd.s32 $0xFFFFFEF7, lr;
	s5 =	simm.s32 $0xFFFFFFFF;
	p2 =	slt.u32 s8, $0xFFFFF086  }
0x1c: {  	p1 =	slt.u32 s9, $0xF7A;
	s5 =	simm.s32 @!p2 $0x0  }
0x1d: {  	s5 =	simm.s32 @p1 $0x1;
	p0 =	seq.s32 s7, s2  }
0x1e: {  	s7 =	smul.u32 @!p0 $0xF7A, s2;
	p2 =	seq.s32 @!p0 s5, $0x0  }
0x1f: {  	s9 =	smul.u32 $0xF7A, s1;
	s8 =	simm.s32 @!p0 $0x1BF5;
	p2 =	por !p2, p0  }
0x20: {  	[sflag:s8] =	ssyncset.s32 @!p0 $0xFFFFF086;
	s6 =	sadd.s32 @!p0 s3, s7;
	s7 =	simm.s32 @!p0 $0x108  }
0x21: {  	s3 =	sadd.s32 s3, s9;
	s6 =	sadd.s32 @!p0 $0x88, s6;
	s7 =	simm.s32 @p2 $0x1082  }
0x22: {  	[simem:s7], [sflag:s8] =	dma.local @!p0 [hbm:s6], $0xF7A  }
0x23: {  	s9 =	sor.u32 $0xD0000000, s2;
	s6 =	simm.s32 $0x108;
	_ =	swait.ge @!p0 [sflag:s8], $0x0  }
0x24: {  	s3 =	sadd.s32 $0x88, s3;
	s6 =	simm.s32 @!p1 $0x1082;
	[sflag:s4] =	ssyncset.s32 $0xFFFFF086  }
0x25: {  	[simem:s6], [sflag:s4] =	dma.local [hbm:s3], $0xF7A  }
0x26: {  	[smem:$0x3F9E] =	sst s1;
	(tag) =	ssettag s2;
	_ =	strace s9  }
0x27: {  	s1 =	sld [smem:$0x3FAE]  }
0x28: {  	s2 =	sld [smem:$0x3FAF]  }
0x29: {  	s4 =	sld [smem:$0x3FB1]  }
0x2a: {  	p0 =	seq.s32 s5, $0x0;
	s5 =	sld [smem:$0x3FB2]  }
0x2b: {  	s6 =	sld [smem:$0x3FB3]  }
0x2c: {  	s7 =	sld [smem:$0x3FB4]  }
0x2d: {  	s3 =	simm.s32 $0x108;
	s8 =	sld [smem:$0x3FB5]  }
0x2e: {  	s3 =	simm.s32 @!p0 $0x1082;
	s9 =	sld [smem:$0x3FB6]  }
0x2f: {  	lr =	sadd.s32 s0, s3;
	s0 =	sld [smem:$0x3FAD]  }
0x30: {  	s3 =	sld [smem:$0x3FB0]  }
0x31: {  	[smem:$0x3FB9] =	sst s10  }
0x32: {  	s10 =	sld [smem:$0x3FB7];
	_ =	sdelay $0x3  }
0x33: {  	p0 =	seq.s32 s10, $0x1;
	s10 =	sld [smem:$0x3FB9];
	_ =	sdelay $0x3  }
0x34: {  	[smem:$0x3FB9] =	sst s10  }
0x35: {  	s10 =	sld [smem:$0x3FB8];
	_ =	sdelay $0x3  }
0x36: {  	p1 =	seq.s32 s10, $0x1;
	s10 =	sld [smem:$0x3FB9];
	_ =	sdelay $0x3  }
0x37: {  	[smem:$0x3FB9] =	sst s10  }
0x38: {  	s10 =	sld [smem:$0x3FBA]  }
0x39: {  	_ = 	snop;
	(pc) =	sbr.ind lr, $3  }
0x3a: {  	_ = 	snop  }
0x3b: {  	_ = 	snop  }
0x3c: {  	p2 =	seq.s32 s10, $0x1;
	s10 =	sld [smem:$0x3FB9]  }
0x3d: {  	_ =	shalt  }
0x3e: {  	_ =	shalt  }
0x3f: {  	_ =	shalt  }
0x40: {  	_ =	shalt  }
0x41: {  	_ =	shalt  }
0x42: {  	_ =	shalt  }
0x43: {  	_ =	shalt  }
0x44: {  	_ =	shalt  }
0x45: {  	_ =	shalt  }
0x46: {  	_ =	shalt  }
0x47: {  	_ =	shalt  }
0x48: {  	_ =	shalt  }
0x49: {  	_ =	shalt  }
0x4a: {  	_ =	shalt  }
0x4b: {  	_ =	shalt  }
0x4c: {  	_ =	shalt  }
0x4d: {  	_ =	shalt  }
0x4e: {  	_ =	shalt  }
0x4f: {  	_ =	shalt  }
0x50: {  	_ =	shalt  }
0x51: {  	_ =	shalt  }
0x52: {  	_ =	shalt  }
0x53: {  	_ =	shalt  }
0x54: {  	_ =	shalt  }
0x55: {  	_ =	shalt  }
0x56: {  	_ =	shalt  }
0x57: {  	_ =	shalt  }
0x58: {  	_ =	shalt  }
0x59: {  	_ =	shalt  }
0x5a: {  	_ =	shalt  }
0x5b: {  	_ =	shalt  }
0x5c: {  	_ =	shalt  }
0x5d: {  	_ =	shalt  }
0x5e: {  	_ =	shalt  }
0x5f: {  	_ =	shalt  }
0x60: {  	_ =	shalt  }
0x61: {  	_ =	shalt  }
0x62: {  	_ =	shalt  }
0x63: {  	_ =	shalt  }
0x64: {  	_ =	shalt  }
0x65: {  	_ =	shalt  }
0x66: {  	_ =	shalt  }
0x67: {  	_ =	shalt  }
0x68: {  	_ =	shalt  }
0x69: {  	_ =	shalt  }
0x6a: {  	_ =	shalt  }
0x6b: {  	_ =	shalt  }
0x6c: {  	_ =	shalt  }
0x6d: {  	_ =	shalt  }
0x6e: {  	_ =	shalt  }
0x6f: {  	_ =	shalt  }
0x70: {  	_ =	shalt  }
0x71: {  	_ =	shalt  }
0x72: {  	_ =	shalt  }
0x73: {  	_ =	shalt  }
0x74: {  	_ =	shalt  }
0x75: {  	_ =	shalt  }
0x76: {  	_ =	shalt  }
0x77: {  	_ =	shalt  }
0x78: {  	_ =	shalt  }
0x79: {  	_ =	shalt  }
0x7a: {  	_ =	shalt  }
0x7b: {  	_ =	shalt  }
0x7c: {  	_ =	shalt  }
0x7d: {  	_ =	shalt  }
0x7e: {  	_ =	shalt  }
0x7f: {  	_ =	shalt  }
0x80: {  	_ =	shalt  }
0x81: {  	_ =	shalt  }
0x82: {  	_ =	shalt  }
0x83: {  	_ =	shalt  }
0x84: {  	_ =	shalt  }
0x85: {  	_ =	shalt  }
0x86: {  	_ =	shalt  }
0x87: {  	_ =	shalt  }
.Lfunc_end0:
.L_simem_size_0:
called_computation_lowered:
.L_overlay_start_0:
0x88: {  	s2 =	sld [smem:$0x3FD9]  }
0x89: {  	s3 =	sld [smem:$0x3FFE];
	_ =	sdelay $0x1  }
0x8a: {  	s1 =	srdreg.scid  }
0x8b: {  	s0 =	sand.u32 $0x1, s1  }
0x8c: {  	s17 =	sshll.u32 s0, $0xA;
	s2 =	sadd.s32 s3, s2  }
0x8d: {  	s2 =	sadd.s32 s2, s17  }
0x8e: {  	[smem:$0x3FC5] =	sst s2  }
0x8f: {  	_ = 	snop  }
0x90: {  	s2 =	sld [smem:$0x3FD0];
	(tm) =	ssettm $0x1  }
0x91: {  	s18 =	sld [smem:$0x3FFB];
	_ =	sdelay $0x3  }
0x92: {  	_ =	strace s18  }
0x93: {  	s3 =	sld [smem:$0x3FFC];
	_ =	sdelay $0x3  }
0x94: {  	_ =	strace s3  }
0x95: {  	s3 =	sld [smem:$0x3FFD];
	_ =	sdelay $0x3  }
0x96: {  	_ =	strace s3  }
0x97: {  	_ =	strace $0x8FFFFFFF  }
0x98: {  	s19 =	sld [smem:$0x3FDB];
	_ =	sdelay $0x1  }
0x99: {  	s4 =	simm.s32 $_scs_section_size  }
0x9a: {  	s5 =	simm.s32 $_size__tile_overlayer_lowered;
	s6 =	simm.s32 $_tile_overlayer_lowered  }
0x9b: {  	s22 =	simm.s32 $0x1BFF;
	s21 =	sshll.u32 s6, $0x1;
	s3 =	sadd.s32 s4, s19  }
0x9c: {  	s7 =	simm.s32 $0x0;
	s20 =	sshll.u32 s5, $0x1;
	s5 =	sadd.s32 s21, s3  }
0x9d: {  	[timem:s7], [sflag:s22] =	dma.local [hbm:s5], s20  }
0x9e: {  	_ =	swait.ge [sflag:s22], s20  }
0x9f: {  	s4 =	ssub.s32 $0x0, s20;
	[sflag:s22] =	ssyncset.done $0x0  }
0xa0: {  	[sflag:s22] =	ssyncadd.s32 s4;
	_ =	sdelay $0x1  }
0xa1: {  	s23 =	simm.s32 $0x1B8B  }
0xa2: {  	_ =	swait.ge [sflag:s23], $0x1  }
0xa3: {  	[sflag:s23] =	ssyncset.done $0x0  }
0xa4: {  	s25 =	simm.s32 $0x1B8E;
	s24 =	sld [smem:$0x3FFE];
	[sflag:s23] =	ssyncadd.s32 $0xFFFFFFFF  }
0xa5: {  	s26 =	simm.s32 $execute0_lowered;
	[smem:$0x3FD2] =	sst s25  }
0xa6: {  	s5 =	sshll.u32 s26, $0x1;
	_ =	strace $0x80000046;
	[dreg:$0x1] =	wrdreg $0xFFFFFFFF  }
0xa7: {  	s28 =	simm.s32 $_size_execute0_lowered;
	s3 =	sadd.s32 s3, s5;
	[dreg:$0x0] =	wrdreg $0x0  }
0xa8: {  	s5 =	sshll.u32 s28, $0x1;
	[dreg:$0x2] =	wrdreg s3  }
0xa9: {  	[dreg:$0x3] =	wrdreg s5  }
0xaa: {  	[dreg:$0x4] =	wrdreg $0xC0  }
0xab: {  	_ =	task [dreg:s7], $0x5FFFF  }
0xac: {  	[dreg:$0x1] =	wrdreg $0xFFFFFFFF  }
0xad: {  	[dreg:$0x0] =	wrdreg $0x60  }
0xae: {  	[dreg:$0x2] =	wrdreg s24  }
0xaf: {  	[dreg:$0x3] =	wrdreg s2  }
0xb0: {  	[dreg:$0x4] =	wrdreg $0x9  }
0xb1: {  	_ =	task.clear_ibuf [dreg:s7], $0x5FFFF;
	_ =	strace $0x90000046  }
0xb2: {  	s29 =	simm.s32 $0x9;
	_ =	strace $0x80000048  }
0xb3: {  	_ =	swait.ge [sflag:s29], $0x1  }
0xb4: {  	[sflag:s29] =	ssyncadd.s32 $0xFFFFFFFF  }
0xb5: {  	_ =	strace $0x90000048  }
0xb6: {  	_ =	sfence  }
0xb7: {  	s30 =	sld [smem:$0x0];
	_ =	sdelay $0x2  }
0xb8: {  	s31 =	sshll.u32 s1, $0xD;
	s1 =	sshrl.u32 s1, $0x2  }
0xb9: {  	s3 =	sand.u32 $0x4000, s31;
	s1 =	sadd.s32 s1, s30  }
0xba: {  	s0 =	sor.u32 s3, s0;
	s1 =	sshll.u32 s1, $0x11  }
0xbb: {  	s0 =	sor.u32 s1, s0  }
0xbc: {  	s0 =	sadd.s32 $0x8F2B, s0  }
0xbd: {  	[sflag:s0] =	ssyncadd.remote.s32 $0x1  }
0xbe: {  	_ =	sfence.sel $0xFFFF  }
0xbf: {  	[dreg:$0x0] =	wrdreg $0xFFFFFFFF;
	(pc) =	sbr.abs _section_cstart, $3  }
0xc0: {  	[dreg:$0x1] =	wrdreg $0xFFFFFFFF  }
0xc1: {  	_ =	task.clear_ibuf [dreg:s7], $0x2FFFF;
	_ =	strace $0x9FFFFFFF  }
0xc2: {  	(tm) =	ssettm $0x7FFFFFFF  }
0xc3: {  	_ =	shalt  }
tec
execute0_lowered:
.L_overlay_start_1:
0x0: {  	(tag) =	ssettag $0x1  }
0x1: {  	s4 =	rddreg [dreg:$0x0]  }
0x2: {  	s7 =	rddreg [dreg:$0x1];
	s2 =	srdreg.scid  }
0x3: {  	s0 =	rddreg [dreg:$0x2];
	s1 =	stileid.u32;
	s10 =	simm.s32 $0x2  }
0x4: {  	s11 =	simm.s32 $0x80;
	s12 =	simm.s32 $0x200;
	s13 =	simm.s32 $0x600  }
0x5: {  	s14 =	simm.s32 $0x280;
	s15 =	simm.s32 $0x2600;
	s16 =	simm.s32 $0x300  }
0x6: {  	s17 =	simm.s32 $0x4600;
	s18 =	simm.s32 $0x380;
	s19 =	simm.s32 $0x6600  }
0x7: {  	s20 =	simm.s32 $0x1;
	s21 =	simm.s32 $0x18000;
	s22 =	simm.s32 $0x0  }
0x8: {  	s3 =	sand.u32 $0x1, s2;
	s2 =	simm.s32 $0x0;
	s5 =	sshll.u32 s1, $0x7  }
0x9: {  	s6 =	sshll.u32 s3, $0x6;
	[smem:$0x7FF] =	sst s2;
	s31 =	ssub.s32 $0x2, s3  }
0xa: {  	s3 =	sadd.s32 $0x187200, s4;
	s8 =	sor.u32 s6, s5;
	_ =	strace $0x80000047  }
0xb: {  	s9 =	sshrl.u32 s31, $0x1;
	s6 =	sadd.s32 s8, s4;
	s4 =	sadd.s32 $0x800, s4  }
0xc: {  	v0 =	vlaneseq.u32;
	s9 =	ssub.s32 s31, s9;
	s7 =	sadd.s32 s7, s8;
	s5 =	sadd.s32 $0x2800, s6  }
0xd: {  	v0 =	vmul.u32 $0x40, v0;
	s6 =	sadd.s32 $0x3000, s6;
	s8 =	smax.u32 s9, $0x1;
	s9 =	simm.s32 $0x8600  }
.LBB2_1:
0xe: {  	[tilespmem:s9], [sflag:$0x1] =	stream.linear.gather [hbm4b:s4+s2], $0xFA00, $0x38;
	[tilespmem:$0x18200] =	vst v63  }
0xf: {  	_ = 	snop  }
0x10: {  	[tilespmem:s2], [sflag:$0x2] =	stream.linear.gather [hbm4b:s5+s2], $0x200, $0x38;
	[tilespmem:$0x18200] =	vst v63  }
0x11: {  	_ =	swait.ge [sflag:s10], $0x200  }
0x12: {  	[sflag:s10] =	ssyncset.done $0x0  }
0x13: {  	s23 =	simm.s32 $0x400;
	[sflag:s10] =	ssyncadd.s32 $0xFFFFFE00  }
0x14: {  	[tilespmem:s23], [sflag:$0x2] =	stream.linear.gather [hbm4b:s6+s2], $0x200, $0x38;
	[tilespmem:$0x18200] =	vst v63  }
0x15: {  	_ =	swait.ge [sflag:s10], $0x200  }
0x16: {  	[sflag:s10] =	ssyncset.done $0x0  }
0x17: {  	[sflag:s10] =	ssyncadd.s32 $0xFFFFFE00  }
0x18: {  	v1 =	vld [tilespmem:$0x0]  }
0x19: {  	v2 =	vld [tilespmem:$0x400]  }
0x1a: {  	v3 =	vld [tilespmem:$0x10]  }
0x1b: {  	v4 =	vld [tilespmem:$0x410]  }
0x1c: {  	v5 =	vld [tilespmem:$0x20]  }
0x1d: {  	v6 =	vld [tilespmem:$0x420];
	vm0 =	vgt.s32 v1, $0x0  }
0x1e: {  	v7 =	vld [tilespmem:$0x30];
	vm13 =	vgt.s32 v2, $0x0;
	v1 =	vnsel vm0, $0x0, v1  }
0x1f: {  	v8 =	vld [tilespmem:$0x430];
	vm14 =	vgt.s32 v3, $0x0;
	v2 =	vnsel vm13, $0x0, v2;
	v1 =	vmin.u32 v1, $0x1869F  }
0x20: {  	vm15 =	vgt.s32 v4, $0x0;
	[tilespmem:$0x200] =	vst v1;
	v1 =	vmin.u32 v2, $0x3E7;
	v2 =	vnsel vm14, $0x0, v3;
	v3 =	vld [tilespmem:$0x40]  }
0x21: {  	v53 =	vld [tilespmem:$0x440];
	vm4 =	vgt.s32 v5, $0x0;
	[tilespmem:$0x400] =	vst v1;
	v1 =	vmin.u32 v2, $0x1869F;
	v2 =	vnsel vm15, $0x0, v4  }
0x22: {  	v54 =	vld [tilespmem:$0x50];
	vm5 =	vgt.s32 v6, $0x0;
	[tilespmem:$0x210] =	vst v1;
	v1 =	vmin.u32 v2, $0x3E7;
	v2 =	vnsel vm4, $0x0, v5  }
0x23: {  	v55 =	vld [tilespmem:$0x450];
	vm6 =	vgt.s32 v7, $0x0;
	[tilespmem:$0x410] =	vst v1;
	v1 =	vmin.u32 v2, $0x1869F;
	v2 =	vnsel vm5, $0x0, v6  }
0x24: {  	v56 =	vld [tilespmem:$0x60];
	vm7 =	vgt.s32 v8, $0x0;
	[tilespmem:$0x220] =	vst v1;
	v1 =	vmin.u32 v2, $0x3E7;
	v2 =	vnsel vm6, $0x0, v7  }
0x25: {  	v57 =	vld [tilespmem:$0x460];
	[tilespmem:$0x420] =	vst v1;
	v1 =	vmin.u32 v2, $0x1869F;
	v2 =	vnsel vm7, $0x0, v8;
	vm8 =	vgt.s32 v3, $0x0  }
0x26: {  	vm9 =	vgt.s32 v53, $0x0;
	[tilespmem:$0x230] =	vst v1;
	v1 =	vmin.u32 v2, $0x3E7;
	v2 =	vnsel vm8, $0x0, v3;
	v3 =	vld [tilespmem:$0x70]  }
0x27: {  	v58 =	vld [tilespmem:$0x470];
	vm10 =	vgt.s32 v54, $0x0;
	[tilespmem:$0x430] =	vst v1;
	v1 =	vmin.u32 v2, $0x1869F;
	v2 =	vnsel vm9, $0x0, v53  }
0x28: {  	v59 =	vld [tilespmem:$0x80];
	vm11 =	vgt.s32 v55, $0x0;
	[tilespmem:$0x240] =	vst v1;
	v1 =	vmin.u32 v2, $0x3E7;
	v2 =	vnsel vm10, $0x0, v54  }
0x29: {  	v60 =	vld [tilespmem:$0x480];
	vm12 =	vgt.s32 v56, $0x0;
	[tilespmem:$0x440] =	vst v1;
	v1 =	vmin.u32 v2, $0x1869F;
	v2 =	vnsel vm11, $0x0, v55  }
0x2a: {  	v61 =	vld [tilespmem:$0x90];
	vm13 =	vgt.s32 v57, $0x0;
	[tilespmem:$0x250] =	vst v1;
	v1 =	vmin.u32 v2, $0x3E7;
	v2 =	vnsel vm12, $0x0, v56  }
0x2b: {  	v62 =	vld [tilespmem:$0x490];
	[tilespmem:$0x450] =	vst v1;
	v1 =	vmin.u32 v2, $0x1869F;
	v2 =	vnsel vm13, $0x0, v57;
	vm14 =	vgt.s32 v3, $0x0  }
0x2c: {  	vm15 =	vgt.s32 v58, $0x0;
	[tilespmem:$0x260] =	vst v1;
	v1 =	vmin.u32 v2, $0x3E7;
	v2 =	vnsel vm14, $0x0, v3;
	v3 =	vld [tilespmem:$0xA0]  }
0x2d: {  	v63 =	vld [tilespmem:$0x4A0];
	vm4 =	vgt.s32 v59, $0x0;
	[tilespmem:$0x460] =	vst v1;
	v1 =	vmin.u32 v2, $0x1869F;
	v2 =	vnsel vm15, $0x0, v58  }
0x2e: {  	v12 =	vld [tilespmem:$0xB0];
	vm5 =	vgt.s32 v60, $0x0;
	[tilespmem:$0x270] =	vst v1;
	v1 =	vmin.u32 v2, $0x3E7;
	v2 =	vnsel vm4, $0x0, v59  }
0x2f: {  	v13 =	vld [tilespmem:$0x4B0];
	vm6 =	vgt.s32 v61, $0x0;
	[tilespmem:$0x470] =	vst v1;
	v1 =	vmin.u32 v2, $0x1869F;
	v2 =	vnsel vm5, $0x0, v60  }
0x30: {  	v14 =	vld [tilespmem:$0xC0];
	vm7 =	vgt.s32 v62, $0x0;
	[tilespmem:$0x280] =	vst v1;
	v1 =	vmin.u32 v2, $0x3E7;
	v2 =	vnsel vm6, $0x0, v61  }
0x31: {  	v15 =	vld [tilespmem:$0x4C0];
	[tilespmem:$0x480] =	vst v1;
	v1 =	vmin.u32 v2, $0x1869F;
	v2 =	vnsel vm7, $0x0, v62;
	vm8 =	vgt.s32 v3, $0x0  }
0x32: {  	vm9 =	vgt.s32 v63, $0x0;
	[tilespmem:$0x290] =	vst v1;
	v1 =	vmin.u32 v2, $0x3E7;
	v2 =	vnsel vm8, $0x0, v3;
	v3 =	vld [tilespmem:$0xD0]  }
0x33: {  	v16 =	vld [tilespmem:$0x4D0];
	vm10 =	vgt.s32 v12, $0x0;
	[tilespmem:$0x490] =	vst v1;
	v1 =	vmin.u32 v2, $0x1869F;
	v2 =	vnsel vm9, $0x0, v63  }
0x34: {  	v17 =	vld [tilespmem:$0xE0];
	vm11 =	vgt.s32 v13, $0x0;
	[tilespmem:$0x2A0] =	vst v1;
	v1 =	vmin.u32 v2, $0x3E7;
	v2 =	vnsel vm10, $0x0, v12  }
0x35: {  	v18 =	vld [tilespmem:$0x4E0];
	vm12 =	vgt.s32 v14, $0x0;
	[tilespmem:$0x4A0] =	vst v1;
	v1 =	vmin.u32 v2, $0x1869F;
	v2 =	vnsel vm11, $0x0, v13  }
0x36: {  	v19 =	vld [tilespmem:$0xF0];
	vm13 =	vgt.s32 v15, $0x0;
	[tilespmem:$0x2B0] =	vst v1;
	v1 =	vmin.u32 v2, $0x3E7;
	v2 =	vnsel vm12, $0x0, v14  }
0x37: {  	v20 =	vld [tilespmem:$0x4F0];
	[tilespmem:$0x4B0] =	vst v1;
	v1 =	vmin.u32 v2, $0x1869F;
	v2 =	vnsel vm13, $0x0, v15;
	vm14 =	vgt.s32 v3, $0x0  }
0x38: {  	vm15 =	vgt.s32 v16, $0x0;
	[tilespmem:$0x2C0] =	vst v1;
	v1 =	vmin.u32 v2, $0x3E7;
	v2 =	vnsel vm14, $0x0, v3;
	v3 =	vld [tilespmem:$0x100]  }
0x39: {  	v21 =	vld [tilespmem:$0x500];
	vm4 =	vgt.s32 v17, $0x0;
	[tilespmem:$0x4C0] =	vst v1;
	v1 =	vmin.u32 v2, $0x1869F;
	v2 =	vnsel vm15, $0x0, v16  }
0x3a: {  	v22 =	vld [tilespmem:$0x110];
	vm5 =	vgt.s32 v18, $0x0;
	[tilespmem:$0x2D0] =	vst v1;
	v1 =	vmin.u32 v2, $0x3E7;
	v2 =	vnsel vm4, $0x0, v17  }
0x3b: {  	v23 =	vld [tilespmem:$0x510];
	vm6 =	vgt.s32 v19, $0x0;
	[tilespmem:$0x4D0] =	vst v1;
	v1 =	vmin.u32 v2, $0x1869F;
	v2 =	vnsel vm5, $0x0, v18  }
0x3c: {  	v24 =	vld [tilespmem:$0x120];
	vm7 =	vgt.s32 v20, $0x0;
	[tilespmem:$0x2E0] =	vst v1;
	v1 =	vmin.u32 v2, $0x3E7;
	v2 =	vnsel vm6, $0x0, v19  }
0x3d: {  	v25 =	vld [tilespmem:$0x520];
	[tilespmem:$0x4E0] =	vst v1;
	v1 =	vmin.u32 v2, $0x1869F;
	v2 =	vnsel vm7, $0x0, v20;
	vm8 =	vgt.s32 v3, $0x0  }
0x3e: {  	vm9 =	vgt.s32 v21, $0x0;
	[tilespmem:$0x2F0] =	vst v1;
	v1 =	vmin.u32 v2, $0x3E7;
	v2 =	vnsel vm8, $0x0, v3;
	v3 =	vld [tilespmem:$0x130]  }
0x3f: {  	v26 =	vld [tilespmem:$0x530];
	vm10 =	vgt.s32 v22, $0x0;
	[tilespmem:$0x4F0] =	vst v1;
	v1 =	vmin.u32 v2, $0x1869F;
	v2 =	vnsel vm9, $0x0, v21  }
0x40: {  	v27 =	vld [tilespmem:$0x140];
	vm11 =	vgt.s32 v23, $0x0;
	[tilespmem:$0x300] =	vst v1;
	v1 =	vmin.u32 v2, $0x3E7;
	v2 =	vnsel vm10, $0x0, v22  }
0x41: {  	v28 =	vld [tilespmem:$0x540];
	vm12 =	vgt.s32 v24, $0x0;
	[tilespmem:$0x500] =	vst v1;
	v1 =	vmin.u32 v2, $0x1869F;
	v2 =	vnsel vm11, $0x0, v23  }
0x42: {  	v29 =	vld [tilespmem:$0x150];
	vm13 =	vgt.s32 v25, $0x0;
	[tilespmem:$0x310] =	vst v1;
	v1 =	vmin.u32 v2, $0x3E7;
	v2 =	vnsel vm12, $0x0, v24  }
0x43: {  	v30 =	vld [tilespmem:$0x550];
	[tilespmem:$0x510] =	vst v1;
	v1 =	vmin.u32 v2, $0x1869F;
	v2 =	vnsel vm13, $0x0, v25;
	vm14 =	vgt.s32 v3, $0x0  }
0x44: {  	vm15 =	vgt.s32 v26, $0x0;
	[tilespmem:$0x320] =	vst v1;
	v1 =	vmin.u32 v2, $0x3E7;
	v2 =	vnsel vm14, $0x0, v3;
	v3 =	vld [tilespmem:$0x160]  }
0x45: {  	v31 =	vld [tilespmem:$0x560];
	vm4 =	vgt.s32 v27, $0x0;
	[tilespmem:$0x520] =	vst v1;
	v1 =	vmin.u32 v2, $0x1869F;
	v2 =	vnsel vm15, $0x0, v26  }
0x46: {  	v32 =	vld [tilespmem:$0x170];
	vm5 =	vgt.s32 v28, $0x0;
	[tilespmem:$0x330] =	vst v1;
	v1 =	vmin.u32 v2, $0x3E7;
	v2 =	vnsel vm4, $0x0, v27  }
0x47: {  	v33 =	vld [tilespmem:$0x570];
	vm6 =	vgt.s32 v29, $0x0;
	[tilespmem:$0x530] =	vst v1;
	v1 =	vmin.u32 v2, $0x1869F;
	v2 =	vnsel vm5, $0x0, v28  }
0x48: {  	v34 =	vld [tilespmem:$0x180];
	vm7 =	vgt.s32 v30, $0x0;
	[tilespmem:$0x340] =	vst v1;
	v1 =	vmin.u32 v2, $0x3E7;
	v2 =	vnsel vm6, $0x0, v29  }
0x49: {  	v35 =	vld [tilespmem:$0x580];
	[tilespmem:$0x540] =	vst v1;
	v1 =	vmin.u32 v2, $0x1869F;
	v2 =	vnsel vm7, $0x0, v30;
	vm8 =	vgt.s32 v3, $0x0  }
0x4a: {  	vm9 =	vgt.s32 v31, $0x0;
	[tilespmem:$0x350] =	vst v1;
	v1 =	vmin.u32 v2, $0x3E7;
	v2 =	vnsel vm8, $0x0, v3;
	v3 =	vld [tilespmem:$0x190]  }
0x4b: {  	v36 =	vld [tilespmem:$0x590];
	vm10 =	vgt.s32 v32, $0x0;
	[tilespmem:$0x550] =	vst v1;
	v1 =	vmin.u32 v2, $0x1869F;
	v2 =	vnsel vm9, $0x0, v31  }
0x4c: {  	v37 =	vld [tilespmem:$0x1A0];
	vm11 =	vgt.s32 v33, $0x0;
	[tilespmem:$0x360] =	vst v1;
	v1 =	vmin.u32 v2, $0x3E7;
	v2 =	vnsel vm10, $0x0, v32  }
0x4d: {  	v38 =	vld [tilespmem:$0x5A0];
	vm12 =	vgt.s32 v34, $0x0;
	[tilespmem:$0x560] =	vst v1;
	v1 =	vmin.u32 v2, $0x1869F;
	v2 =	vnsel vm11, $0x0, v33  }
0x4e: {  	v39 =	vld [tilespmem:$0x1B0];
	vm13 =	vgt.s32 v35, $0x0;
	[tilespmem:$0x370] =	vst v1;
	v1 =	vmin.u32 v2, $0x3E7;
	v2 =	vnsel vm12, $0x0, v34  }
0x4f: {  	v40 =	vld [tilespmem:$0x5B0];
	[tilespmem:$0x570] =	vst v1;
	v1 =	vmin.u32 v2, $0x1869F;
	v2 =	vnsel vm13, $0x0, v35;
	vm14 =	vgt.s32 v3, $0x0  }
0x50: {  	vm15 =	vgt.s32 v36, $0x0;
	[tilespmem:$0x380] =	vst v1;
	v1 =	vmin.u32 v2, $0x3E7;
	v2 =	vnsel vm14, $0x0, v3;
	v3 =	vld [tilespmem:$0x1C0]  }
0x51: {  	v41 =	vld [tilespmem:$0x5C0];
	vm4 =	vgt.s32 v37, $0x0;
	[tilespmem:$0x580] =	vst v1;
	v1 =	vmin.u32 v2, $0x1869F;
	v2 =	vnsel vm15, $0x0, v36  }
0x52: {  	v42 =	vld [tilespmem:$0x1D0];
	vm5 =	vgt.s32 v38, $0x0;
	[tilespmem:$0x390] =	vst v1;
	v1 =	vmin.u32 v2, $0x3E7;
	v2 =	vnsel vm4, $0x0, v37  }
0x53: {  	v43 =	vld [tilespmem:$0x5D0];
	vm6 =	vgt.s32 v39, $0x0;
	[tilespmem:$0x590] =	vst v1;
	v1 =	vmin.u32 v2, $0x1869F;
	v2 =	vnsel vm5, $0x0, v38  }
0x54: {  	v44 =	vld [tilespmem:$0x1E0];
	vm7 =	vgt.s32 v40, $0x0;
	[tilespmem:$0x3A0] =	vst v1;
	v1 =	vmin.u32 v2, $0x3E7;
	v2 =	vnsel vm6, $0x0, v39  }
0x55: {  	v45 =	vld [tilespmem:$0x5E0];
	[tilespmem:$0x5A0] =	vst v1;
	v1 =	vmin.u32 v2, $0x1869F;
	v2 =	vnsel vm7, $0x0, v40;
	vm8 =	vgt.s32 v3, $0x0  }
0x56: {  	vm9 =	vgt.s32 v41, $0x0;
	[tilespmem:$0x3B0] =	vst v1;
	v1 =	vmin.u32 v2, $0x3E7;
	v2 =	vnsel vm8, $0x0, v3;
	v3 =	vld [tilespmem:$0x1F0]  }
0x57: {  	v46 =	vld [tilespmem:$0x5F0];
	vm10 =	vgt.s32 v42, $0x0;
	[tilespmem:$0x5B0] =	vst v1;
	v1 =	vmin.u32 v2, $0x1869F;
	v2 =	vnsel vm9, $0x0, v41  }
0x58: {  	vm11 =	vgt.s32 v43, $0x0;
	[tilespmem:$0x3C0] =	vst v1;
	v1 =	vmin.u32 v2, $0x3E7;
	v2 =	vnsel vm10, $0x0, v42  }
0x59: {  	vm12 =	vgt.s32 v44, $0x0;
	[tilespmem:$0x5C0] =	vst v1;
	v1 =	vmin.u32 v2, $0x1869F;
	v2 =	vnsel vm11, $0x0, v43  }
0x5a: {  	vm13 =	vgt.s32 v45, $0x0;
	[tilespmem:$0x3D0] =	vst v1;
	v1 =	vmin.u32 v2, $0x3E7;
	v2 =	vnsel vm12, $0x0, v44  }
0x5b: {  	[tilespmem:$0x5D0] =	vst v1;
	v1 =	vmin.u32 v2, $0x1869F;
	v2 =	vnsel vm13, $0x0, v45;
	vm14 =	vgt.s32 v3, $0x0  }
0x5c: {  	vm15 =	vgt.s32 v46, $0x0;
	[tilespmem:$0x3E0] =	vst v1;
	v1 =	vmin.u32 v2, $0x3E7;
	v2 =	vnsel vm14, $0x0, v3  }
0x5d: {  	[tilespmem:$0x5E0] =	vst v1;
	v1 =	vmin.u32 v2, $0x1869F;
	v2 =	vnsel vm15, $0x0, v46  }
0x5e: {  	[tilespmem:$0x3F0] =	vst v1;
	v1 =	vmin.u32 v2, $0x3E7  }
0x5f: {  	[tilespmem:$0x5F0] =	vst v1  }
0x60: {  	[tilespmem:s13], [sflag:$0x1] =	stream.indirect.gather [hbm4b:s3+s11], $0x40, s12, s11, $0xb8;
	[tilespmem:$0x18200] =	vst v63  }
0x61: {  	_ = 	snop  }
0x62: {  	[tilespmem:s15], [sflag:$0x1] =	stream.indirect.gather [hbm4b:s3+s11], $0x40, s14, s11, $0xb8;
	[tilespmem:$0x18200] =	vst v63  }
0x63: {  	_ = 	snop  }
0x64: {  	[tilespmem:s17], [sflag:$0x1] =	stream.indirect.gather [hbm4b:s3+s11], $0x40, s16, s11, $0xb8;
	[tilespmem:$0x18200] =	vst v63  }
0x65: {  	_ = 	snop  }
0x66: {  	[tilespmem:s19], [sflag:$0x1] =	stream.indirect.gather [hbm4b:s3+s11], $0x40, s18, s11, $0xb8;
	[tilespmem:$0x18200] =	vst v63  }
0x67: {  	_ =	swait.ge [sflag:s20], $0x2000  }
0x68: {  	[sflag:s20] =	ssyncset.done $0x0  }
0x69: {  	[sflag:s20] =	ssyncadd.s32 $0xFFFFE000  }
0x6a: {  	_ =	swait.ge [sflag:s20], $0x2000  }
0x6b: {  	[sflag:s20] =	ssyncset.done $0x0  }
0x6c: {  	[sflag:s20] =	ssyncadd.s32 $0xFFFFE000  }
0x6d: {  	_ =	swait.ge [sflag:s20], $0x2000  }
0x6e: {  	[sflag:s20] =	ssyncset.done $0x0  }
0x6f: {  	[sflag:s20] =	ssyncadd.s32 $0xFFFFE000  }
0x70: {  	_ =	swait.ge [sflag:s20], $0x2000  }
0x71: {  	[sflag:s20] =	ssyncset.done $0x0  }
0x72: {  	[sflag:s20] =	ssyncadd.s32 $0xFFFFE000  }
0x73: {  	_ =	swait.ge [sflag:s20], $0xFA00  }
0x74: {  	[sflag:s20] =	ssyncset.done $0x0  }
0x75: {  	[sflag:s20] =	ssyncadd.s32 $0xFFFF0600  }
0x76: {  	v2 =	vmov s2;
	v1 =	vld [tilespmem:s23+$0x0]  }
0x77: {  	v2 =	vshll.u32 v2, $0x6  }
0x78: {  	v2 =	vor.u32 v0, v2;
	_ =	sdelay $0x1  }
0x79: {  	v3 =	vor.u32 $0x1, v2  }
0x7a: {  	v47 =	vadd.s32 $0x3E8, v1  }
0x7b: {  	v48 =	vor.u32 $0x2, v2  }
0x7c: {  	v49 =	vld.idx.msk [tilespmem:v2+s13+$0x0], $0xffff;
	v50 =	vadd.s32 $0x7D0, v1  }
0x7d: {  	v9 =	vor.u32 $0x3, v2;
	v51 =	vld.idx.msk [tilespmem:v1+s9+$0x0], $0xffff  }
0x7e: {  	v3 =	vld.idx.msk [tilespmem:v3+s13+$0x0], $0xffff;
	v10 =	vadd.s32 $0xBB8, v1  }
0x7f: {  	v11 =	vor.u32 $0x4, v2;
	v4 =	vld.idx.msk [tilespmem:v47+s9+$0x0], $0xffff  }
0x80: {  	v5 =	vld.idx.msk [tilespmem:v48+s13+$0x0], $0xffff;
	v12 =	vadd.s32 $0xFA0, v1  }
0x81: {  	v13 =	vor.u32 $0x5, v2;
	v7 =	vld.idx.msk [tilespmem:v50+s9+$0x0], $0xffff  }
0x82: {  	v9 =	vld.idx.msk [tilespmem:v9+s13+$0x0], $0xffff;
	v14 =	vadd.s32 $0x1388, v1;
	v6 =	vmul.f32 v51, v49  }
0x83: {  	v53 =	vor.u32 $0x6, v2;
	v52 =	vld.idx.msk [tilespmem:v10+s9+$0x0], $0xffff  }
0x84: {  	v11 =	vld.idx.msk [tilespmem:v11+s13+$0x0], $0xffff;
	v15 =	vadd.s32 $0x1770, v1;
	v6 =	vadd.f32 $0.0e+00, v6;
	v3 =	vmul.f32 v4, v3  }
0x85: {  	v55 =	vor.u32 $0x7, v2;
	v54 =	vld.idx.msk [tilespmem:v12+s9+$0x0], $0xffff  }
0x86: {  	v13 =	vld.idx.msk [tilespmem:v13+s13+$0x0], $0xffff;
	v16 =	vadd.s32 $0x1B58, v1;
	v5 =	vmul.f32 v7, v5;
	v3 =	vadd.f32 v3, v6  }
0x87: {  	v58 =	vadd.s32 $0x1F40, v1;
	v56 =	vld.idx.msk [tilespmem:v14+s9+$0x0], $0xffff  }
0x88: {  	v57 =	vor.u32 $0x8, v2;
	v10 =	vld.idx.msk [tilespmem:v53+s13+$0x0], $0xffff;
	v59 =	vmul.f32 v52, v9;
	v3 =	vadd.f32 v5, v3  }
0x89: {  	v62 =	vadd.s32 $0x2328, v1;
	v60 =	vld.idx.msk [tilespmem:v15+s9+$0x0], $0xffff  }
0x8a: {  	v61 =	vor.u32 $0x9, v2;
	v12 =	vld.idx.msk [tilespmem:v55+s13+$0x0], $0xffff;
	v4 =	vmul.f32 v54, v11;
	v3 =	vadd.f32 v59, v3  }
0x8b: {  	v21 =	vadd.s32 $0x2710, v1;
	v63 =	vld.idx.msk [tilespmem:v16+s9+$0x0], $0xffff  }
0x8c: {  	v20 =	vor.u32 $0xA, v2;
	v23 =	vld.idx.msk [tilespmem:v58+s9+$0x0], $0xffff;
	v22 =	vmul.f32 v56, v13;
	v3 =	vadd.f32 v4, v3  }
0x8d: {  	v25 =	vadd.s32 $0x2AF8, v1;
	v7 =	vld.idx.msk [tilespmem:v57+s13+$0x0], $0xffff  }
0x8e: {  	v24 =	vor.u32 $0xB, v2;
	v27 =	vld.idx.msk [tilespmem:v62+s9+$0x0], $0xffff;
	v26 =	vmul.f32 v60, v10;
	v3 =	vadd.f32 v22, v3  }
0x8f: {  	v29 =	vadd.s32 $0x2EE0, v1;
	v9 =	vld.idx.msk [tilespmem:v61+s13+$0x0], $0xffff  }
0x90: {  	v28 =	vor.u32 $0xC, v2;
	v31 =	vld.idx.msk [tilespmem:v21+s9+$0x0], $0xffff;
	v30 =	vmul.f32 v63, v12;
	v3 =	vadd.f32 v26, v3  }
0x91: {  	v33 =	vadd.s32 $0x32C8, v1;
	v11 =	vld.idx.msk [tilespmem:v20+s13+$0x0], $0xffff  }
0x92: {  	v32 =	vor.u32 $0xD, v2;
	v35 =	vld.idx.msk [tilespmem:v25+s9+$0x0], $0xffff;
	v34 =	vmul.f32 v23, v7;
	v3 =	vadd.f32 v30, v3  }
0x93: {  	v37 =	vadd.s32 $0x36B0, v1;
	v13 =	vld.idx.msk [tilespmem:v24+s13+$0x0], $0xffff  }
0x94: {  	v36 =	vor.u32 $0xE, v2;
	v39 =	vld.idx.msk [tilespmem:v29+s9+$0x0], $0xffff;
	v38 =	vmul.f32 v27, v9;
	v3 =	vadd.f32 v34, v3  }
0x95: {  	v41 =	vadd.s32 $0x3A98, v1;
	v10 =	vld.idx.msk [tilespmem:v28+s13+$0x0], $0xffff  }
0x96: {  	v40 =	vor.u32 $0xF, v2;
	v43 =	vld.idx.msk [tilespmem:v33+s9+$0x0], $0xffff;
	v42 =	vmul.f32 v31, v11;
	v3 =	vadd.f32 v38, v3  }
0x97: {  	v45 =	vadd.s32 $0x3E80, v1;
	v12 =	vld.idx.msk [tilespmem:v32+s13+$0x0], $0xffff  }
0x98: {  	v44 =	vor.u32 $0x10, v2;
	v47 =	vld.idx.msk [tilespmem:v37+s9+$0x0], $0xffff;
	v46 =	vmul.f32 v35, v13;
	v3 =	vadd.f32 v42, v3  }
0x99: {  	v48 =	vor.u32 $0x11, v2;
	v7 =	vld.idx.msk [tilespmem:v36+s13+$0x0], $0xffff  }
0x9a: {  	v49 =	vadd.s32 $0x4268, v1;
	v51 =	vld.idx.msk [tilespmem:v41+s9+$0x0], $0xffff;
	v50 =	vmul.f32 v39, v10;
	v3 =	vadd.f32 v46, v3  }
0x9b: {  	v53 =	vadd.s32 $0x4650, v1;
	v9 =	vld.idx.msk [tilespmem:v40+s13+$0x0], $0xffff  }
0x9c: {  	v55 =	vld.idx.msk [tilespmem:v45+s9+$0x0], $0xffff;
	v52 =	vor.u32 $0x12, v2;
	v54 =	vmul.f32 v43, v12;
	v3 =	vadd.f32 v50, v3  }
0x9d: {  	v56 =	vor.u32 $0x13, v2;
	v11 =	vld.idx.msk [tilespmem:v44+s13+$0x0], $0xffff  }
0x9e: {  	v57 =	vadd.s32 $0x4A38, v1;
	v13 =	vld.idx.msk [tilespmem:v48+s13+$0x0], $0xffff;
	v58 =	vmul.f32 v47, v7;
	v3 =	vadd.f32 v54, v3  }
0x9f: {  	v61 =	vadd.s32 $0x4E20, v1;
	v59 =	vld.idx.msk [tilespmem:v49+s9+$0x0], $0xffff  }
0xa0: {  	v60 =	vor.u32 $0x14, v2;
	v63 =	vld.idx.msk [tilespmem:v53+s9+$0x0], $0xffff;
	v62 =	vmul.f32 v51, v9;
	v3 =	vadd.f32 v58, v3  }
0xa1: {  	v21 =	vadd.s32 $0x5208, v1;
	v10 =	vld.idx.msk [tilespmem:v52+s13+$0x0], $0xffff  }
0xa2: {  	v20 =	vor.u32 $0x15, v2;
	v12 =	vld.idx.msk [tilespmem:v56+s13+$0x0], $0xffff;
	v22 =	vmul.f32 v55, v11;
	v3 =	vadd.f32 v62, v3  }
0xa3: {  	v25 =	vadd.s32 $0x55F0, v1;
	v23 =	vld.idx.msk [tilespmem:v57+s9+$0x0], $0xffff  }
0xa4: {  	v24 =	vor.u32 $0x16, v2;
	v27 =	vld.idx.msk [tilespmem:v61+s9+$0x0], $0xffff;
	v26 =	vmul.f32 v59, v13;
	v3 =	vadd.f32 v22, v3  }
0xa5: {  	v29 =	vadd.s32 $0x59D8, v1;
	v7 =	vld.idx.msk [tilespmem:v60+s13+$0x0], $0xffff  }
0xa6: {  	v28 =	vor.u32 $0x17, v2;
	v31 =	vld.idx.msk [tilespmem:v21+s9+$0x0], $0xffff;
	v30 =	vmul.f32 v63, v10;
	v3 =	vadd.f32 v26, v3  }
0xa7: {  	v33 =	vadd.s32 $0x5DC0, v1;
	v9 =	vld.idx.msk [tilespmem:v20+s13+$0x0], $0xffff  }
0xa8: {  	v32 =	vor.u32 $0x18, v2;
	v35 =	vld.idx.msk [tilespmem:v25+s9+$0x0], $0xffff;
	v34 =	vmul.f32 v23, v12;
	v3 =	vadd.f32 v30, v3  }
0xa9: {  	v37 =	vadd.s32 $0x61A8, v1;
	v11 =	vld.idx.msk [tilespmem:v24+s13+$0x0], $0xffff  }
0xaa: {  	v36 =	vor.u32 $0x19, v2;
	v39 =	vld.idx.msk [tilespmem:v29+s9+$0x0], $0xffff;
	v38 =	vmul.f32 v27, v7;
	v3 =	vadd.f32 v34, v3  }
0xab: {  	v41 =	vadd.s32 $0x6590, v1;
	v13 =	vld.idx.msk [tilespmem:v28+s13+$0x0], $0xffff  }
0xac: {  	v40 =	vor.u32 $0x1A, v2;
	v43 =	vld.idx.msk [tilespmem:v33+s9+$0x0], $0xffff;
	v42 =	vmul.f32 v31, v9;
	v3 =	vadd.f32 v38, v3  }
0xad: {  	v45 =	vadd.s32 $0x6978, v1;
	v10 =	vld.idx.msk [tilespmem:v32+s13+$0x0], $0xffff  }
0xae: {  	v44 =	vor.u32 $0x1B, v2;
	v47 =	vld.idx.msk [tilespmem:v37+s9+$0x0], $0xffff;
	v46 =	vmul.f32 v35, v11;
	v3 =	vadd.f32 v42, v3  }
0xaf: {  	v49 =	vadd.s32 $0x6D60, v1;
	v12 =	vld.idx.msk [tilespmem:v36+s13+$0x0], $0xffff  }
0xb0: {  	v48 =	vor.u32 $0x1C, v2;
	v51 =	vld.idx.msk [tilespmem:v41+s9+$0x0], $0xffff;
	v50 =	vmul.f32 v39, v13;
	v3 =	vadd.f32 v46, v3  }
0xb1: {  	v53 =	vadd.s32 $0x7148, v1;
	v7 =	vld.idx.msk [tilespmem:v40+s13+$0x0], $0xffff  }
0xb2: {  	v52 =	vor.u32 $0x1D, v2;
	v55 =	vld.idx.msk [tilespmem:v45+s9+$0x0], $0xffff;
	v54 =	vmul.f32 v43, v10;
	v3 =	vadd.f32 v50, v3  }
0xb3: {  	v57 =	vadd.s32 $0x7530, v1;
	v9 =	vld.idx.msk [tilespmem:v44+s13+$0x0], $0xffff  }
0xb4: {  	v56 =	vor.u32 $0x1E, v2;
	v59 =	vld.idx.msk [tilespmem:v49+s9+$0x0], $0xffff;
	v58 =	vmul.f32 v47, v12;
	v3 =	vadd.f32 v54, v3  }
0xb5: {  	v61 =	vadd.s32 $0x7918, v1;
	v11 =	vld.idx.msk [tilespmem:v48+s13+$0x0], $0xffff  }
0xb6: {  	v60 =	vor.u32 $0x1F, v2;
	v63 =	vld.idx.msk [tilespmem:v53+s9+$0x0], $0xffff;
	v62 =	vmul.f32 v51, v7;
	v3 =	vadd.f32 v58, v3  }
0xb7: {  	v21 =	vadd.s32 $0x7D00, v1;
	v13 =	vld.idx.msk [tilespmem:v52+s13+$0x0], $0xffff  }
0xb8: {  	v20 =	vor.u32 $0x20, v2;
	v23 =	vld.idx.msk [tilespmem:v57+s9+$0x0], $0xffff;
	v22 =	vmul.f32 v55, v9;
	v3 =	vadd.f32 v62, v3  }
0xb9: {  	v25 =	vadd.s32 $0x80E8, v1;
	v10 =	vld.idx.msk [tilespmem:v56+s13+$0x0], $0xffff  }
0xba: {  	v24 =	vor.u32 $0x21, v2;
	v27 =	vld.idx.msk [tilespmem:v61+s9+$0x0], $0xffff;
	v26 =	vmul.f32 v59, v11;
	v3 =	vadd.f32 v22, v3  }
0xbb: {  	v29 =	vadd.s32 $0x84D0, v1;
	v12 =	vld.idx.msk [tilespmem:v60+s13+$0x0], $0xffff  }
0xbc: {  	v28 =	vor.u32 $0x22, v2;
	v31 =	vld.idx.msk [tilespmem:v21+s9+$0x0], $0xffff;
	v30 =	vmul.f32 v63, v13;
	v3 =	vadd.f32 v26, v3  }
0xbd: {  	v33 =	vadd.s32 $0x88B8, v1;
	v7 =	vld.idx.msk [tilespmem:v20+s13+$0x0], $0xffff  }
0xbe: {  	v32 =	vor.u32 $0x23, v2;
	v35 =	vld.idx.msk [tilespmem:v25+s9+$0x0], $0xffff;
	v34 =	vmul.f32 v23, v10;
	v3 =	vadd.f32 v30, v3  }
0xbf: {  	v37 =	vadd.s32 $0x8CA0, v1;
	v9 =	vld.idx.msk [tilespmem:v24+s13+$0x0], $0xffff  }
0xc0: {  	v36 =	vor.u32 $0x24, v2;
	v39 =	vld.idx.msk [tilespmem:v29+s9+$0x0], $0xffff;
	v38 =	vmul.f32 v27, v12;
	v3 =	vadd.f32 v34, v3  }
0xc1: {  	v41 =	vadd.s32 $0x9088, v1;
	v11 =	vld.idx.msk [tilespmem:v28+s13+$0x0], $0xffff  }
0xc2: {  	v40 =	vor.u32 $0x25, v2;
	v43 =	vld.idx.msk [tilespmem:v33+s9+$0x0], $0xffff;
	v42 =	vmul.f32 v31, v7;
	v3 =	vadd.f32 v38, v3  }
0xc3: {  	v45 =	vadd.s32 $0x9470, v1;
	v13 =	vld.idx.msk [tilespmem:v32+s13+$0x0], $0xffff  }
0xc4: {  	v44 =	vor.u32 $0x26, v2;
	v47 =	vld.idx.msk [tilespmem:v37+s9+$0x0], $0xffff;
	v46 =	vmul.f32 v35, v9;
	v3 =	vadd.f32 v42, v3  }
0xc5: {  	v49 =	vadd.s32 $0x9858, v1;
	v10 =	vld.idx.msk [tilespmem:v36+s13+$0x0], $0xffff  }
0xc6: {  	v48 =	vor.u32 $0x27, v2;
	v51 =	vld.idx.msk [tilespmem:v41+s9+$0x0], $0xffff;
	v50 =	vmul.f32 v39, v11;
	v3 =	vadd.f32 v46, v3  }
0xc7: {  	v53 =	vadd.s32 $0x9C40, v1;
	v12 =	vld.idx.msk [tilespmem:v40+s13+$0x0], $0xffff  }
0xc8: {  	v52 =	vor.u32 $0x28, v2;
	v55 =	vld.idx.msk [tilespmem:v45+s9+$0x0], $0xffff;
	v54 =	vmul.f32 v43, v13;
	v3 =	vadd.f32 v50, v3  }
0xc9: {  	v57 =	vadd.s32 $0xA028, v1;
	v7 =	vld.idx.msk [tilespmem:v44+s13+$0x0], $0xffff  }
0xca: {  	v56 =	vor.u32 $0x29, v2;
	v59 =	vld.idx.msk [tilespmem:v49+s9+$0x0], $0xffff;
	v58 =	vmul.f32 v47, v10;
	v3 =	vadd.f32 v54, v3  }
0xcb: {  	v61 =	vadd.s32 $0xA410, v1;
	v9 =	vld.idx.msk [tilespmem:v48+s13+$0x0], $0xffff  }
0xcc: {  	v60 =	vor.u32 $0x2A, v2;
	v63 =	vld.idx.msk [tilespmem:v53+s9+$0x0], $0xffff;
	v62 =	vmul.f32 v51, v12;
	v3 =	vadd.f32 v58, v3  }
0xcd: {  	v21 =	vadd.s32 $0xA7F8, v1;
	v11 =	vld.idx.msk [tilespmem:v52+s13+$0x0], $0xffff  }
0xce: {  	v20 =	vor.u32 $0x2B, v2;
	v23 =	vld.idx.msk [tilespmem:v57+s9+$0x0], $0xffff;
	v22 =	vmul.f32 v55, v7;
	v3 =	vadd.f32 v62, v3  }
0xcf: {  	v25 =	vadd.s32 $0xABE0, v1;
	v13 =	vld.idx.msk [tilespmem:v56+s13+$0x0], $0xffff  }
0xd0: {  	v24 =	vor.u32 $0x2C, v2;
	v27 =	vld.idx.msk [tilespmem:v61+s9+$0x0], $0xffff;
	v26 =	vmul.f32 v59, v9;
	v3 =	vadd.f32 v22, v3  }
0xd1: {  	v29 =	vadd.s32 $0xAFC8, v1;
	v10 =	vld.idx.msk [tilespmem:v60+s13+$0x0], $0xffff  }
0xd2: {  	v28 =	vor.u32 $0x2D, v2;
	v31 =	vld.idx.msk [tilespmem:v21+s9+$0x0], $0xffff;
	v30 =	vmul.f32 v63, v11;
	v3 =	vadd.f32 v26, v3  }
0xd3: {  	v33 =	vadd.s32 $0xB3B0, v1;
	v12 =	vld.idx.msk [tilespmem:v20+s13+$0x0], $0xffff  }
0xd4: {  	v32 =	vor.u32 $0x2E, v2;
	v35 =	vld.idx.msk [tilespmem:v25+s9+$0x0], $0xffff;
	v34 =	vmul.f32 v23, v13;
	v3 =	vadd.f32 v30, v3  }
0xd5: {  	v37 =	vadd.s32 $0xB798, v1;
	v7 =	vld.idx.msk [tilespmem:v24+s13+$0x0], $0xffff  }
0xd6: {  	v36 =	vor.u32 $0x2F, v2;
	v39 =	vld.idx.msk [tilespmem:v29+s9+$0x0], $0xffff;
	v38 =	vmul.f32 v27, v10;
	v3 =	vadd.f32 v34, v3  }
0xd7: {  	v41 =	vadd.s32 $0xBB80, v1;
	v9 =	vld.idx.msk [tilespmem:v28+s13+$0x0], $0xffff  }
0xd8: {  	v40 =	vor.u32 $0x30, v2;
	v43 =	vld.idx.msk [tilespmem:v33+s9+$0x0], $0xffff;
	v42 =	vmul.f32 v31, v12;
	v3 =	vadd.f32 v38, v3  }
0xd9: {  	v45 =	vadd.s32 $0xBF68, v1;
	v11 =	vld.idx.msk [tilespmem:v32+s13+$0x0], $0xffff  }
0xda: {  	v44 =	vor.u32 $0x31, v2;
	v47 =	vld.idx.msk [tilespmem:v37+s9+$0x0], $0xffff;
	v46 =	vmul.f32 v35, v7;
	v3 =	vadd.f32 v42, v3  }
0xdb: {  	v49 =	vadd.s32 $0xC350, v1;
	v13 =	vld.idx.msk [tilespmem:v36+s13+$0x0], $0xffff  }
0xdc: {  	v48 =	vor.u32 $0x32, v2;
	v51 =	vld.idx.msk [tilespmem:v41+s9+$0x0], $0xffff;
	v50 =	vmul.f32 v39, v9;
	v3 =	vadd.f32 v46, v3  }
0xdd: {  	v53 =	vadd.s32 $0xC738, v1;
	v10 =	vld.idx.msk [tilespmem:v40+s13+$0x0], $0xffff  }
0xde: {  	v52 =	vor.u32 $0x33, v2;
	v55 =	vld.idx.msk [tilespmem:v45+s9+$0x0], $0xffff;
	v54 =	vmul.f32 v43, v11;
	v3 =	vadd.f32 v50, v3  }
0xdf: {  	v57 =	vadd.s32 $0xCB20, v1;
	v12 =	vld.idx.msk [tilespmem:v44+s13+$0x0], $0xffff  }
0xe0: {  	v56 =	vor.u32 $0x34, v2;
	v59 =	vld.idx.msk [tilespmem:v49+s9+$0x0], $0xffff;
	v58 =	vmul.f32 v47, v13;
	v3 =	vadd.f32 v54, v3  }
0xe1: {  	v61 =	vadd.s32 $0xCF08, v1;
	v7 =	vld.idx.msk [tilespmem:v48+s13+$0x0], $0xffff  }
0xe2: {  	v60 =	vor.u32 $0x35, v2;
	v63 =	vld.idx.msk [tilespmem:v53+s9+$0x0], $0xffff;
	v62 =	vmul.f32 v51, v10;
	v3 =	vadd.f32 v58, v3  }
0xe3: {  	v21 =	vadd.s32 $0xD2F0, v1;
	v9 =	vld.idx.msk [tilespmem:v52+s13+$0x0], $0xffff  }
0xe4: {  	v20 =	vor.u32 $0x36, v2;
	v23 =	vld.idx.msk [tilespmem:v57+s9+$0x0], $0xffff;
	v22 =	vmul.f32 v55, v12;
	v3 =	vadd.f32 v62, v3  }
0xe5: {  	v25 =	vadd.s32 $0xD6D8, v1;
	v11 =	vld.idx.msk [tilespmem:v56+s13+$0x0], $0xffff  }
0xe6: {  	v24 =	vor.u32 $0x37, v2;
	v27 =	vld.idx.msk [tilespmem:v61+s9+$0x0], $0xffff;
	v26 =	vmul.f32 v59, v7;
	v3 =	vadd.f32 v22, v3  }
0xe7: {  	v29 =	vadd.s32 $0xDAC0, v1;
	v13 =	vld.idx.msk [tilespmem:v60+s13+$0x0], $0xffff  }
0xe8: {  	v28 =	vor.u32 $0x38, v2;
	v31 =	vld.idx.msk [tilespmem:v21+s9+$0x0], $0xffff;
	v30 =	vmul.f32 v63, v9;
	v3 =	vadd.f32 v26, v3  }
0xe9: {  	v33 =	vadd.s32 $0xDEA8, v1;
	v10 =	vld.idx.msk [tilespmem:v20+s13+$0x0], $0xffff  }
0xea: {  	v32 =	vor.u32 $0x39, v2;
	v35 =	vld.idx.msk [tilespmem:v25+s9+$0x0], $0xffff;
	v34 =	vmul.f32 v23, v11;
	v3 =	vadd.f32 v30, v3  }
0xeb: {  	v37 =	vadd.s32 $0xE290, v1;
	v12 =	vld.idx.msk [tilespmem:v24+s13+$0x0], $0xffff  }
0xec: {  	v36 =	vor.u32 $0x3A, v2;
	v39 =	vld.idx.msk [tilespmem:v29+s9+$0x0], $0xffff;
	v38 =	vmul.f32 v27, v13;
	v3 =	vadd.f32 v34, v3  }
0xed: {  	v41 =	vadd.s32 $0xE678, v1;
	v7 =	vld.idx.msk [tilespmem:v28+s13+$0x0], $0xffff  }
0xee: {  	v40 =	vor.u32 $0x3B, v2;
	v43 =	vld.idx.msk [tilespmem:v33+s9+$0x0], $0xffff;
	v42 =	vmul.f32 v31, v10;
	v3 =	vadd.f32 v38, v3  }
0xef: {  	v45 =	vadd.s32 $0xEA60, v1;
	v9 =	vld.idx.msk [tilespmem:v32+s13+$0x0], $0xffff  }
0xf0: {  	v44 =	vor.u32 $0x3C, v2;
	v47 =	vld.idx.msk [tilespmem:v37+s9+$0x0], $0xffff;
	v46 =	vmul.f32 v35, v12;
	v3 =	vadd.f32 v42, v3  }
0xf1: {  	v48 =	vor.u32 $0x3D, v2;
	v11 =	vld.idx.msk [tilespmem:v36+s13+$0x0], $0xffff  }
0xf2: {  	v49 =	vadd.s32 $0xEE48, v1;
	v51 =	vld.idx.msk [tilespmem:v41+s9+$0x0], $0xffff;
	v50 =	vmul.f32 v39, v7;
	v3 =	vadd.f32 v46, v3  }
0xf3: {  	v53 =	vadd.s32 $0xF230, v1;
	v13 =	vld.idx.msk [tilespmem:v40+s13+$0x0], $0xffff  }
0xf4: {  	v52 =	vor.u32 $0x3E, v2;
	v55 =	vld.idx.msk [tilespmem:v45+s9+$0x0], $0xffff;
	v54 =	vmul.f32 v43, v9;
	v3 =	vadd.f32 v50, v3  }
0xf5: {  	v1 =	vadd.s32 $0xF618, v1;
	v10 =	vld.idx.msk [tilespmem:v44+s13+$0x0], $0xffff  }
0xf6: {  	v2 =	vor.u32 $0x3F, v2;
	v56 =	vld.idx.msk [tilespmem:v48+s13+$0x0], $0xffff;
	v57 =	vmul.f32 v47, v11;
	v3 =	vadd.f32 v54, v3  }
0xf7: {  	v58 =	vld.idx.msk [tilespmem:v49+s9+$0x0], $0xffff  }
0xf8: {  	v60 =	vld.idx.msk [tilespmem:v53+s9+$0x0], $0xffff;
	v59 =	vmul.f32 v51, v13;
	v3 =	vadd.f32 v57, v3  }
0xf9: {  	v7 =	vld.idx.msk [tilespmem:v52+s13+$0x0], $0xffff  }
0xfa: {  	v1 =	vld.idx.msk [tilespmem:v1+s9+$0x0], $0xffff;
	v61 =	vmul.f32 v55, v10;
	v3 =	vadd.f32 v59, v3  }
0xfb: {  	v2 =	vld.idx.msk [tilespmem:v2+s13+$0x0], $0xffff  }
0xfc: {  	v62 =	vmul.f32 v58, v56;
	v3 =	vadd.f32 v61, v3;
	_ =	sdelay $0x1  }
0xfd: {  	v63 =	vmul.f32 v60, v7;
	v3 =	vadd.f32 v62, v3;
	_ =	sdelay $0x1  }
0xfe: {  	v1 =	vmul.f32 v1, v2;
	v3 =	vadd.f32 v63, v3;
	_ =	sdelay $0x1  }
0xff: {  	v1 =	vadd.f32 v1, v3;
	_ =	sdelay $0x1  }
0x100: {  	v1 =	vsub.f32 $0.0e+00, v1;
	_ =	sdelay $0x1  }
0x101: {  	v1 =	vmul.f32 $1.442695020e+00, v1;
	_ =	sdelay $0x1  }
0x102: {  	(erf) = vpow2.f32 v1;
	_ =	sdelay $0x8  }
0x103: {  	v1 =	vpop (erf)  }
0x104: {  	v1 =	vadd.f32 $1.000000000e+00, v1;
	_ =	sdelay $0x1  }
0x105: {  	(erf) = vrcp.f32 v1;
	_ =	sdelay $0x8  }
0x106: {  	v1 =	vpop (erf)  }
0x107: {  	s31 =	simm.s32 $0x10;
	s24 =	simm.s32 $0x410;
	[tilespmem:s21+$0x0] =	vst v1  }
0x108: {  	s25 =	simm.s32 $0x20;
	s23 =	simm.s32 $0x18000;
	v2 =	vmov s31;
	v1 =	vld [tilespmem:s24+$0x0]  }
.LBB2_2:
0x109: {  	p0 =	sne.s32 s25, $0x1F0;
	v2 =	vshll.u32 v2, $0x6  }
0x10a: {  	v2 =	vor.u32 v0, v2;
	_ =	sdelay $0x1  }
0x10b: {  	v3 =	vor.u32 $0x1, v2  }
0x10c: {  	v4 =	vadd.s32 $0x3E8, v1  }
0x10d: {  	v5 =	vor.u32 $0x2, v2  }
0x10e: {  	v7 =	vadd.s32 $0x7D0, v1;
	v6 =	vld.idx.msk [tilespmem:v2+s13+$0x0], $0xffff  }
0x10f: {  	v9 =	vor.u32 $0x3, v2;
	v8 =	vld.idx.msk [tilespmem:v1+s9+$0x0], $0xffff  }
0x110: {  	v10 =	vadd.s32 $0xBB8, v1;
	v3 =	vld.idx.msk [tilespmem:v3+s13+$0x0], $0xffff  }
0x111: {  	v11 =	vor.u32 $0x4, v2;
	v4 =	vld.idx.msk [tilespmem:v4+s9+$0x0], $0xffff  }
0x112: {  	v12 =	vadd.s32 $0xFA0, v1;
	v5 =	vld.idx.msk [tilespmem:v5+s13+$0x0], $0xffff  }
0x113: {  	v13 =	vor.u32 $0x5, v2;
	v7 =	vld.idx.msk [tilespmem:v7+s9+$0x0], $0xffff  }
0x114: {  	v14 =	vadd.s32 $0x1388, v1;
	v9 =	vld.idx.msk [tilespmem:v9+s13+$0x0], $0xffff  }
0x115: {  	v6 =	vmul.f32 v8, v6;
	v8 =	vld.idx.msk [tilespmem:v10+s9+$0x0], $0xffff;
	v10 =	vor.u32 $0x6, v2  }
0x116: {  	v15 =	vadd.s32 $0x1770, v1;
	v11 =	vld.idx.msk [tilespmem:v11+s13+$0x0], $0xffff  }
0x117: {  	v6 =	vadd.f32 $0.0e+00, v6;
	v3 =	vmul.f32 v4, v3;
	v4 =	vld.idx.msk [tilespmem:v12+s9+$0x0], $0xffff;
	v12 =	vor.u32 $0x7, v2  }
0x118: {  	v16 =	vadd.s32 $0x1B58, v1;
	v13 =	vld.idx.msk [tilespmem:v13+s13+$0x0], $0xffff  }
0x119: {  	v3 =	vadd.f32 v3, v6;
	v5 =	vmul.f32 v7, v5;
	v7 =	vor.u32 $0x8, v2;
	v6 =	vld.idx.msk [tilespmem:v14+s9+$0x0], $0xffff  }
0x11a: {  	v14 =	vadd.s32 $0x1F40, v1;
	v10 =	vld.idx.msk [tilespmem:v10+s13+$0x0], $0xffff  }
0x11b: {  	v3 =	vadd.f32 v5, v3;
	v5 =	vmul.f32 v8, v9;
	v9 =	vor.u32 $0x9, v2;
	v8 =	vld.idx.msk [tilespmem:v15+s9+$0x0], $0xffff  }
0x11c: {  	v15 =	vadd.s32 $0x2328, v1;
	v12 =	vld.idx.msk [tilespmem:v12+s13+$0x0], $0xffff  }
0x11d: {  	v3 =	vadd.f32 v5, v3;
	v4 =	vmul.f32 v4, v11;
	v11 =	vor.u32 $0xA, v2;
	v5 =	vld.idx.msk [tilespmem:v16+s9+$0x0], $0xffff  }
0x11e: {  	v16 =	vadd.s32 $0x2710, v1;
	v7 =	vld.idx.msk [tilespmem:v7+s13+$0x0], $0xffff  }
0x11f: {  	v3 =	vadd.f32 v4, v3;
	v4 =	vmul.f32 v6, v13;
	v13 =	vor.u32 $0xB, v2;
	v6 =	vld.idx.msk [tilespmem:v14+s9+$0x0], $0xffff  }
0x120: {  	v14 =	vadd.s32 $0x2AF8, v1;
	v9 =	vld.idx.msk [tilespmem:v9+s13+$0x0], $0xffff  }
0x121: {  	v3 =	vadd.f32 v4, v3;
	v4 =	vmul.f32 v8, v10;
	v10 =	vor.u32 $0xC, v2;
	v8 =	vld.idx.msk [tilespmem:v15+s9+$0x0], $0xffff  }
0x122: {  	v15 =	vadd.s32 $0x2EE0, v1;
	v11 =	vld.idx.msk [tilespmem:v11+s13+$0x0], $0xffff  }
0x123: {  	v3 =	vadd.f32 v4, v3;
	v4 =	vmul.f32 v5, v12;
	v12 =	vor.u32 $0xD, v2;
	v5 =	vld.idx.msk [tilespmem:v16+s9+$0x0], $0xffff  }
0x124: {  	v16 =	vadd.s32 $0x32C8, v1;
	v13 =	vld.idx.msk [tilespmem:v13+s13+$0x0], $0xffff  }
0x125: {  	v3 =	vadd.f32 v4, v3;
	v4 =	vmul.f32 v6, v7;
	v7 =	vor.u32 $0xE, v2;
	v6 =	vld.idx.msk [tilespmem:v14+s9+$0x0], $0xffff  }
0x126: {  	v14 =	vadd.s32 $0x36B0, v1;
	v10 =	vld.idx.msk [tilespmem:v10+s13+$0x0], $0xffff  }
0x127: {  	v3 =	vadd.f32 v4, v3;
	v4 =	vmul.f32 v8, v9;
	v9 =	vor.u32 $0xF, v2;
	v8 =	vld.idx.msk [tilespmem:v15+s9+$0x0], $0xffff  }
0x128: {  	v15 =	vadd.s32 $0x3A98, v1;
	v12 =	vld.idx.msk [tilespmem:v12+s13+$0x0], $0xffff  }
0x129: {  	v3 =	vadd.f32 v4, v3;
	v4 =	vmul.f32 v5, v11;
	v11 =	vor.u32 $0x10, v2;
	v5 =	vld.idx.msk [tilespmem:v16+s9+$0x0], $0xffff  }
0x12a: {  	v16 =	vadd.s32 $0x3E80, v1;
	v7 =	vld.idx.msk [tilespmem:v7+s13+$0x0], $0xffff  }
0x12b: {  	v3 =	vadd.f32 v4, v3;
	v4 =	vmul.f32 v6, v13;
	v13 =	vor.u32 $0x11, v2;
	v6 =	vld.idx.msk [tilespmem:v14+s9+$0x0], $0xffff  }
0x12c: {  	v14 =	vadd.s32 $0x4268, v1;
	v9 =	vld.idx.msk [tilespmem:v9+s13+$0x0], $0xffff  }
0x12d: {  	v3 =	vadd.f32 v4, v3;
	v4 =	vmul.f32 v8, v10;
	v10 =	vor.u32 $0x12, v2;
	v8 =	vld.idx.msk [tilespmem:v15+s9+$0x0], $0xffff  }
0x12e: {  	v15 =	vadd.s32 $0x4650, v1;
	v11 =	vld.idx.msk [tilespmem:v11+s13+$0x0], $0xffff  }
0x12f: {  	v3 =	vadd.f32 v4, v3;
	v4 =	vmul.f32 v5, v12;
	v12 =	vor.u32 $0x13, v2;
	v5 =	vld.idx.msk [tilespmem:v16+s9+$0x0], $0xffff  }
0x130: {  	v16 =	vadd.s32 $0x4A38, v1;
	v13 =	vld.idx.msk [tilespmem:v13+s13+$0x0], $0xffff  }
0x131: {  	v3 =	vadd.f32 v4, v3;
	v4 =	vmul.f32 v6, v7;
	v7 =	vor.u32 $0x14, v2;
	v6 =	vld.idx.msk [tilespmem:v14+s9+$0x0], $0xffff  }
0x132: {  	v14 =	vadd.s32 $0x4E20, v1;
	v10 =	vld.idx.msk [tilespmem:v10+s13+$0x0], $0xffff  }
0x133: {  	v3 =	vadd.f32 v4, v3;
	v4 =	vmul.f32 v8, v9;
	v9 =	vor.u32 $0x15, v2;
	v8 =	vld.idx.msk [tilespmem:v15+s9+$0x0], $0xffff  }
0x134: {  	v15 =	vadd.s32 $0x5208, v1;
	v12 =	vld.idx.msk [tilespmem:v12+s13+$0x0], $0xffff  }
0x135: {  	v3 =	vadd.f32 v4, v3;
	v4 =	vmul.f32 v5, v11;
	v11 =	vor.u32 $0x16, v2;
	v5 =	vld.idx.msk [tilespmem:v16+s9+$0x0], $0xffff  }
0x136: {  	v16 =	vadd.s32 $0x55F0, v1;
	v7 =	vld.idx.msk [tilespmem:v7+s13+$0x0], $0xffff  }
0x137: {  	v3 =	vadd.f32 v4, v3;
	v4 =	vmul.f32 v6, v13;
	v13 =	vor.u32 $0x17, v2;
	v6 =	vld.idx.msk [tilespmem:v14+s9+$0x0], $0xffff  }
0x138: {  	v14 =	vadd.s32 $0x59D8, v1;
	v9 =	vld.idx.msk [tilespmem:v9+s13+$0x0], $0xffff  }
0x139: {  	v3 =	vadd.f32 v4, v3;
	v4 =	vmul.f32 v8, v10;
	v10 =	vor.u32 $0x18, v2;
	v8 =	vld.idx.msk [tilespmem:v15+s9+$0x0], $0xffff  }
0x13a: {  	v15 =	vadd.s32 $0x5DC0, v1;
	v11 =	vld.idx.msk [tilespmem:v11+s13+$0x0], $0xffff  }
0x13b: {  	v3 =	vadd.f32 v4, v3;
	v4 =	vmul.f32 v5, v12;
	v12 =	vor.u32 $0x19, v2;
	v5 =	vld.idx.msk [tilespmem:v16+s9+$0x0], $0xffff  }
0x13c: {  	v16 =	vadd.s32 $0x61A8, v1;
	v13 =	vld.idx.msk [tilespmem:v13+s13+$0x0], $0xffff  }
0x13d: {  	v3 =	vadd.f32 v4, v3;
	v4 =	vmul.f32 v6, v7;
	v7 =	vor.u32 $0x1A, v2;
	v6 =	vld.idx.msk [tilespmem:v14+s9+$0x0], $0xffff  }
0x13e: {  	v14 =	vadd.s32 $0x6590, v1;
	v10 =	vld.idx.msk [tilespmem:v10+s13+$0x0], $0xffff  }
0x13f: {  	v3 =	vadd.f32 v4, v3;
	v4 =	vmul.f32 v8, v9;
	v9 =	vor.u32 $0x1B, v2;
	v8 =	vld.idx.msk [tilespmem:v15+s9+$0x0], $0xffff  }
0x140: {  	v15 =	vadd.s32 $0x6978, v1;
	v12 =	vld.idx.msk [tilespmem:v12+s13+$0x0], $0xffff  }
0x141: {  	v3 =	vadd.f32 v4, v3;
	v4 =	vmul.f32 v5, v11;
	v11 =	vor.u32 $0x1C, v2;
	v5 =	vld.idx.msk [tilespmem:v16+s9+$0x0], $0xffff  }
0x142: {  	v16 =	vadd.s32 $0x6D60, v1;
	v7 =	vld.idx.msk [tilespmem:v7+s13+$0x0], $0xffff  }
0x143: {  	v3 =	vadd.f32 v4, v3;
	v4 =	vmul.f32 v6, v13;
	v13 =	vor.u32 $0x1D, v2;
	v6 =	vld.idx.msk [tilespmem:v14+s9+$0x0], $0xffff  }
0x144: {  	v14 =	vadd.s32 $0x7148, v1;
	v9 =	vld.idx.msk [tilespmem:v9+s13+$0x0], $0xffff  }
0x145: {  	v3 =	vadd.f32 v4, v3;
	v4 =	vmul.f32 v8, v10;
	v10 =	vor.u32 $0x1E, v2;
	v8 =	vld.idx.msk [tilespmem:v15+s9+$0x0], $0xffff  }
0x146: {  	v15 =	vadd.s32 $0x7530, v1;
	v11 =	vld.idx.msk [tilespmem:v11+s13+$0x0], $0xffff  }
0x147: {  	v3 =	vadd.f32 v4, v3;
	v4 =	vmul.f32 v5, v12;
	v12 =	vor.u32 $0x1F, v2;
	v5 =	vld.idx.msk [tilespmem:v16+s9+$0x0], $0xffff  }
0x148: {  	v16 =	vadd.s32 $0x7918, v1;
	v13 =	vld.idx.msk [tilespmem:v13+s13+$0x0], $0xffff  }
0x149: {  	v3 =	vadd.f32 v4, v3;
	v4 =	vmul.f32 v6, v7;
	v7 =	vor.u32 $0x20, v2;
	v6 =	vld.idx.msk [tilespmem:v14+s9+$0x0], $0xffff  }
0x14a: {  	v14 =	vadd.s32 $0x7D00, v1;
	v10 =	vld.idx.msk [tilespmem:v10+s13+$0x0], $0xffff  }
0x14b: {  	v3 =	vadd.f32 v4, v3;
	v4 =	vmul.f32 v8, v9;
	v9 =	vor.u32 $0x21, v2;
	v8 =	vld.idx.msk [tilespmem:v15+s9+$0x0], $0xffff  }
0x14c: {  	v15 =	vadd.s32 $0x80E8, v1;
	v12 =	vld.idx.msk [tilespmem:v12+s13+$0x0], $0xffff  }
0x14d: {  	v3 =	vadd.f32 v4, v3;
	v4 =	vmul.f32 v5, v11;
	v11 =	vor.u32 $0x22, v2;
	v5 =	vld.idx.msk [tilespmem:v16+s9+$0x0], $0xffff  }
0x14e: {  	v16 =	vadd.s32 $0x84D0, v1;
	v7 =	vld.idx.msk [tilespmem:v7+s13+$0x0], $0xffff  }
0x14f: {  	v3 =	vadd.f32 v4, v3;
	v4 =	vmul.f32 v6, v13;
	v13 =	vor.u32 $0x23, v2;
	v6 =	vld.idx.msk [tilespmem:v14+s9+$0x0], $0xffff  }
0x150: {  	v14 =	vadd.s32 $0x88B8, v1;
	v9 =	vld.idx.msk [tilespmem:v9+s13+$0x0], $0xffff  }
0x151: {  	v3 =	vadd.f32 v4, v3;
	v4 =	vmul.f32 v8, v10;
	v10 =	vor.u32 $0x24, v2;
	v8 =	vld.idx.msk [tilespmem:v15+s9+$0x0], $0xffff  }
0x152: {  	v15 =	vadd.s32 $0x8CA0, v1;
	v11 =	vld.idx.msk [tilespmem:v11+s13+$0x0], $0xffff  }
0x153: {  	v3 =	vadd.f32 v4, v3;
	v4 =	vmul.f32 v5, v12;
	v12 =	vor.u32 $0x25, v2;
	v5 =	vld.idx.msk [tilespmem:v16+s9+$0x0], $0xffff  }
0x154: {  	v16 =	vadd.s32 $0x9088, v1;
	v13 =	vld.idx.msk [tilespmem:v13+s13+$0x0], $0xffff  }
0x155: {  	v3 =	vadd.f32 v4, v3;
	v4 =	vmul.f32 v6, v7;
	v7 =	vor.u32 $0x26, v2;
	v6 =	vld.idx.msk [tilespmem:v14+s9+$0x0], $0xffff  }
0x156: {  	v14 =	vadd.s32 $0x9470, v1;
	v10 =	vld.idx.msk [tilespmem:v10+s13+$0x0], $0xffff  }
0x157: {  	v3 =	vadd.f32 v4, v3;
	v4 =	vmul.f32 v8, v9;
	v9 =	vor.u32 $0x27, v2;
	v8 =	vld.idx.msk [tilespmem:v15+s9+$0x0], $0xffff  }
0x158: {  	v15 =	vadd.s32 $0x9858, v1;
	v12 =	vld.idx.msk [tilespmem:v12+s13+$0x0], $0xffff  }
0x159: {  	v3 =	vadd.f32 v4, v3;
	v4 =	vmul.f32 v5, v11;
	v11 =	vor.u32 $0x28, v2;
	v5 =	vld.idx.msk [tilespmem:v16+s9+$0x0], $0xffff  }
0x15a: {  	v16 =	vadd.s32 $0x9C40, v1;
	v7 =	vld.idx.msk [tilespmem:v7+s13+$0x0], $0xffff  }
0x15b: {  	v3 =	vadd.f32 v4, v3;
	v4 =	vmul.f32 v6, v13;
	v13 =	vor.u32 $0x29, v2;
	v6 =	vld.idx.msk [tilespmem:v14+s9+$0x0], $0xffff  }
0x15c: {  	v14 =	vadd.s32 $0xA028, v1;
	v9 =	vld.idx.msk [tilespmem:v9+s13+$0x0], $0xffff  }
0x15d: {  	v3 =	vadd.f32 v4, v3;
	v4 =	vmul.f32 v8, v10;
	v10 =	vor.u32 $0x2A, v2;
	v8 =	vld.idx.msk [tilespmem:v15+s9+$0x0], $0xffff  }
0x15e: {  	v15 =	vadd.s32 $0xA410, v1;
	v11 =	vld.idx.msk [tilespmem:v11+s13+$0x0], $0xffff  }
0x15f: {  	v3 =	vadd.f32 v4, v3;
	v4 =	vmul.f32 v5, v12;
	v12 =	vor.u32 $0x2B, v2;
	v5 =	vld.idx.msk [tilespmem:v16+s9+$0x0], $0xffff  }
0x160: {  	v16 =	vadd.s32 $0xA7F8, v1;
	v13 =	vld.idx.msk [tilespmem:v13+s13+$0x0], $0xffff  }
0x161: {  	v3 =	vadd.f32 v4, v3;
	v4 =	vmul.f32 v6, v7;
	v7 =	vor.u32 $0x2C, v2;
	v6 =	vld.idx.msk [tilespmem:v14+s9+$0x0], $0xffff  }
0x162: {  	v14 =	vadd.s32 $0xABE0, v1;
	v10 =	vld.idx.msk [tilespmem:v10+s13+$0x0], $0xffff  }
0x163: {  	v3 =	vadd.f32 v4, v3;
	v4 =	vmul.f32 v8, v9;
	v9 =	vor.u32 $0x2D, v2;
	v8 =	vld.idx.msk [tilespmem:v15+s9+$0x0], $0xffff  }
0x164: {  	v15 =	vadd.s32 $0xAFC8, v1;
	v12 =	vld.idx.msk [tilespmem:v12+s13+$0x0], $0xffff  }
0x165: {  	v3 =	vadd.f32 v4, v3;
	v4 =	vmul.f32 v5, v11;
	v11 =	vor.u32 $0x2E, v2;
	v5 =	vld.idx.msk [tilespmem:v16+s9+$0x0], $0xffff  }
0x166: {  	v16 =	vadd.s32 $0xB3B0, v1;
	v7 =	vld.idx.msk [tilespmem:v7+s13+$0x0], $0xffff  }
0x167: {  	v3 =	vadd.f32 v4, v3;
	v4 =	vmul.f32 v6, v13;
	v13 =	vor.u32 $0x2F, v2;
	v6 =	vld.idx.msk [tilespmem:v14+s9+$0x0], $0xffff  }
0x168: {  	v14 =	vadd.s32 $0xB798, v1;
	v9 =	vld.idx.msk [tilespmem:v9+s13+$0x0], $0xffff  }
0x169: {  	v3 =	vadd.f32 v4, v3;
	v4 =	vmul.f32 v8, v10;
	v10 =	vor.u32 $0x30, v2;
	v8 =	vld.idx.msk [tilespmem:v15+s9+$0x0], $0xffff  }
0x16a: {  	v15 =	vadd.s32 $0xBB80, v1;
	v11 =	vld.idx.msk [tilespmem:v11+s13+$0x0], $0xffff  }
0x16b: {  	v3 =	vadd.f32 v4, v3;
	v4 =	vmul.f32 v5, v12;
	v12 =	vor.u32 $0x31, v2;
	v5 =	vld.idx.msk [tilespmem:v16+s9+$0x0], $0xffff  }
0x16c: {  	v16 =	vadd.s32 $0xBF68, v1;
	v13 =	vld.idx.msk [tilespmem:v13+s13+$0x0], $0xffff  }
0x16d: {  	v3 =	vadd.f32 v4, v3;
	v4 =	vmul.f32 v6, v7;
	v7 =	vor.u32 $0x32, v2;
	v6 =	vld.idx.msk [tilespmem:v14+s9+$0x0], $0xffff  }
0x16e: {  	v14 =	vadd.s32 $0xC350, v1;
	v10 =	vld.idx.msk [tilespmem:v10+s13+$0x0], $0xffff  }
0x16f: {  	v3 =	vadd.f32 v4, v3;
	v4 =	vmul.f32 v8, v9;
	v9 =	vor.u32 $0x33, v2;
	v8 =	vld.idx.msk [tilespmem:v15+s9+$0x0], $0xffff  }
0x170: {  	v15 =	vadd.s32 $0xC738, v1;
	v12 =	vld.idx.msk [tilespmem:v12+s13+$0x0], $0xffff  }
0x171: {  	v3 =	vadd.f32 v4, v3;
	v4 =	vmul.f32 v5, v11;
	v11 =	vor.u32 $0x34, v2;
	v5 =	vld.idx.msk [tilespmem:v16+s9+$0x0], $0xffff  }
0x172: {  	v16 =	vadd.s32 $0xCB20, v1;
	v7 =	vld.idx.msk [tilespmem:v7+s13+$0x0], $0xffff  }
0x173: {  	v3 =	vadd.f32 v4, v3;
	v4 =	vmul.f32 v6, v13;
	v13 =	vor.u32 $0x35, v2;
	v6 =	vld.idx.msk [tilespmem:v14+s9+$0x0], $0xffff  }
0x174: {  	v14 =	vadd.s32 $0xCF08, v1;
	v9 =	vld.idx.msk [tilespmem:v9+s13+$0x0], $0xffff  }
0x175: {  	v3 =	vadd.f32 v4, v3;
	v4 =	vmul.f32 v8, v10;
	v10 =	vor.u32 $0x36, v2;
	v8 =	vld.idx.msk [tilespmem:v15+s9+$0x0], $0xffff  }
0x176: {  	v15 =	vadd.s32 $0xD2F0, v1;
	v11 =	vld.idx.msk [tilespmem:v11+s13+$0x0], $0xffff  }
0x177: {  	v3 =	vadd.f32 v4, v3;
	v4 =	vmul.f32 v5, v12;
	v12 =	vor.u32 $0x37, v2;
	v5 =	vld.idx.msk [tilespmem:v16+s9+$0x0], $0xffff  }
0x178: {  	v16 =	vadd.s32 $0xD6D8, v1;
	v13 =	vld.idx.msk [tilespmem:v13+s13+$0x0], $0xffff  }
0x179: {  	v3 =	vadd.f32 v4, v3;
	v4 =	vmul.f32 v6, v7;
	v7 =	vor.u32 $0x38, v2;
	v6 =	vld.idx.msk [tilespmem:v14+s9+$0x0], $0xffff  }
0x17a: {  	v14 =	vadd.s32 $0xDAC0, v1;
	v10 =	vld.idx.msk [tilespmem:v10+s13+$0x0], $0xffff  }
0x17b: {  	v3 =	vadd.f32 v4, v3;
	v4 =	vmul.f32 v8, v9;
	v9 =	vor.u32 $0x39, v2;
	v8 =	vld.idx.msk [tilespmem:v15+s9+$0x0], $0xffff  }
0x17c: {  	v15 =	vadd.s32 $0xDEA8, v1;
	v12 =	vld.idx.msk [tilespmem:v12+s13+$0x0], $0xffff  }
0x17d: {  	v3 =	vadd.f32 v4, v3;
	v4 =	vmul.f32 v5, v11;
	v11 =	vor.u32 $0x3A, v2;
	v5 =	vld.idx.msk [tilespmem:v16+s9+$0x0], $0xffff  }
0x17e: {  	v16 =	vadd.s32 $0xE290, v1;
	v7 =	vld.idx.msk [tilespmem:v7+s13+$0x0], $0xffff  }
0x17f: {  	v3 =	vadd.f32 v4, v3;
	v4 =	vmul.f32 v6, v13;
	v13 =	vor.u32 $0x3B, v2;
	v6 =	vld.idx.msk [tilespmem:v14+s9+$0x0], $0xffff  }
0x180: {  	v14 =	vadd.s32 $0xE678, v1;
	v9 =	vld.idx.msk [tilespmem:v9+s13+$0x0], $0xffff  }
0x181: {  	v3 =	vadd.f32 v4, v3;
	v4 =	vmul.f32 v8, v10;
	v10 =	vor.u32 $0x3C, v2;
	v8 =	vld.idx.msk [tilespmem:v15+s9+$0x0], $0xffff  }
0x182: {  	v15 =	vadd.s32 $0xEA60, v1;
	v11 =	vld.idx.msk [tilespmem:v11+s13+$0x0], $0xffff  }
0x183: {  	v3 =	vadd.f32 v4, v3;
	v4 =	vmul.f32 v5, v12;
	v12 =	vor.u32 $0x3D, v2;
	v5 =	vld.idx.msk [tilespmem:v16+s9+$0x0], $0xffff  }
0x184: {  	v16 =	vadd.s32 $0xEE48, v1;
	v13 =	vld.idx.msk [tilespmem:v13+s13+$0x0], $0xffff  }
0x185: {  	v3 =	vadd.f32 v4, v3;
	v4 =	vmul.f32 v6, v7;
	v7 =	vor.u32 $0x3E, v2;
	v6 =	vld.idx.msk [tilespmem:v14+s9+$0x0], $0xffff  }
0x186: {  	v14 =	vadd.s32 $0xF230, v1;
	v10 =	vld.idx.msk [tilespmem:v10+s13+$0x0], $0xffff  }
0x187: {  	v2 =	vor.u32 $0x3F, v2;
	v3 =	vadd.f32 v4, v3;
	v4 =	vmul.f32 v8, v9;
	v8 =	vld.idx.msk [tilespmem:v15+s9+$0x0], $0xffff  }
0x188: {  	v1 =	vadd.s32 $0xF618, v1;
	v9 =	vld.idx.msk [tilespmem:v12+s13+$0x0], $0xffff  }
0x189: {  	v3 =	vadd.f32 v4, v3;
	v4 =	vmul.f32 v5, v11;
	v5 =	vld.idx.msk [tilespmem:v16+s9+$0x0], $0xffff  }
0x18a: {  	v7 =	vld.idx.msk [tilespmem:v7+s13+$0x0], $0xffff  }
0x18b: {  	v3 =	vadd.f32 v4, v3;
	v4 =	vmul.f32 v6, v13;
	v6 =	vld.idx.msk [tilespmem:v14+s9+$0x0], $0xffff  }
0x18c: {  	v2 =	vld.idx.msk [tilespmem:v2+s13+$0x0], $0xffff  }
0x18d: {  	v3 =	vadd.f32 v4, v3;
	v4 =	vmul.f32 v8, v10;
	v1 =	vld.idx.msk [tilespmem:v1+s9+$0x0], $0xffff;
	_ =	sdelay $0x1  }
0x18e: {  	v3 =	vadd.f32 v4, v3;
	v4 =	vmul.f32 v5, v9;
	_ =	sdelay $0x1  }
0x18f: {  	v3 =	vadd.f32 v4, v3;
	v4 =	vmul.f32 v6, v7;
	_ =	sdelay $0x1  }
0x190: {  	v3 =	vadd.f32 v4, v3;
	v1 =	vmul.f32 v1, v2;
	_ =	sdelay $0x1  }
0x191: {  	v1 =	vadd.f32 v1, v3;
	_ =	sdelay $0x1  }
0x192: {  	v1 =	vsub.f32 $0.0e+00, v1;
	_ =	sdelay $0x1  }
0x193: {  	v1 =	vmul.f32 $1.442695020e+00, v1;
	_ =	sdelay $0x1  }
0x194: {  	(erf) = vpow2.f32 v1;
	_ =	sdelay $0x8  }
0x195: {  	v1 =	vpop (erf)  }
0x196: {  	v1 =	vadd.f32 $1.000000000e+00, v1;
	_ =	sdelay $0x1  }
0x197: {  	(erf) = vrcp.f32 v1;
	_ =	sdelay $0x6  }
.Ltmp0:
0x198: {  	(pc) =	sbr.rel @p0 .LBB2_2-.Ltmp0, $4  }
0x199: {  	_ = 	snop  }
0x19a: {  	s23 =	sadd.s32 $0x10, s23;
	v1 =	vpop (erf)  }
0x19b: {  	s24 =	sadd.s32 $0x10, s24;
	[tilespmem:s23+$0x0] =	vst v1  }
0x19c: {  	v2 =	vmov s25;
	s25 =	sadd.s32 $0x10, s25;
	v1 =	vld [tilespmem:s24+$0x0]  }
0x19d: {  	_ =	sdelay $0x2  }
0x19e: {  	v2 =	vshll.u32 v2, $0x6  }
0x19f: {  	v2 =	vor.u32 v0, v2  }
0x1a0: {  	v3 =	vor.u32 $0x1, v2  }
0x1a1: {  	v4 =	vadd.s32 $0x3E8, v1  }
0x1a2: {  	v5 =	vor.u32 $0x2, v2  }
0x1a3: {  	v7 =	vadd.s32 $0x7D0, v1;
	v8 =	vld.idx.msk [tilespmem:v1+s9+$0x0], $0xffff  }
0x1a4: {  	v9 =	vor.u32 $0x3, v2;
	v6 =	vld.idx.msk [tilespmem:v2+s13+$0x0], $0xffff  }
0x1a5: {  	v10 =	vadd.s32 $0xBB8, v1;
	v3 =	vld.idx.msk [tilespmem:v3+s13+$0x0], $0xffff  }
0x1a6: {  	v11 =	vor.u32 $0x4, v2;
	v4 =	vld.idx.msk [tilespmem:v4+s9+$0x0], $0xffff  }
0x1a7: {  	v12 =	vadd.s32 $0xFA0, v1;
	v5 =	vld.idx.msk [tilespmem:v5+s13+$0x0], $0xffff  }
0x1a8: {  	v13 =	vor.u32 $0x5, v2;
	v7 =	vld.idx.msk [tilespmem:v7+s9+$0x0], $0xffff  }
0x1a9: {  	v14 =	vadd.s32 $0x1388, v1;
	v9 =	vld.idx.msk [tilespmem:v9+s13+$0x0], $0xffff;
	v6 =	vmul.f32 v8, v6  }
0x1aa: {  	v53 =	vor.u32 $0x6, v2;
	v52 =	vld.idx.msk [tilespmem:v10+s9+$0x0], $0xffff  }
0x1ab: {  	v15 =	vadd.s32 $0x1770, v1;
	v11 =	vld.idx.msk [tilespmem:v11+s13+$0x0], $0xffff;
	v6 =	vadd.f32 $0.0e+00, v6;
	v3 =	vmul.f32 v4, v3  }
0x1ac: {  	v55 =	vor.u32 $0x7, v2;
	v54 =	vld.idx.msk [tilespmem:v12+s9+$0x0], $0xffff  }
0x1ad: {  	v16 =	vadd.s32 $0x1B58, v1;
	v13 =	vld.idx.msk [tilespmem:v13+s13+$0x0], $0xffff;
	v5 =	vmul.f32 v7, v5;
	v3 =	vadd.f32 v3, v6  }
0x1ae: {  	v58 =	vadd.s32 $0x1F40, v1;
	v56 =	vld.idx.msk [tilespmem:v14+s9+$0x0], $0xffff  }
0x1af: {  	v57 =	vor.u32 $0x8, v2;
	v10 =	vld.idx.msk [tilespmem:v53+s13+$0x0], $0xffff;
	v59 =	vmul.f32 v52, v9;
	v3 =	vadd.f32 v5, v3  }
0x1b0: {  	v62 =	vadd.s32 $0x2328, v1;
	v60 =	vld.idx.msk [tilespmem:v15+s9+$0x0], $0xffff  }
0x1b1: {  	v61 =	vor.u32 $0x9, v2;
	v12 =	vld.idx.msk [tilespmem:v55+s13+$0x0], $0xffff;
	v4 =	vmul.f32 v54, v11;
	v3 =	vadd.f32 v59, v3  }
0x1b2: {  	v21 =	vadd.s32 $0x2710, v1;
	v63 =	vld.idx.msk [tilespmem:v16+s9+$0x0], $0xffff  }
0x1b3: {  	v20 =	vor.u32 $0xA, v2;
	v23 =	vld.idx.msk [tilespmem:v58+s9+$0x0], $0xffff;
	v22 =	vmul.f32 v56, v13;
	v3 =	vadd.f32 v4, v3  }
0x1b4: {  	v25 =	vadd.s32 $0x2AF8, v1;
	v7 =	vld.idx.msk [tilespmem:v57+s13+$0x0], $0xffff  }
0x1b5: {  	v24 =	vor.u32 $0xB, v2;
	v27 =	vld.idx.msk [tilespmem:v62+s9+$0x0], $0xffff;
	v26 =	vmul.f32 v60, v10;
	v3 =	vadd.f32 v22, v3  }
0x1b6: {  	v29 =	vadd.s32 $0x2EE0, v1;
	v9 =	vld.idx.msk [tilespmem:v61+s13+$0x0], $0xffff  }
0x1b7: {  	v28 =	vor.u32 $0xC, v2;
	v31 =	vld.idx.msk [tilespmem:v21+s9+$0x0], $0xffff;
	v30 =	vmul.f32 v63, v12;
	v3 =	vadd.f32 v26, v3  }
0x1b8: {  	v33 =	vadd.s32 $0x32C8, v1;
	v11 =	vld.idx.msk [tilespmem:v20+s13+$0x0], $0xffff  }
0x1b9: {  	v32 =	vor.u32 $0xD, v2;
	v35 =	vld.idx.msk [tilespmem:v25+s9+$0x0], $0xffff;
	v34 =	vmul.f32 v23, v7;
	v3 =	vadd.f32 v30, v3  }
0x1ba: {  	v37 =	vadd.s32 $0x36B0, v1;
	v13 =	vld.idx.msk [tilespmem:v24+s13+$0x0], $0xffff  }
0x1bb: {  	v36 =	vor.u32 $0xE, v2;
	v39 =	vld.idx.msk [tilespmem:v29+s9+$0x0], $0xffff;
	v38 =	vmul.f32 v27, v9;
	v3 =	vadd.f32 v34, v3  }
0x1bc: {  	v41 =	vadd.s32 $0x3A98, v1;
	v10 =	vld.idx.msk [tilespmem:v28+s13+$0x0], $0xffff  }
0x1bd: {  	v40 =	vor.u32 $0xF, v2;
	v43 =	vld.idx.msk [tilespmem:v33+s9+$0x0], $0xffff;
	v42 =	vmul.f32 v31, v11;
	v3 =	vadd.f32 v38, v3  }
0x1be: {  	v45 =	vadd.s32 $0x3E80, v1;
	v12 =	vld.idx.msk [tilespmem:v32+s13+$0x0], $0xffff  }
0x1bf: {  	v44 =	vor.u32 $0x10, v2;
	v47 =	vld.idx.msk [tilespmem:v37+s9+$0x0], $0xffff;
	v46 =	vmul.f32 v35, v13;
	v3 =	vadd.f32 v42, v3  }
0x1c0: {  	v48 =	vor.u32 $0x11, v2;
	v7 =	vld.idx.msk [tilespmem:v36+s13+$0x0], $0xffff  }
0x1c1: {  	v49 =	vadd.s32 $0x4268, v1;
	v51 =	vld.idx.msk [tilespmem:v41+s9+$0x0], $0xffff;
	v50 =	vmul.f32 v39, v10;
	v3 =	vadd.f32 v46, v3  }
0x1c2: {  	v53 =	vadd.s32 $0x4650, v1;
	v9 =	vld.idx.msk [tilespmem:v40+s13+$0x0], $0xffff  }
0x1c3: {  	v55 =	vld.idx.msk [tilespmem:v45+s9+$0x0], $0xffff;
	v52 =	vor.u32 $0x12, v2;
	v54 =	vmul.f32 v43, v12;
	v3 =	vadd.f32 v50, v3  }
0x1c4: {  	v56 =	vor.u32 $0x13, v2;
	v11 =	vld.idx.msk [tilespmem:v44+s13+$0x0], $0xffff  }
0x1c5: {  	v57 =	vadd.s32 $0x4A38, v1;
	v13 =	vld.idx.msk [tilespmem:v48+s13+$0x0], $0xffff;
	v58 =	vmul.f32 v47, v7;
	v3 =	vadd.f32 v54, v3  }
0x1c6: {  	v61 =	vadd.s32 $0x4E20, v1;
	v59 =	vld.idx.msk [tilespmem:v49+s9+$0x0], $0xffff  }
0x1c7: {  	v60 =	vor.u32 $0x14, v2;
	v63 =	vld.idx.msk [tilespmem:v53+s9+$0x0], $0xffff;
	v62 =	vmul.f32 v51, v9;
	v3 =	vadd.f32 v58, v3  }
0x1c8: {  	v21 =	vadd.s32 $0x5208, v1;
	v10 =	vld.idx.msk [tilespmem:v52+s13+$0x0], $0xffff  }
0x1c9: {  	v20 =	vor.u32 $0x15, v2;
	v12 =	vld.idx.msk [tilespmem:v56+s13+$0x0], $0xffff;
	v22 =	vmul.f32 v55, v11;
	v3 =	vadd.f32 v62, v3  }
0x1ca: {  	v25 =	vadd.s32 $0x55F0, v1;
	v23 =	vld.idx.msk [tilespmem:v57+s9+$0x0], $0xffff  }
0x1cb: {  	v24 =	vor.u32 $0x16, v2;
	v27 =	vld.idx.msk [tilespmem:v61+s9+$0x0], $0xffff;
	v26 =	vmul.f32 v59, v13;
	v3 =	vadd.f32 v22, v3  }
0x1cc: {  	v29 =	vadd.s32 $0x59D8, v1;
	v7 =	vld.idx.msk [tilespmem:v60+s13+$0x0], $0xffff  }
0x1cd: {  	v28 =	vor.u32 $0x17, v2;
	v31 =	vld.idx.msk [tilespmem:v21+s9+$0x0], $0xffff;
	v30 =	vmul.f32 v63, v10;
	v3 =	vadd.f32 v26, v3  }
0x1ce: {  	v33 =	vadd.s32 $0x5DC0, v1;
	v9 =	vld.idx.msk [tilespmem:v20+s13+$0x0], $0xffff  }
0x1cf: {  	v32 =	vor.u32 $0x18, v2;
	v35 =	vld.idx.msk [tilespmem:v25+s9+$0x0], $0xffff;
	v34 =	vmul.f32 v23, v12;
	v3 =	vadd.f32 v30, v3  }
0x1d0: {  	v37 =	vadd.s32 $0x61A8, v1;
	v11 =	vld.idx.msk [tilespmem:v24+s13+$0x0], $0xffff  }
0x1d1: {  	v36 =	vor.u32 $0x19, v2;
	v39 =	vld.idx.msk [tilespmem:v29+s9+$0x0], $0xffff;
	v38 =	vmul.f32 v27, v7;
	v3 =	vadd.f32 v34, v3  }
0x1d2: {  	v41 =	vadd.s32 $0x6590, v1;
	v13 =	vld.idx.msk [tilespmem:v28+s13+$0x0], $0xffff  }
0x1d3: {  	v40 =	vor.u32 $0x1A, v2;
	v43 =	vld.idx.msk [tilespmem:v33+s9+$0x0], $0xffff;
	v42 =	vmul.f32 v31, v9;
	v3 =	vadd.f32 v38, v3  }
0x1d4: {  	v45 =	vadd.s32 $0x6978, v1;
	v10 =	vld.idx.msk [tilespmem:v32+s13+$0x0], $0xffff  }
0x1d5: {  	v44 =	vor.u32 $0x1B, v2;
	v47 =	vld.idx.msk [tilespmem:v37+s9+$0x0], $0xffff;
	v46 =	vmul.f32 v35, v11;
	v3 =	vadd.f32 v42, v3  }
0x1d6: {  	v49 =	vadd.s32 $0x6D60, v1;
	v12 =	vld.idx.msk [tilespmem:v36+s13+$0x0], $0xffff  }
0x1d7: {  	v48 =	vor.u32 $0x1C, v2;
	v51 =	vld.idx.msk [tilespmem:v41+s9+$0x0], $0xffff;
	v50 =	vmul.f32 v39, v13;
	v3 =	vadd.f32 v46, v3  }
0x1d8: {  	v53 =	vadd.s32 $0x7148, v1;
	v7 =	vld.idx.msk [tilespmem:v40+s13+$0x0], $0xffff  }
0x1d9: {  	v52 =	vor.u32 $0x1D, v2;
	v55 =	vld.idx.msk [tilespmem:v45+s9+$0x0], $0xffff;
	v54 =	vmul.f32 v43, v10;
	v3 =	vadd.f32 v50, v3  }
0x1da: {  	v57 =	vadd.s32 $0x7530, v1;
	v9 =	vld.idx.msk [tilespmem:v44+s13+$0x0], $0xffff  }
0x1db: {  	v56 =	vor.u32 $0x1E, v2;
	v59 =	vld.idx.msk [tilespmem:v49+s9+$0x0], $0xffff;
	v58 =	vmul.f32 v47, v12;
	v3 =	vadd.f32 v54, v3  }
0x1dc: {  	v61 =	vadd.s32 $0x7918, v1;
	v11 =	vld.idx.msk [tilespmem:v48+s13+$0x0], $0xffff  }
0x1dd: {  	v60 =	vor.u32 $0x1F, v2;
	v63 =	vld.idx.msk [tilespmem:v53+s9+$0x0], $0xffff;
	v62 =	vmul.f32 v51, v7;
	v3 =	vadd.f32 v58, v3  }
0x1de: {  	v21 =	vadd.s32 $0x7D00, v1;
	v13 =	vld.idx.msk [tilespmem:v52+s13+$0x0], $0xffff  }
0x1df: {  	v20 =	vor.u32 $0x20, v2;
	v23 =	vld.idx.msk [tilespmem:v57+s9+$0x0], $0xffff;
	v22 =	vmul.f32 v55, v9;
	v3 =	vadd.f32 v62, v3  }
0x1e0: {  	v25 =	vadd.s32 $0x80E8, v1;
	v10 =	vld.idx.msk [tilespmem:v56+s13+$0x0], $0xffff  }
0x1e1: {  	v24 =	vor.u32 $0x21, v2;
	v27 =	vld.idx.msk [tilespmem:v61+s9+$0x0], $0xffff;
	v26 =	vmul.f32 v59, v11;
	v3 =	vadd.f32 v22, v3  }
0x1e2: {  	v29 =	vadd.s32 $0x84D0, v1;
	v12 =	vld.idx.msk [tilespmem:v60+s13+$0x0], $0xffff  }
0x1e3: {  	v28 =	vor.u32 $0x22, v2;
	v31 =	vld.idx.msk [tilespmem:v21+s9+$0x0], $0xffff;
	v30 =	vmul.f32 v63, v13;
	v3 =	vadd.f32 v26, v3  }
0x1e4: {  	v33 =	vadd.s32 $0x88B8, v1;
	v7 =	vld.idx.msk [tilespmem:v20+s13+$0x0], $0xffff  }
0x1e5: {  	v32 =	vor.u32 $0x23, v2;
	v35 =	vld.idx.msk [tilespmem:v25+s9+$0x0], $0xffff;
	v34 =	vmul.f32 v23, v10;
	v3 =	vadd.f32 v30, v3  }
0x1e6: {  	v37 =	vadd.s32 $0x8CA0, v1;
	v9 =	vld.idx.msk [tilespmem:v24+s13+$0x0], $0xffff  }
0x1e7: {  	v36 =	vor.u32 $0x24, v2;
	v39 =	vld.idx.msk [tilespmem:v29+s9+$0x0], $0xffff;
	v38 =	vmul.f32 v27, v12;
	v3 =	vadd.f32 v34, v3  }
0x1e8: {  	v41 =	vadd.s32 $0x9088, v1;
	v11 =	vld.idx.msk [tilespmem:v28+s13+$0x0], $0xffff  }
0x1e9: {  	v40 =	vor.u32 $0x25, v2;
	v43 =	vld.idx.msk [tilespmem:v33+s9+$0x0], $0xffff;
	v42 =	vmul.f32 v31, v7;
	v3 =	vadd.f32 v38, v3  }
0x1ea: {  	v45 =	vadd.s32 $0x9470, v1;
	v13 =	vld.idx.msk [tilespmem:v32+s13+$0x0], $0xffff  }
0x1eb: {  	v44 =	vor.u32 $0x26, v2;
	v47 =	vld.idx.msk [tilespmem:v37+s9+$0x0], $0xffff;
	v46 =	vmul.f32 v35, v9;
	v3 =	vadd.f32 v42, v3  }
0x1ec: {  	v49 =	vadd.s32 $0x9858, v1;
	v10 =	vld.idx.msk [tilespmem:v36+s13+$0x0], $0xffff  }
0x1ed: {  	v48 =	vor.u32 $0x27, v2;
	v51 =	vld.idx.msk [tilespmem:v41+s9+$0x0], $0xffff;
	v50 =	vmul.f32 v39, v11;
	v3 =	vadd.f32 v46, v3  }
0x1ee: {  	v53 =	vadd.s32 $0x9C40, v1;
	v12 =	vld.idx.msk [tilespmem:v40+s13+$0x0], $0xffff  }
0x1ef: {  	v52 =	vor.u32 $0x28, v2;
	v55 =	vld.idx.msk [tilespmem:v45+s9+$0x0], $0xffff;
	v54 =	vmul.f32 v43, v13;
	v3 =	vadd.f32 v50, v3  }
0x1f0: {  	v57 =	vadd.s32 $0xA028, v1;
	v7 =	vld.idx.msk [tilespmem:v44+s13+$0x0], $0xffff  }
0x1f1: {  	v56 =	vor.u32 $0x29, v2;
	v59 =	vld.idx.msk [tilespmem:v49+s9+$0x0], $0xffff;
	v58 =	vmul.f32 v47, v10;
	v3 =	vadd.f32 v54, v3  }
0x1f2: {  	v61 =	vadd.s32 $0xA410, v1;
	v9 =	vld.idx.msk [tilespmem:v48+s13+$0x0], $0xffff  }
0x1f3: {  	v60 =	vor.u32 $0x2A, v2;
	v63 =	vld.idx.msk [tilespmem:v53+s9+$0x0], $0xffff;
	v62 =	vmul.f32 v51, v12;
	v3 =	vadd.f32 v58, v3  }
0x1f4: {  	v21 =	vadd.s32 $0xA7F8, v1;
	v11 =	vld.idx.msk [tilespmem:v52+s13+$0x0], $0xffff  }
0x1f5: {  	v20 =	vor.u32 $0x2B, v2;
	v23 =	vld.idx.msk [tilespmem:v57+s9+$0x0], $0xffff;
	v22 =	vmul.f32 v55, v7;
	v3 =	vadd.f32 v62, v3  }
0x1f6: {  	v25 =	vadd.s32 $0xABE0, v1;
	v13 =	vld.idx.msk [tilespmem:v56+s13+$0x0], $0xffff  }
0x1f7: {  	v24 =	vor.u32 $0x2C, v2;
	v27 =	vld.idx.msk [tilespmem:v61+s9+$0x0], $0xffff;
	v26 =	vmul.f32 v59, v9;
	v3 =	vadd.f32 v22, v3  }
0x1f8: {  	v29 =	vadd.s32 $0xAFC8, v1;
	v10 =	vld.idx.msk [tilespmem:v60+s13+$0x0], $0xffff  }
0x1f9: {  	v28 =	vor.u32 $0x2D, v2;
	v31 =	vld.idx.msk [tilespmem:v21+s9+$0x0], $0xffff;
	v30 =	vmul.f32 v63, v11;
	v3 =	vadd.f32 v26, v3  }
0x1fa: {  	v33 =	vadd.s32 $0xB3B0, v1;
	v12 =	vld.idx.msk [tilespmem:v20+s13+$0x0], $0xffff  }
0x1fb: {  	v32 =	vor.u32 $0x2E, v2;
	v35 =	vld.idx.msk [tilespmem:v25+s9+$0x0], $0xffff;
	v34 =	vmul.f32 v23, v13;
	v3 =	vadd.f32 v30, v3  }
0x1fc: {  	v37 =	vadd.s32 $0xB798, v1;
	v7 =	vld.idx.msk [tilespmem:v24+s13+$0x0], $0xffff  }
0x1fd: {  	v36 =	vor.u32 $0x2F, v2;
	v39 =	vld.idx.msk [tilespmem:v29+s9+$0x0], $0xffff;
	v38 =	vmul.f32 v27, v10;
	v3 =	vadd.f32 v34, v3  }
0x1fe: {  	v41 =	vadd.s32 $0xBB80, v1;
	v9 =	vld.idx.msk [tilespmem:v28+s13+$0x0], $0xffff  }
0x1ff: {  	v40 =	vor.u32 $0x30, v2;
	v43 =	vld.idx.msk [tilespmem:v33+s9+$0x0], $0xffff;
	v42 =	vmul.f32 v31, v12;
	v3 =	vadd.f32 v38, v3  }
0x200: {  	v45 =	vadd.s32 $0xBF68, v1;
	v11 =	vld.idx.msk [tilespmem:v32+s13+$0x0], $0xffff  }
0x201: {  	v44 =	vor.u32 $0x31, v2;
	v47 =	vld.idx.msk [tilespmem:v37+s9+$0x0], $0xffff;
	v46 =	vmul.f32 v35, v7;
	v3 =	vadd.f32 v42, v3  }
0x202: {  	v49 =	vadd.s32 $0xC350, v1;
	v13 =	vld.idx.msk [tilespmem:v36+s13+$0x0], $0xffff  }
0x203: {  	v48 =	vor.u32 $0x32, v2;
	v51 =	vld.idx.msk [tilespmem:v41+s9+$0x0], $0xffff;
	v50 =	vmul.f32 v39, v9;
	v3 =	vadd.f32 v46, v3  }
0x204: {  	v53 =	vadd.s32 $0xC738, v1;
	v10 =	vld.idx.msk [tilespmem:v40+s13+$0x0], $0xffff  }
0x205: {  	v52 =	vor.u32 $0x33, v2;
	v55 =	vld.idx.msk [tilespmem:v45+s9+$0x0], $0xffff;
	v54 =	vmul.f32 v43, v11;
	v3 =	vadd.f32 v50, v3  }
0x206: {  	v57 =	vadd.s32 $0xCB20, v1;
	v12 =	vld.idx.msk [tilespmem:v44+s13+$0x0], $0xffff  }
0x207: {  	v56 =	vor.u32 $0x34, v2;
	v59 =	vld.idx.msk [tilespmem:v49+s9+$0x0], $0xffff;
	v58 =	vmul.f32 v47, v13;
	v3 =	vadd.f32 v54, v3  }
0x208: {  	v61 =	vadd.s32 $0xCF08, v1;
	v7 =	vld.idx.msk [tilespmem:v48+s13+$0x0], $0xffff  }
0x209: {  	v60 =	vor.u32 $0x35, v2;
	v63 =	vld.idx.msk [tilespmem:v53+s9+$0x0], $0xffff;
	v62 =	vmul.f32 v51, v10;
	v3 =	vadd.f32 v58, v3  }
0x20a: {  	v21 =	vadd.s32 $0xD2F0, v1;
	v9 =	vld.idx.msk [tilespmem:v52+s13+$0x0], $0xffff  }
0x20b: {  	v20 =	vor.u32 $0x36, v2;
	v23 =	vld.idx.msk [tilespmem:v57+s9+$0x0], $0xffff;
	v22 =	vmul.f32 v55, v12;
	v3 =	vadd.f32 v62, v3  }
0x20c: {  	v25 =	vadd.s32 $0xD6D8, v1;
	v11 =	vld.idx.msk [tilespmem:v56+s13+$0x0], $0xffff  }
0x20d: {  	v24 =	vor.u32 $0x37, v2;
	v27 =	vld.idx.msk [tilespmem:v61+s9+$0x0], $0xffff;
	v26 =	vmul.f32 v59, v7;
	v3 =	vadd.f32 v22, v3  }
0x20e: {  	v29 =	vadd.s32 $0xDAC0, v1;
	v13 =	vld.idx.msk [tilespmem:v60+s13+$0x0], $0xffff  }
0x20f: {  	v28 =	vor.u32 $0x38, v2;
	v31 =	vld.idx.msk [tilespmem:v21+s9+$0x0], $0xffff;
	v30 =	vmul.f32 v63, v9;
	v3 =	vadd.f32 v26, v3  }
0x210: {  	v33 =	vadd.s32 $0xDEA8, v1;
	v10 =	vld.idx.msk [tilespmem:v20+s13+$0x0], $0xffff  }
0x211: {  	v32 =	vor.u32 $0x39, v2;
	v35 =	vld.idx.msk [tilespmem:v25+s9+$0x0], $0xffff;
	v34 =	vmul.f32 v23, v11;
	v3 =	vadd.f32 v30, v3  }
0x212: {  	v37 =	vadd.s32 $0xE290, v1;
	v12 =	vld.idx.msk [tilespmem:v24+s13+$0x0], $0xffff  }
0x213: {  	v36 =	vor.u32 $0x3A, v2;
	v39 =	vld.idx.msk [tilespmem:v29+s9+$0x0], $0xffff;
	v38 =	vmul.f32 v27, v13;
	v3 =	vadd.f32 v34, v3  }
0x214: {  	v41 =	vadd.s32 $0xE678, v1;
	v7 =	vld.idx.msk [tilespmem:v28+s13+$0x0], $0xffff  }
0x215: {  	v40 =	vor.u32 $0x3B, v2;
	v43 =	vld.idx.msk [tilespmem:v33+s9+$0x0], $0xffff;
	v42 =	vmul.f32 v31, v10;
	v3 =	vadd.f32 v38, v3  }
0x216: {  	v45 =	vadd.s32 $0xEA60, v1;
	v9 =	vld.idx.msk [tilespmem:v32+s13+$0x0], $0xffff  }
0x217: {  	v44 =	vor.u32 $0x3C, v2;
	v47 =	vld.idx.msk [tilespmem:v37+s9+$0x0], $0xffff;
	v46 =	vmul.f32 v35, v12;
	v3 =	vadd.f32 v42, v3  }
0x218: {  	v48 =	vor.u32 $0x3D, v2;
	v11 =	vld.idx.msk [tilespmem:v36+s13+$0x0], $0xffff  }
0x219: {  	v49 =	vadd.s32 $0xEE48, v1;
	v51 =	vld.idx.msk [tilespmem:v41+s9+$0x0], $0xffff;
	v50 =	vmul.f32 v39, v7;
	v3 =	vadd.f32 v46, v3  }
0x21a: {  	v53 =	vadd.s32 $0xF230, v1;
	v13 =	vld.idx.msk [tilespmem:v40+s13+$0x0], $0xffff  }
0x21b: {  	v52 =	vor.u32 $0x3E, v2;
	v55 =	vld.idx.msk [tilespmem:v45+s9+$0x0], $0xffff;
	v54 =	vmul.f32 v43, v9;
	v3 =	vadd.f32 v50, v3  }
0x21c: {  	v1 =	vadd.s32 $0xF618, v1;
	v10 =	vld.idx.msk [tilespmem:v44+s13+$0x0], $0xffff  }
0x21d: {  	v2 =	vor.u32 $0x3F, v2;
	v56 =	vld.idx.msk [tilespmem:v48+s13+$0x0], $0xffff;
	v57 =	vmul.f32 v47, v11;
	v3 =	vadd.f32 v54, v3  }
0x21e: {  	v58 =	vld.idx.msk [tilespmem:v49+s9+$0x0], $0xffff  }
0x21f: {  	v60 =	vld.idx.msk [tilespmem:v53+s9+$0x0], $0xffff;
	v59 =	vmul.f32 v51, v13;
	v3 =	vadd.f32 v57, v3  }
0x220: {  	v7 =	vld.idx.msk [tilespmem:v52+s13+$0x0], $0xffff  }
0x221: {  	v1 =	vld.idx.msk [tilespmem:v1+s9+$0x0], $0xffff;
	v61 =	vmul.f32 v55, v10;
	v3 =	vadd.f32 v59, v3  }
0x222: {  	v2 =	vld.idx.msk [tilespmem:v2+s13+$0x0], $0xffff  }
0x223: {  	v62 =	vmul.f32 v58, v56;
	v3 =	vadd.f32 v61, v3;
	_ =	sdelay $0x1  }
0x224: {  	v63 =	vmul.f32 v60, v7;
	v3 =	vadd.f32 v62, v3;
	_ =	sdelay $0x1  }
0x225: {  	v1 =	vmul.f32 v1, v2;
	v3 =	vadd.f32 v63, v3;
	_ =	sdelay $0x1  }
0x226: {  	v1 =	vadd.f32 v1, v3;
	_ =	sdelay $0x1  }
0x227: {  	v1 =	vsub.f32 $0.0e+00, v1;
	_ =	sdelay $0x1  }
0x228: {  	v1 =	vmul.f32 $1.442695020e+00, v1;
	_ =	sdelay $0x1  }
0x229: {  	(erf) = vpow2.f32 v1;
	_ =	sdelay $0x8  }
0x22a: {  	v1 =	vpop (erf)  }
0x22b: {  	v1 =	vadd.f32 $1.000000000e+00, v1;
	_ =	sdelay $0x1  }
0x22c: {  	(erf) = vrcp.f32 v1;
	_ =	sdelay $0x7  }
0x22d: {  	s22 =	sadd.s32 $0x1, s22  }
0x22e: {  	s23 =	sadd.s32 $0x10, s23;
	p0 =	sne.s32 s22, s8;
	v1 =	vpop (erf)  }
.Ltmp1:
0x22f: {  	[tilespmem:s23+$0x0] =	vst v1;
	(pc) =	sbr.rel @p0 .LBB2_1-.Ltmp1, $4  }
0x230: {  	[hbm4b:s7+s2] =	stream.linear.scatter [tilespmem:s21], [sflag:$0x2], $0x200, $0x38;
	[tilespmem:$0x18200] =	vst v63  }
0x231: {  	_ =	swait.ge [sflag:s10], $0x200  }
0x232: {  	[sflag:s10] =	ssyncset.done $0x0  }
0x233: {  	[sflag:s10] =	ssyncadd.s32 $0xFFFFFE00  }
0x234: {  	_ =	sfence.sel $0x180000  }
0x235: {  	[bflag:$0x0] =	sbarrier.arrive $0xFFFF  }
0x236: {  	p0 =	sne.s32 s1, $0x0;
	_ =	strace $0x90000047  }
0x237: {  	s0 =	sadd.s32 @!p0 $0x100000, s0;
	[bflag:$0x2] =	sbarrier.arrive $0xFFFF  }
0x238: {  	[sflag:s0] =	ssyncadd.tile.s32 @!p0 $0x1;
	_ =	shalt  }
.Lfunc_end2:
_tile_overlayer_lowered:
.L_overlay_start_2:
0x239: {  	(tag) =	ssettag $0x2  }
0x23a: {  	s0 =	rddreg [dreg:$0x0];
	s2 =	stileid.u32  }
0x23b: {  	s1 =	rddreg [dreg:$0x1];
	p0 =	sne.s32 s2, $0x0  }
0x23c: {  	s3 =	rddreg [dreg:$0x2];
	[bflag:$0x3] =	sbarrier.arrive $0xFFFF;
	s2 =	simm.s32 @!p0 $0x1C02  }
0x23d: {  	[timem:s3], [sflag:s2] =	dma.local @!p0 [hbm:s0], s1  }
0x23e: {  	s0 =	simm.s32 @!p0 $0x2  }
0x23f: {  	_ =	swait.ge @!p0 [sflag:s0], s1  }
0x240: {  	s1 =	ssub.s32 @!p0 $0x0, s1;
	[sflag:s0] =	ssyncset.done @!p0 $0x0  }
0x241: {  	[sflag:s0] =	ssyncadd.s32 @!p0 s1  }
0x242: {  	[bflag:$0x3] =	sbarrier.arrive $0xFFFF  }
0x243: {  	_ =	shalt  }

</sc_bundles>
